<compile_context>
chip_gen: v7x
topology: tpu7x:2x2x1
jax: 0.10.2.dev20260603
libtpu: 0.0.44.dev20260713+nightly
codegen_flags: <defaults>
</compile_context>

<pallas_src>
import jax
import jax.numpy as jnp
from jax import lax
from jax.experimental import pallas as pl
from jax.experimental.pallas import tpu as pltpu
from jax.experimental.pallas import tpu_sc as plsc

B = 4096
EMBED = 64
NCOMP = 16
NTAB = 100000
L = 16
NW = 32
GSTEPS = B // L
ND1 = 2 * EMBED + 4 * NCOMP
ND2 = 2 * NCOMP


def _gather_dim(src_t, e, idx_v, row_v, out_v, out_hbm, r_flat):
    pltpu.sync_copy(src_t.at[e, :], row_v)

    def gstep(j, carry):
        iv = idx_v[pl.ds(j * L, L)]
        out_v[pl.ds(j * L, L)] = plsc.load_gather(row_v, [iv])
        return carry

    lax.fori_loop(0, GSTEPS, gstep, 0)
    pltpu.sync_copy(out_v, out_hbm.at[pl.ds(r_flat * B, B)])


def _sc1_body(uid_hbm, iid_hbm, ut_t, it_t, gu0_t, gi0_t, gu1_t, gi1_t,
              out_hbm, uid_v, iid_v, row_v, out_v):
    wid = lax.axis_index("s") * 2 + lax.axis_index("c")
    pltpu.sync_copy(uid_hbm, uid_v)
    pltpu.sync_copy(iid_hbm, iid_v)

    @pl.when(wid < 16)
    def _():
        for j in range(4):
            e = wid * 4 + j
            _gather_dim(ut_t, e, uid_v, row_v, out_v, out_hbm, e)

    @pl.when(wid >= 16)
    def _():
        for j in range(4):
            e = (wid - 16) * 4 + j
            _gather_dim(it_t, e, iid_v, row_v, out_v, out_hbm, EMBED + e)

    for t, (tab, idxv) in enumerate(
            [(gu0_t, uid_v), (gi0_t, iid_v), (gu1_t, uid_v), (gi1_t, iid_v)]):
        @pl.when((wid >= 8 * t) & (wid < 8 * (t + 1)))
        def _(t=t, tab=tab, idxv=idxv):
            for j in range(2):
                e = 2 * (wid - 8 * t) + j
                _gather_dim(tab, e, idxv, row_v, out_v, out_hbm,
                            2 * EMBED + NCOMP * t + e)


def _sc2_body(uid_hbm, iid_hbm, gu2_t, gi2_t,
              out_hbm, uid_v, iid_v, row_v, out_v):
    wid = lax.axis_index("s") * 2 + lax.axis_index("c")
    pltpu.sync_copy(uid_hbm, uid_v)
    pltpu.sync_copy(iid_hbm, iid_v)

    @pl.when(wid < 16)
    def _():
        _gather_dim(gu2_t, wid, uid_v, row_v, out_v, out_hbm, wid)

    @pl.when(wid >= 16)
    def _():
        _gather_dim(gi2_t, wid - 16, iid_v, row_v, out_v, out_hbm, wid)


_SC_SCRATCH = [
    pltpu.VMEM((B,), jnp.int32),
    pltpu.VMEM((B,), jnp.int32),
    pltpu.VMEM((NTAB,), jnp.float32),
    pltpu.VMEM((B,), jnp.float32),
]
_SC_PARAMS = pltpu.CompilerParams(
    needs_layout_passes=False, use_tc_tiling_on_sc=True)
_MESH = plsc.VectorSubcoreMesh(core_axis_name="c", subcore_axis_name="s")

_sc1_call = pl.kernel(
    _sc1_body,
    out_type=jax.ShapeDtypeStruct((ND1 * B,), jnp.float32),
    mesh=_MESH, compiler_params=_SC_PARAMS, scratch_types=_SC_SCRATCH)

_sc2_call = pl.kernel(
    _sc2_body,
    out_type=jax.ShapeDtypeStruct((ND2 * B,), jnp.float32),
    mesh=_MESH, compiler_params=_SC_PARAMS, scratch_types=_SC_SCRATCH)


KB = 512
NBLK = B // KB


def _bf(x):
    return x.astype(jnp.bfloat16).astype(jnp.float32)


def _mxu_layer(prev, d, wcol, b):
    parts = []
    for kb in range(NBLK):
        dk = d[kb * KB:(kb + 1) * KB].reshape(KB, 1)
        m = (prev.reshape(1, B) + dk).astype(jnp.bfloat16)
        y = jax.lax.dot_general(
            m, wcol, (((1,), (0,)), ((), ())),
            preferred_element_type=jnp.float32)
        parts.append(y.reshape(KB) + b)
    return jnp.concatenate(parts)


def _tail1_body(g_ref, w0_ref, w1_ref, b_ref, out_ref):
    def dim(r):
        return g_ref[pl.ds(r * B, B)]

    base = 2 * EMBED
    d0 = jnp.zeros((B,), jnp.float32)
    d1 = jnp.zeros((B,), jnp.float32)
    for c in range(NCOMP):
        d0 = d0 + dim(base + c) * dim(base + NCOMP + c)
        d1 = d1 + dim(base + 2 * NCOMP + c) * dim(base + 3 * NCOMP + c)
    b0 = b_ref[0, 0]
    b1 = b_ref[0, 1]
    out0 = jnp.zeros((B,), jnp.float32)
    for e in range(EMBED):
        x = dim(e) * dim(EMBED + e) + d0
        out0 = out0 + _bf(x) * _bf(w0_ref[0, e])
    out0 = out0 + b0
    w1b = w1_ref[...].astype(jnp.bfloat16).reshape(B, 1)
    out_ref[...] = _mxu_layer(out0, d1, w1b, b1)


def _tail2_body(g_ref, out1_ref, w2_ref, b_ref, out_ref):
    d2 = jnp.zeros((B,), jnp.float32)
    for c in range(NCOMP):
        d2 = d2 + g_ref[pl.ds(c * B, B)] * g_ref[pl.ds((NCOMP + c) * B, B)]
    w2b = w2_ref[...].astype(jnp.bfloat16).reshape(B, 1)
    out_ref[...] = _mxu_layer(out1_ref[...], d2, w2b, b_ref[0, 2])


_tail1_call = pl.pallas_call(
    _tail1_body,
    out_shape=jax.ShapeDtypeStruct((B,), jnp.float32),
    in_specs=[
        pl.BlockSpec(memory_space=pltpu.VMEM),
        pl.BlockSpec(memory_space=pltpu.SMEM),
        pl.BlockSpec(memory_space=pltpu.VMEM),
        pl.BlockSpec(memory_space=pltpu.SMEM),
    ],
    out_specs=pl.BlockSpec(memory_space=pltpu.VMEM),
)

_tail2_call = pl.pallas_call(
    _tail2_body,
    out_shape=jax.ShapeDtypeStruct((B,), jnp.float32),
    in_specs=[
        pl.BlockSpec(memory_space=pltpu.VMEM),
        pl.BlockSpec(memory_space=pltpu.VMEM),
        pl.BlockSpec(memory_space=pltpu.VMEM),
        pl.BlockSpec(memory_space=pltpu.SMEM),
    ],
    out_specs=pl.BlockSpec(memory_space=pltpu.VMEM),
)


def kernel(user_id, item_id, user_table, item_table,
           gcn_user_0, gcn_item_0, W_0, b_0,
           gcn_user_1, gcn_item_1, W_1, b_1,
           gcn_user_2, gcn_item_2, W_2, b_2):
    uid = user_id.reshape(B).astype(jnp.int32)
    iid = item_id.reshape(B).astype(jnp.int32)
    g1 = _sc1_call(uid, iid, user_table.T, item_table.T,
                   gcn_user_0.T, gcn_item_0.T, gcn_user_1.T, gcn_item_1.T)
    g2 = _sc2_call(uid, iid, gcn_user_2.T, gcn_item_2.T)
    b = jnp.concatenate([b_0, b_1, b_2]).reshape(1, 3)
    out1 = _tail1_call(g1, W_0.reshape(1, EMBED), W_1.reshape(B), b)
    out = _tail2_call(g2, out1, W_2.reshape(B), b)
    return out.reshape(B, 1)

# --- scband reference (transcript-rebuilt; emitter-appended) ---
"""Pipeline reference for scband-light-gcn-82343112999420 (READ-ONLY COPY).

The authoritative reference and input builder live on the scoring server;
editing this copy changes nothing except your own understanding.
"""

import jax, jax.numpy as jnp
import numpy as np

NUM_USERS = 100000
NUM_ITEMS = 100000
EMBED = 64
NCOMP = 16
NLAYERS = 3
B = 4096

# Shape trace (faithful to the Keras call with inputs of shape [B, 1]):
# layer 0: output [B,1,64] + dot [B,1,1] -> [B,1,64] -> flatten [B,64] -> Dense(1) -> [B,1]
# layer 1: output [B,1] + dot [B,1,1] broadcasts to [B,B,1] -> flatten [B,B] -> Dense(1) -> [B,1]
# layer 2: same as layer 1. Dense input dims are therefore 64, B, B.
DENSE_IN = [EMBED, B, B]


def setup_inputs(seed: int = 0) -> dict:
    key = jax.random.key(seed)
    ks = jax.random.split(key, 24)
    inp = {}
    inp["user_id"] = jax.random.randint(ks[0], (B, 1), 0, NUM_USERS)
    inp["item_id"] = jax.random.randint(ks[1], (B, 1), 0, NUM_ITEMS)
    inp["user_table"] = jax.random.normal(ks[2], (NUM_USERS, EMBED), dtype=jnp.float32) * 0.05
    inp["item_table"] = jax.random.normal(ks[3], (NUM_ITEMS, EMBED), dtype=jnp.float32) * 0.05
    for l in range(NLAYERS):
        inp[f"gcn_user_{l}"] = jax.random.normal(ks[4 + 4 * l], (NUM_USERS, NCOMP), dtype=jnp.float32) * 0.05
        inp[f"gcn_item_{l}"] = jax.random.normal(ks[5 + 4 * l], (NUM_ITEMS, NCOMP), dtype=jnp.float32) * 0.05
        inp[f"W_{l}"] = jax.random.normal(ks[6 + 4 * l], (DENSE_IN[l], 1), dtype=jnp.float32) * 0.02
        inp[f"b_{l}"] = jnp.zeros((1,), dtype=jnp.float32)
    return inp


def reference(user_id, item_id, user_table, item_table,
              gcn_user_0, gcn_item_0, W_0, b_0,
              gcn_user_1, gcn_item_1, W_1, b_1,
              gcn_user_2, gcn_item_2, W_2, b_2):
    # Embedding lookups: [B,1] indices -> [B,1,EMBED]
    user_embed = user_table[user_id]
    item_embed = item_table[item_id]
    output = user_embed * item_embed  # [B,1,EMBED]
    layers = [
        (gcn_user_0, gcn_item_0, W_0, b_0),
        (gcn_user_1, gcn_item_1, W_1, b_1),
        (gcn_user_2, gcn_item_2, W_2, b_2),
    ]
    for gu_t, gi_t, W, b in layers:
        gu = gu_t[user_id]  # [B,1,NCOMP]
        gi = gi_t[item_id]  # [B,1,NCOMP]
        # keras Dot(axes=2) on two [B,1,NCOMP] tensors -> [B,1,1]
        dot = jnp.sum(gu * gi, axis=2, keepdims=True)
        output = output + dot  # broadcasts ([B,1,64]+[B,1,1]) or ([B,1]+[B,1,1]->[B,B,1])
        output = output.reshape(output.shape[0], -1)  # Flatten
        output = output @ W + b  # Dense(1, linear)
    return output  # [B,1]

if __name__ == "__main__":
    import jax
    _d = setup_inputs()
    print(jax.jit(kernel)(*tuple(_d.values())))

</pallas_src>

<mosaic_0001>
#map = affine_map<(d0, d1) -> (0)>
#map1 = affine_map<(d0, d1) -> (0, 0)>
module attributes {stable_mosaic.version = 14 : i64} {
  func.func @_sc1_body(%arg0: i32, %arg1: i32, %arg2: memref<4096xi32, #tpu.memory_space<hbm>>, %arg3: memref<4096xi32, #tpu.memory_space<hbm>>, %arg4: memref<64x100000xf32, #tpu.memory_space<hbm>>, %arg5: memref<64x100000xf32, #tpu.memory_space<hbm>>, %arg6: memref<16x100000xf32, #tpu.memory_space<hbm>>, %arg7: memref<16x100000xf32, #tpu.memory_space<hbm>>, %arg8: memref<16x100000xf32, #tpu.memory_space<hbm>>, %arg9: memref<16x100000xf32, #tpu.memory_space<hbm>>, %arg10: memref<786432xf32, #tpu.memory_space<hbm>>, %arg11: memref<4096xi32, #tpu.memory_space<vmem>>, %arg12: memref<4096xi32, #tpu.memory_space<vmem>>, %arg13: memref<100000xf32, #tpu.memory_space<vmem>>, %arg14: memref<4096xf32, #tpu.memory_space<vmem>>) attributes {dimension_semantics = [#tpu.dimension_semantics<core_parallel>, #tpu.dimension_semantics<subcore_parallel>], iteration_bounds = array<i64: 2, 16>, scalar_prefetch = 0 : i64, scratch_operands = 4 : i64, tpu.core_type = #tpu.core_type<sc_vector_subcore>, window_params = [{transform_indices = #map}, {transform_indices = #map}, {transform_indices = #map1}, {transform_indices = #map1}, {transform_indices = #map1}, {transform_indices = #map1}, {transform_indices = #map1}, {transform_indices = #map1}, {transform_indices = #map}]} {
    %mul3A = arith.constant 2 : i32
    %mul3A_0 = arith.muli %arg1, %mul3A : i32
    %add3A = arith.addi %mul3A_0, %arg0 : i32
    "tpu.region"() ({
      %run_scoped3A = tpu.sem_alloc : memref<!tpu.dma_semaphore, #tpu.memory_space<semaphore_mem>>
      tpu.enqueue_dma source(%arg2 : memref<4096xi32, #tpu.memory_space<hbm>>) target(%arg11 : memref<4096xi32, #tpu.memory_space<vmem>>) target_semaphore(%run_scoped3A : memref<!tpu.dma_semaphore, #tpu.memory_space<semaphore_mem>>)
      tpu.wait_dma2 semaphore(%run_scoped3A : memref<!tpu.dma_semaphore, #tpu.memory_space<semaphore_mem>>) src(%arg2 : memref<4096xi32, #tpu.memory_space<hbm>>) dst(%arg11 : memref<4096xi32, #tpu.memory_space<vmem>>)
      tpu.yield
    }) : () -> ()
    "tpu.region"() ({
      %run_scoped3A = tpu.sem_alloc : memref<!tpu.dma_semaphore, #tpu.memory_space<semaphore_mem>>
      tpu.enqueue_dma source(%arg3 : memref<4096xi32, #tpu.memory_space<hbm>>) target(%arg12 : memref<4096xi32, #tpu.memory_space<vmem>>) target_semaphore(%run_scoped3A : memref<!tpu.dma_semaphore, #tpu.memory_space<semaphore_mem>>)
      tpu.wait_dma2 semaphore(%run_scoped3A : memref<!tpu.dma_semaphore, #tpu.memory_space<semaphore_mem>>) src(%arg3 : memref<4096xi32, #tpu.memory_space<hbm>>) dst(%arg12 : memref<4096xi32, #tpu.memory_space<vmem>>)
      tpu.yield
    }) : () -> ()
    %lt3A = arith.constant 16 : i32
    %lt3A_1 = arith.cmpi slt, %add3A, %lt3A : i32
    %convert_element_type3A = arith.extui %lt3A_1 : i1 to i32
    %cond3A = arith.constant 0 : i32
    %cond3A_2 = arith.cmpi ne, %convert_element_type3A, %cond3A : i32
    scf.if %cond3A_2 {
      %mul3A_38 = arith.constant 4 : i32
      %mul3A_39 = arith.muli %add3A, %mul3A_38 : i32
      %add3A_40 = arith.constant 0 : i32
      %add3A_41 = arith.addi %mul3A_39, %add3A_40 : i32
      "tpu.region"() ({
        %run_scoped3A = tpu.sem_alloc : memref<!tpu.dma_semaphore, #tpu.memory_space<semaphore_mem>>
        %dma_start3A = arith.constant 0 : i32
        %dma_start3A_85 = tpu.memref_slice %arg4[%add3A_41, %dma_start3A] : memref<64x100000xf32, #tpu.memory_space<hbm>> -> memref<1x100000xf32, #tpu.memory_space<hbm>>
        %dma_start3A_86 = tpu.memref_squeeze %dma_start3A_85 : memref<1x100000xf32, #tpu.memory_space<hbm>> -> memref<100000xf32, #tpu.memory_space<hbm>>
        %dma_start3A_87 = arith.constant 0 : i32
        %dma_start3A_88 = tpu.memref_slice %arg4[%add3A_41, %dma_start3A_87] : memref<64x100000xf32, #tpu.memory_space<hbm>> -> memref<1x100000xf32, #tpu.memory_space<hbm>>
        %dma_start3A_89 = tpu.memref_squeeze %dma_start3A_88 : memref<1x100000xf32, #tpu.memory_space<hbm>> -> memref<100000xf32, #tpu.memory_space<hbm>>
        tpu.enqueue_dma source(%dma_start3A_89 : memref<100000xf32, #tpu.memory_space<hbm>>) target(%arg13 : memref<100000xf32, #tpu.memory_space<vmem>>) target_semaphore(%run_scoped3A : memref<!tpu.dma_semaphore, #tpu.memory_space<semaphore_mem>>)
        %dma_wait3A = arith.constant 0 : i32
        %dma_wait3A_90 = tpu.memref_slice %arg4[%add3A_41, %dma_wait3A] : memref<64x100000xf32, #tpu.memory_space<hbm>> -> memref<1x100000xf32, #tpu.memory_space<hbm>>
        %dma_wait3A_91 = tpu.memref_squeeze %dma_wait3A_90 : memref<1x100000xf32, #tpu.memory_space<hbm>> -> memref<100000xf32, #tpu.memory_space<hbm>>
        %dma_wait3A_92 = arith.constant 0 : i32
        %dma_wait3A_93 = tpu.memref_slice %arg4[%add3A_41, %dma_wait3A_92] : memref<64x100000xf32, #tpu.memory_space<hbm>> -> memref<1x100000xf32, #tpu.memory_space<hbm>>
        %dma_wait3A_94 = tpu.memref_squeeze %dma_wait3A_93 : memref<1x100000xf32, #tpu.memory_space<hbm>> -> memref<100000xf32, #tpu.memory_space<hbm>>
        tpu.wait_dma2 semaphore(%run_scoped3A : memref<!tpu.dma_semaphore, #tpu.memory_space<semaphore_mem>>) src(%dma_wait3A_94 : memref<100000xf32, #tpu.memory_space<hbm>>) dst(%arg13 : memref<100000xf32, #tpu.memory_space<vmem>>)
        tpu.yield
      }) : () -> ()
      %scan3A = arith.constant 0 : i32
      %scan3A_42 = arith.constant 0 : i32
      %scan3A_43 = arith.constant 256 : i32
      %scan3A_44 = arith.addi %scan3A_42, %scan3A_43 : i32
      %scan3A_45 = arith.constant 1 : i32
      scf.for %scan3A_85 = %scan3A_42 to %scan3A_44 step %scan3A_45  : i32 {
        %mul3A_86 = arith.constant 16 : i32
        %mul3A_87 = arith.muli %scan3A_85, %mul3A_86 : i32
        %get3A = arith.index_cast %mul3A_87 : i32 to index
        %get3A_88 = tpu.vector_load %arg11[%get3A] {strides = array<i32>} : memref<4096xi32, #tpu.memory_space<vmem>>, vector<16xi32>,
        %gather3A = tpu.vector_load_idx %arg13[%get3A_88] : memref<100000xf32, #tpu.memory_space<vmem>>[vector<16xi32>], vector<16xf32>,
        %mul3A_89 = arith.constant 16 : i32
        %mul3A_90 = arith.muli %scan3A_85, %mul3A_89 : i32
        %swap3A = arith.index_cast %mul3A_90 : i32 to index
        %swap3A_91 = tpu.vector_load %arg14[%swap3A] {strides = array<i32>} : memref<4096xf32, #tpu.memory_space<vmem>>, vector<16xf32>,
        tpu.vector_store %arg14[%swap3A], %gather3A {strides = array<i32>} : memref<4096xf32, #tpu.memory_space<vmem>>, vector<16xf32>,
      }
      %scan3A_46 = arith.constant 256 : i32
      %mul3A_47 = arith.constant 4096 : i32
      %mul3A_48 = arith.muli %add3A_41, %mul3A_47 : i32
      "tpu.region"() ({
        %run_scoped3A = tpu.sem_alloc : memref<!tpu.dma_semaphore, #tpu.memory_space<semaphore_mem>>
        %dma_start3A = tpu.memref_slice %arg10[%mul3A_48] : memref<786432xf32, #tpu.memory_space<hbm>> -> memref<4096xf32, #tpu.memory_space<hbm>>
        %dma_start3A_85 = tpu.memref_slice %arg10[%mul3A_48] : memref<786432xf32, #tpu.memory_space<hbm>> -> memref<4096xf32, #tpu.memory_space<hbm>>
        tpu.enqueue_dma source(%arg14 : memref<4096xf32, #tpu.memory_space<vmem>>) target(%dma_start3A_85 : memref<4096xf32, #tpu.memory_space<hbm>>) target_semaphore(%run_scoped3A : memref<!tpu.dma_semaphore, #tpu.memory_space<semaphore_mem>>)
        %dma_wait3A = tpu.memref_slice %arg10[%mul3A_48] : memref<786432xf32, #tpu.memory_space<hbm>> -> memref<4096xf32, #tpu.memory_space<hbm>>
        %dma_wait3A_86 = tpu.memref_slice %arg10[%mul3A_48] : memref<786432xf32, #tpu.memory_space<hbm>> -> memref<4096xf32, #tpu.memory_space<hbm>>
        tpu.wait_dma2 semaphore(%run_scoped3A : memref<!tpu.dma_semaphore, #tpu.memory_space<semaphore_mem>>) src(%arg14 : memref<4096xf32, #tpu.memory_space<vmem>>) dst(%dma_wait3A_86 : memref<4096xf32, #tpu.memory_space<hbm>>)
        tpu.yield
      }) : () -> ()
      %mul3A_49 = arith.constant 4 : i32
      %mul3A_50 = arith.muli %add3A, %mul3A_49 : i32
      %add3A_51 = arith.constant 1 : i32
      %add3A_52 = arith.addi %mul3A_50, %add3A_51 : i32
      "tpu.region"() ({
        %run_scoped3A = tpu.sem_alloc : memref<!tpu.dma_semaphore, #tpu.memory_space<semaphore_mem>>
        %dma_start3A = arith.constant 0 : i32
        %dma_start3A_85 = tpu.memref_slice %arg4[%add3A_52, %dma_start3A] : memref<64x100000xf32, #tpu.memory_space<hbm>> -> memref<1x100000xf32, #tpu.memory_space<hbm>>
        %dma_start3A_86 = tpu.memref_squeeze %dma_start3A_85 : memref<1x100000xf32, #tpu.memory_space<hbm>> -> memref<100000xf32, #tpu.memory_space<hbm>>
        %dma_start3A_87 = arith.constant 0 : i32
        %dma_start3A_88 = tpu.memref_slice %arg4[%add3A_52, %dma_start3A_87] : memref<64x100000xf32, #tpu.memory_space<hbm>> -> memref<1x100000xf32, #tpu.memory_space<hbm>>
        %dma_start3A_89 = tpu.memref_squeeze %dma_start3A_88 : memref<1x100000xf32, #tpu.memory_space<hbm>> -> memref<100000xf32, #tpu.memory_space<hbm>>
        tpu.enqueue_dma source(%dma_start3A_89 : memref<100000xf32, #tpu.memory_space<hbm>>) target(%arg13 : memref<100000xf32, #tpu.memory_space<vmem>>) target_semaphore(%run_scoped3A : memref<!tpu.dma_semaphore, #tpu.memory_space<semaphore_mem>>)
        %dma_wait3A = arith.constant 0 : i32
        %dma_wait3A_90 = tpu.memref_slice %arg4[%add3A_52, %dma_wait3A] : memref<64x100000xf32, #tpu.memory_space<hbm>> -> memref<1x100000xf32, #tpu.memory_space<hbm>>
        %dma_wait3A_91 = tpu.memref_squeeze %dma_wait3A_90 : memref<1x100000xf32, #tpu.memory_space<hbm>> -> memref<100000xf32, #tpu.memory_space<hbm>>
        %dma_wait3A_92 = arith.constant 0 : i32
        %dma_wait3A_93 = tpu.memref_slice %arg4[%add3A_52, %dma_wait3A_92] : memref<64x100000xf32, #tpu.memory_space<hbm>> -> memref<1x100000xf32, #tpu.memory_space<hbm>>
        %dma_wait3A_94 = tpu.memref_squeeze %dma_wait3A_93 : memref<1x100000xf32, #tpu.memory_space<hbm>> -> memref<100000xf32, #tpu.memory_space<hbm>>
        tpu.wait_dma2 semaphore(%run_scoped3A : memref<!tpu.dma_semaphore, #tpu.memory_space<semaphore_mem>>) src(%dma_wait3A_94 : memref<100000xf32, #tpu.memory_space<hbm>>) dst(%arg13 : memref<100000xf32, #tpu.memory_space<vmem>>)
        tpu.yield
      }) : () -> ()
      %scan3A_53 = arith.constant 0 : i32
      %scan3A_54 = arith.constant 0 : i32
      %scan3A_55 = arith.constant 256 : i32
      %scan3A_56 = arith.addi %scan3A_54, %scan3A_55 : i32
      %scan3A_57 = arith.constant 1 : i32
      scf.for %scan3A_85 = %scan3A_54 to %scan3A_56 step %scan3A_57  : i32 {
        %mul3A_86 = arith.constant 16 : i32
        %mul3A_87 = arith.muli %scan3A_85, %mul3A_86 : i32
        %get3A = arith.index_cast %mul3A_87 : i32 to index
        %get3A_88 = tpu.vector_load %arg11[%get3A] {strides = array<i32>} : memref<4096xi32, #tpu.memory_space<vmem>>, vector<16xi32>,
        %gather3A = tpu.vector_load_idx %arg13[%get3A_88] : memref<100000xf32, #tpu.memory_space<vmem>>[vector<16xi32>], vector<16xf32>,
        %mul3A_89 = arith.constant 16 : i32
        %mul3A_90 = arith.muli %scan3A_85, %mul3A_89 : i32
        %swap3A = arith.index_cast %mul3A_90 : i32 to index
        %swap3A_91 = tpu.vector_load %arg14[%swap3A] {strides = array<i32>} : memref<4096xf32, #tpu.memory_space<vmem>>, vector<16xf32>,
        tpu.vector_store %arg14[%swap3A], %gather3A {strides = array<i32>} : memref<4096xf32, #tpu.memory_space<vmem>>, vector<16xf32>,
      }
      %scan3A_58 = arith.constant 256 : i32
      %mul3A_59 = arith.constant 4096 : i32
      %mul3A_60 = arith.muli %add3A_52, %mul3A_59 : i32
      "tpu.region"() ({
        %run_scoped3A = tpu.sem_alloc : memref<!tpu.dma_semaphore, #tpu.memory_space<semaphore_mem>>
        %dma_start3A = tpu.memref_slice %arg10[%mul3A_60] : memref<786432xf32, #tpu.memory_space<hbm>> -> memref<4096xf32, #tpu.memory_space<hbm>>
        %dma_start3A_85 = tpu.memref_slice %arg10[%mul3A_60] : memref<786432xf32, #tpu.memory_space<hbm>> -> memref<4096xf32, #tpu.memory_space<hbm>>
        tpu.enqueue_dma source(%arg14 : memref<4096xf32, #tpu.memory_space<vmem>>) target(%dma_start3A_85 : memref<4096xf32, #tpu.memory_space<hbm>>) target_semaphore(%run_scoped3A : memref<!tpu.dma_semaphore, #tpu.memory_space<semaphore_mem>>)
        %dma_wait3A = tpu.memref_slice %arg10[%mul3A_60] : memref<786432xf32, #tpu.memory_space<hbm>> -> memref<4096xf32, #tpu.memory_space<hbm>>
        %dma_wait3A_86 = tpu.memref_slice %arg10[%mul3A_60] : memref<786432xf32, #tpu.memory_space<hbm>> -> memref<4096xf32, #tpu.memory_space<hbm>>
        tpu.wait_dma2 semaphore(%run_scoped3A : memref<!tpu.dma_semaphore, #tpu.memory_space<semaphore_mem>>) src(%arg14 : memref<4096xf32, #tpu.memory_space<vmem>>) dst(%dma_wait3A_86 : memref<4096xf32, #tpu.memory_space<hbm>>)
        tpu.yield
      }) : () -> ()
      %mul3A_61 = arith.constant 4 : i32
      %mul3A_62 = arith.muli %add3A, %mul3A_61 : i32
      %add3A_63 = arith.constant 2 : i32
      %add3A_64 = arith.addi %mul3A_62, %add3A_63 : i32
      "tpu.region"() ({
        %run_scoped3A = tpu.sem_alloc : memref<!tpu.dma_semaphore, #tpu.memory_space<semaphore_mem>>
        %dma_start3A = arith.constant 0 : i32
        %dma_start3A_85 = tpu.memref_slice %arg4[%add3A_64, %dma_start3A] : memref<64x100000xf32, #tpu.memory_space<hbm>> -> memref<1x100000xf32, #tpu.memory_space<hbm>>
        %dma_start3A_86 = tpu.memref_squeeze %dma_start3A_85 : memref<1x100000xf32, #tpu.memory_space<hbm>> -> memref<100000xf32, #tpu.memory_space<hbm>>
        %dma_start3A_87 = arith.constant 0 : i32
        %dma_start3A_88 = tpu.memref_slice %arg4[%add3A_64, %dma_start3A_87] : memref<64x100000xf32, #tpu.memory_space<hbm>> -> memref<1x100000xf32, #tpu.memory_space<hbm>>
        %dma_start3A_89 = tpu.memref_squeeze %dma_start3A_88 : memref<1x100000xf32, #tpu.memory_space<hbm>> -> memref<100000xf32, #tpu.memory_space<hbm>>
        tpu.enqueue_dma source(%dma_start3A_89 : memref<100000xf32, #tpu.memory_space<hbm>>) target(%arg13 : memref<100000xf32, #tpu.memory_space<vmem>>) target_semaphore(%run_scoped3A : memref<!tpu.dma_semaphore, #tpu.memory_space<semaphore_mem>>)
        %dma_wait3A = arith.constant 0 : i32
        %dma_wait3A_90 = tpu.memref_slice %arg4[%add3A_64, %dma_wait3A] : memref<64x100000xf32, #tpu.memory_space<hbm>> -> memref<1x100000xf32, #tpu.memory_space<hbm>>
        %dma_wait3A_91 = tpu.memref_squeeze %dma_wait3A_90 : memref<1x100000xf32, #tpu.memory_space<hbm>> -> memref<100000xf32, #tpu.memory_space<hbm>>
        %dma_wait3A_92 = arith.constant 0 : i32
        %dma_wait3A_93 = tpu.memref_slice %arg4[%add3A_64, %dma_wait3A_92] : memref<64x100000xf32, #tpu.memory_space<hbm>> -> memref<1x100000xf32, #tpu.memory_space<hbm>>
        %dma_wait3A_94 = tpu.memref_squeeze %dma_wait3A_93 : memref<1x100000xf32, #tpu.memory_space<hbm>> -> memref<100000xf32, #tpu.memory_space<hbm>>
        tpu.wait_dma2 semaphore(%run_scoped3A : memref<!tpu.dma_semaphore, #tpu.memory_space<semaphore_mem>>) src(%dma_wait3A_94 : memref<100000xf32, #tpu.memory_space<hbm>>) dst(%arg13 : memref<100000xf32, #tpu.memory_space<vmem>>)
        tpu.yield
      }) : () -> ()
      %scan3A_65 = arith.constant 0 : i32
      %scan3A_66 = arith.constant 0 : i32
      %scan3A_67 = arith.constant 256 : i32
      %scan3A_68 = arith.addi %scan3A_66, %scan3A_67 : i32
      %scan3A_69 = arith.constant 1 : i32
      scf.for %scan3A_85 = %scan3A_66 to %scan3A_68 step %scan3A_69  : i32 {
        %mul3A_86 = arith.constant 16 : i32
        %mul3A_87 = arith.muli %scan3A_85, %mul3A_86 : i32
        %get3A = arith.index_cast %mul3A_87 : i32 to index
        %get3A_88 = tpu.vector_load %arg11[%get3A] {strides = array<i32>} : memref<4096xi32, #tpu.memory_space<vmem>>, vector<16xi32>,
        %gather3A = tpu.vector_load_idx %arg13[%get3A_88] : memref<100000xf32, #tpu.memory_space<vmem>>[vector<16xi32>], vector<16xf32>,
        %mul3A_89 = arith.constant 16 : i32
        %mul3A_90 = arith.muli %scan3A_85, %mul3A_89 : i32
        %swap3A = arith.index_cast %mul3A_90 : i32 to index
        %swap3A_91 = tpu.vector_load %arg14[%swap3A] {strides = array<i32>} : memref<4096xf32, #tpu.memory_space<vmem>>, vector<16xf32>,
        tpu.vector_store %arg14[%swap3A], %gather3A {strides = array<i32>} : memref<4096xf32, #tpu.memory_space<vmem>>, vector<16xf32>,
      }
      %scan3A_70 = arith.constant 256 : i32
      %mul3A_71 = arith.constant 4096 : i32
      %mul3A_72 = arith.muli %add3A_64, %mul3A_71 : i32
      "tpu.region"() ({
        %run_scoped3A = tpu.sem_alloc : memref<!tpu.dma_semaphore, #tpu.memory_space<semaphore_mem>>
        %dma_start3A = tpu.memref_slice %arg10[%mul3A_72] : memref<786432xf32, #tpu.memory_space<hbm>> -> memref<4096xf32, #tpu.memory_space<hbm>>
        %dma_start3A_85 = tpu.memref_slice %arg10[%mul3A_72] : memref<786432xf32, #tpu.memory_space<hbm>> -> memref<4096xf32, #tpu.memory_space<hbm>>
        tpu.enqueue_dma source(%arg14 : memref<4096xf32, #tpu.memory_space<vmem>>) target(%dma_start3A_85 : memref<4096xf32, #tpu.memory_space<hbm>>) target_semaphore(%run_scoped3A : memref<!tpu.dma_semaphore, #tpu.memory_space<semaphore_mem>>)
        %dma_wait3A = tpu.memref_slice %arg10[%mul3A_72] : memref<786432xf32, #tpu.memory_space<hbm>> -> memref<4096xf32, #tpu.memory_space<hbm>>
        %dma_wait3A_86 = tpu.memref_slice %arg10[%mul3A_72] : memref<786432xf32, #tpu.memory_space<hbm>> -> memref<4096xf32, #tpu.memory_space<hbm>>
        tpu.wait_dma2 semaphore(%run_scoped3A : memref<!tpu.dma_semaphore, #tpu.memory_space<semaphore_mem>>) src(%arg14 : memref<4096xf32, #tpu.memory_space<vmem>>) dst(%dma_wait3A_86 : memref<4096xf32, #tpu.memory_space<hbm>>)
        tpu.yield
      }) : () -> ()
      %mul3A_73 = arith.constant 4 : i32
      %mul3A_74 = arith.muli %add3A, %mul3A_73 : i32
      %add3A_75 = arith.constant 3 : i32
      %add3A_76 = arith.addi %mul3A_74, %add3A_75 : i32
      "tpu.region"() ({
        %run_scoped3A = tpu.sem_alloc : memref<!tpu.dma_semaphore, #tpu.memory_space<semaphore_mem>>
        %dma_start3A = arith.constant 0 : i32
        %dma_start3A_85 = tpu.memref_slice %arg4[%add3A_76, %dma_start3A] : memref<64x100000xf32, #tpu.memory_space<hbm>> -> memref<1x100000xf32, #tpu.memory_space<hbm>>
        %dma_start3A_86 = tpu.memref_squeeze %dma_start3A_85 : memref<1x100000xf32, #tpu.memory_space<hbm>> -> memref<100000xf32, #tpu.memory_space<hbm>>
        %dma_start3A_87 = arith.constant 0 : i32
        %dma_start3A_88 = tpu.memref_slice %arg4[%add3A_76, %dma_start3A_87] : memref<64x100000xf32, #tpu.memory_space<hbm>> -> memref<1x100000xf32, #tpu.memory_space<hbm>>
        %dma_start3A_89 = tpu.memref_squeeze %dma_start3A_88 : memref<1x100000xf32, #tpu.memory_space<hbm>> -> memref<100000xf32, #tpu.memory_space<hbm>>
        tpu.enqueue_dma source(%dma_start3A_89 : memref<100000xf32, #tpu.memory_space<hbm>>) target(%arg13 : memref<100000xf32, #tpu.memory_space<vmem>>) target_semaphore(%run_scoped3A : memref<!tpu.dma_semaphore, #tpu.memory_space<semaphore_mem>>)
        %dma_wait3A = arith.constant 0 : i32
        %dma_wait3A_90 = tpu.memref_slice %arg4[%add3A_76, %dma_wait3A] : memref<64x100000xf32, #tpu.memory_space<hbm>> -> memref<1x100000xf32, #tpu.memory_space<hbm>>
        %dma_wait3A_91 = tpu.memref_squeeze %dma_wait3A_90 : memref<1x100000xf32, #tpu.memory_space<hbm>> -> memref<100000xf32, #tpu.memory_space<hbm>>
        %dma_wait3A_92 = arith.constant 0 : i32
        %dma_wait3A_93 = tpu.memref_slice %arg4[%add3A_76, %dma_wait3A_92] : memref<64x100000xf32, #tpu.memory_space<hbm>> -> memref<1x100000xf32, #tpu.memory_space<hbm>>
        %dma_wait3A_94 = tpu.memref_squeeze %dma_wait3A_93 : memref<1x100000xf32, #tpu.memory_space<hbm>> -> memref<100000xf32, #tpu.memory_space<hbm>>
        tpu.wait_dma2 semaphore(%run_scoped3A : memref<!tpu.dma_semaphore, #tpu.memory_space<semaphore_mem>>) src(%dma_wait3A_94 : memref<100000xf32, #tpu.memory_space<hbm>>) dst(%arg13 : memref<100000xf32, #tpu.memory_space<vmem>>)
        tpu.yield
      }) : () -> ()
      %scan3A_77 = arith.constant 0 : i32
      %scan3A_78 = arith.constant 0 : i32
      %scan3A_79 = arith.constant 256 : i32
      %scan3A_80 = arith.addi %scan3A_78, %scan3A_79 : i32
      %scan3A_81 = arith.constant 1 : i32
      scf.for %scan3A_85 = %scan3A_78 to %scan3A_80 step %scan3A_81  : i32 {
        %mul3A_86 = arith.constant 16 : i32
        %mul3A_87 = arith.muli %scan3A_85, %mul3A_86 : i32
        %get3A = arith.index_cast %mul3A_87 : i32 to index
        %get3A_88 = tpu.vector_load %arg11[%get3A] {strides = array<i32>} : memref<4096xi32, #tpu.memory_space<vmem>>, vector<16xi32>,
        %gather3A = tpu.vector_load_idx %arg13[%get3A_88] : memref<100000xf32, #tpu.memory_space<vmem>>[vector<16xi32>], vector<16xf32>,
        %mul3A_89 = arith.constant 16 : i32
        %mul3A_90 = arith.muli %scan3A_85, %mul3A_89 : i32
        %swap3A = arith.index_cast %mul3A_90 : i32 to index
        %swap3A_91 = tpu.vector_load %arg14[%swap3A] {strides = array<i32>} : memref<4096xf32, #tpu.memory_space<vmem>>, vector<16xf32>,
        tpu.vector_store %arg14[%swap3A], %gather3A {strides = array<i32>} : memref<4096xf32, #tpu.memory_space<vmem>>, vector<16xf32>,
      }
      %scan3A_82 = arith.constant 256 : i32
      %mul3A_83 = arith.constant 4096 : i32
      %mul3A_84 = arith.muli %add3A_76, %mul3A_83 : i32
      "tpu.region"() ({
        %run_scoped3A = tpu.sem_alloc : memref<!tpu.dma_semaphore, #tpu.memory_space<semaphore_mem>>
        %dma_start3A = tpu.memref_slice %arg10[%mul3A_84] : memref<786432xf32, #tpu.memory_space<hbm>> -> memref<4096xf32, #tpu.memory_space<hbm>>
        %dma_start3A_85 = tpu.memref_slice %arg10[%mul3A_84] : memref<786432xf32, #tpu.memory_space<hbm>> -> memref<4096xf32, #tpu.memory_space<hbm>>
        tpu.enqueue_dma source(%arg14 : memref<4096xf32, #tpu.memory_space<vmem>>) target(%dma_start3A_85 : memref<4096xf32, #tpu.memory_space<hbm>>) target_semaphore(%run_scoped3A : memref<!tpu.dma_semaphore, #tpu.memory_space<semaphore_mem>>)
        %dma_wait3A = tpu.memref_slice %arg10[%mul3A_84] : memref<786432xf32, #tpu.memory_space<hbm>> -> memref<4096xf32, #tpu.memory_space<hbm>>
        %dma_wait3A_86 = tpu.memref_slice %arg10[%mul3A_84] : memref<786432xf32, #tpu.memory_space<hbm>> -> memref<4096xf32, #tpu.memory_space<hbm>>
        tpu.wait_dma2 semaphore(%run_scoped3A : memref<!tpu.dma_semaphore, #tpu.memory_space<semaphore_mem>>) src(%arg14 : memref<4096xf32, #tpu.memory_space<vmem>>) dst(%dma_wait3A_86 : memref<4096xf32, #tpu.memory_space<hbm>>)
        tpu.yield
      }) : () -> ()
    } else {
    }
    %ge3A = arith.constant 16 : i32
    %ge3A_3 = arith.cmpi sge, %add3A, %ge3A : i32
    %convert_element_type3A_4 = arith.extui %ge3A_3 : i1 to i32
    %cond3A_5 = arith.constant 0 : i32
    %cond3A_6 = arith.cmpi ne, %convert_element_type3A_4, %cond3A_5 : i32
    scf.if %cond3A_6 {
      %sub3A = arith.constant 16 : i32
      %sub3A_38 = arith.subi %add3A, %sub3A : i32
      %mul3A_39 = arith.constant 4 : i32
      %mul3A_40 = arith.muli %sub3A_38, %mul3A_39 : i32
      %add3A_41 = arith.constant 0 : i32
      %add3A_42 = arith.addi %mul3A_40, %add3A_41 : i32
      %add3A_43 = arith.constant 64 : i32
      %add3A_44 = arith.addi %add3A_43, %add3A_42 : i32
      "tpu.region"() ({
        %run_scoped3A = tpu.sem_alloc : memref<!tpu.dma_semaphore, #tpu.memory_space<semaphore_mem>>
        %dma_start3A = arith.constant 0 : i32
        %dma_start3A_100 = tpu.memref_slice %arg5[%add3A_42, %dma_start3A] : memref<64x100000xf32, #tpu.memory_space<hbm>> -> memref<1x100000xf32, #tpu.memory_space<hbm>>
        %dma_start3A_101 = tpu.memref_squeeze %dma_start3A_100 : memref<1x100000xf32, #tpu.memory_space<hbm>> -> memref<100000xf32, #tpu.memory_space<hbm>>
        %dma_start3A_102 = arith.constant 0 : i32
        %dma_start3A_103 = tpu.memref_slice %arg5[%add3A_42, %dma_start3A_102] : memref<64x100000xf32, #tpu.memory_space<hbm>> -> memref<1x100000xf32, #tpu.memory_space<hbm>>
        %dma_start3A_104 = tpu.memref_squeeze %dma_start3A_103 : memref<1x100000xf32, #tpu.memory_space<hbm>> -> memref<100000xf32, #tpu.memory_space<hbm>>
        tpu.enqueue_dma source(%dma_start3A_104 : memref<100000xf32, #tpu.memory_space<hbm>>) target(%arg13 : memref<100000xf32, #tpu.memory_space<vmem>>) target_semaphore(%run_scoped3A : memref<!tpu.dma_semaphore, #tpu.memory_space<semaphore_mem>>)
        %dma_wait3A = arith.constant 0 : i32
        %dma_wait3A_105 = tpu.memref_slice %arg5[%add3A_42, %dma_wait3A] : memref<64x100000xf32, #tpu.memory_space<hbm>> -> memref<1x100000xf32, #tpu.memory_space<hbm>>
        %dma_wait3A_106 = tpu.memref_squeeze %dma_wait3A_105 : memref<1x100000xf32, #tpu.memory_space<hbm>> -> memref<100000xf32, #tpu.memory_space<hbm>>
        %dma_wait3A_107 = arith.constant 0 : i32
        %dma_wait3A_108 = tpu.memref_slice %arg5[%add3A_42, %dma_wait3A_107] : memref<64x100000xf32, #tpu.memory_space<hbm>> -> memref<1x100000xf32, #tpu.memory_space<hbm>>
        %dma_wait3A_109 = tpu.memref_squeeze %dma_wait3A_108 : memref<1x100000xf32, #tpu.memory_space<hbm>> -> memref<100000xf32, #tpu.memory_space<hbm>>
        tpu.wait_dma2 semaphore(%run_scoped3A : memref<!tpu.dma_semaphore, #tpu.memory_space<semaphore_mem>>) src(%dma_wait3A_109 : memref<100000xf32, #tpu.memory_space<hbm>>) dst(%arg13 : memref<100000xf32, #tpu.memory_space<vmem>>)
        tpu.yield
      }) : () -> ()
      %scan3A = arith.constant 0 : i32
      %scan3A_45 = arith.constant 0 : i32
      %scan3A_46 = arith.constant 256 : i32
      %scan3A_47 = arith.addi %scan3A_45, %scan3A_46 : i32
      %scan3A_48 = arith.constant 1 : i32
      scf.for %scan3A_100 = %scan3A_45 to %scan3A_47 step %scan3A_48  : i32 {
        %mul3A_101 = arith.constant 16 : i32
        %mul3A_102 = arith.muli %scan3A_100, %mul3A_101 : i32
        %get3A = arith.index_cast %mul3A_102 : i32 to index
        %get3A_103 = tpu.vector_load %arg12[%get3A] {strides = array<i32>} : memref<4096xi32, #tpu.memory_space<vmem>>, vector<16xi32>,
        %gather3A = tpu.vector_load_idx %arg13[%get3A_103] : memref<100000xf32, #tpu.memory_space<vmem>>[vector<16xi32>], vector<16xf32>,
        %mul3A_104 = arith.constant 16 : i32
        %mul3A_105 = arith.muli %scan3A_100, %mul3A_104 : i32
        %swap3A = arith.index_cast %mul3A_105 : i32 to index
        %swap3A_106 = tpu.vector_load %arg14[%swap3A] {strides = array<i32>} : memref<4096xf32, #tpu.memory_space<vmem>>, vector<16xf32>,
        tpu.vector_store %arg14[%swap3A], %gather3A {strides = array<i32>} : memref<4096xf32, #tpu.memory_space<vmem>>, vector<16xf32>,
      }
      %scan3A_49 = arith.constant 256 : i32
      %mul3A_50 = arith.constant 4096 : i32
      %mul3A_51 = arith.muli %add3A_44, %mul3A_50 : i32
      "tpu.region"() ({
        %run_scoped3A = tpu.sem_alloc : memref<!tpu.dma_semaphore, #tpu.memory_space<semaphore_mem>>
        %dma_start3A = tpu.memref_slice %arg10[%mul3A_51] : memref<786432xf32, #tpu.memory_space<hbm>> -> memref<4096xf32, #tpu.memory_space<hbm>>
        %dma_start3A_100 = tpu.memref_slice %arg10[%mul3A_51] : memref<786432xf32, #tpu.memory_space<hbm>> -> memref<4096xf32, #tpu.memory_space<hbm>>
        tpu.enqueue_dma source(%arg14 : memref<4096xf32, #tpu.memory_space<vmem>>) target(%dma_start3A_100 : memref<4096xf32, #tpu.memory_space<hbm>>) target_semaphore(%run_scoped3A : memref<!tpu.dma_semaphore, #tpu.memory_space<semaphore_mem>>)
        %dma_wait3A = tpu.memref_slice %arg10[%mul3A_51] : memref<786432xf32, #tpu.memory_space<hbm>> -> memref<4096xf32, #tpu.memory_space<hbm>>
        %dma_wait3A_101 = tpu.memref_slice %arg10[%mul3A_51] : memref<786432xf32, #tpu.memory_space<hbm>> -> memref<4096xf32, #tpu.memory_space<hbm>>
        tpu.wait_dma2 semaphore(%run_scoped3A : memref<!tpu.dma_semaphore, #tpu.memory_space<semaphore_mem>>) src(%arg14 : memref<4096xf32, #tpu.memory_space<vmem>>) dst(%dma_wait3A_101 : memref<4096xf32, #tpu.memory_space<hbm>>)
        tpu.yield
      }) : () -> ()
      %sub3A_52 = arith.constant 16 : i32
      %sub3A_53 = arith.subi %add3A, %sub3A_52 : i32
      %mul3A_54 = arith.constant 4 : i32
      %mul3A_55 = arith.muli %sub3A_53, %mul3A_54 : i32
      %add3A_56 = arith.constant 1 : i32
      %add3A_57 = arith.addi %mul3A_55, %add3A_56 : i32
      %add3A_58 = arith.constant 64 : i32
      %add3A_59 = arith.addi %add3A_58, %add3A_57 : i32
      "tpu.region"() ({
        %run_scoped3A = tpu.sem_alloc : memref<!tpu.dma_semaphore, #tpu.memory_space<semaphore_mem>>
        %dma_start3A = arith.constant 0 : i32
        %dma_start3A_100 = tpu.memref_slice %arg5[%add3A_57, %dma_start3A] : memref<64x100000xf32, #tpu.memory_space<hbm>> -> memref<1x100000xf32, #tpu.memory_space<hbm>>
        %dma_start3A_101 = tpu.memref_squeeze %dma_start3A_100 : memref<1x100000xf32, #tpu.memory_space<hbm>> -> memref<100000xf32, #tpu.memory_space<hbm>>
        %dma_start3A_102 = arith.constant 0 : i32
        %dma_start3A_103 = tpu.memref_slice %arg5[%add3A_57, %dma_start3A_102] : memref<64x100000xf32, #tpu.memory_space<hbm>> -> memref<1x100000xf32, #tpu.memory_space<hbm>>
        %dma_start3A_104 = tpu.memref_squeeze %dma_start3A_103 : memref<1x100000xf32, #tpu.memory_space<hbm>> -> memref<100000xf32, #tpu.memory_space<hbm>>
        tpu.enqueue_dma source(%dma_start3A_104 : memref<100000xf32, #tpu.memory_space<hbm>>) target(%arg13 : memref<100000xf32, #tpu.memory_space<vmem>>) target_semaphore(%run_scoped3A : memref<!tpu.dma_semaphore, #tpu.memory_space<semaphore_mem>>)
        %dma_wait3A = arith.constant 0 : i32
        %dma_wait3A_105 = tpu.memref_slice %arg5[%add3A_57, %dma_wait3A] : memref<64x100000xf32, #tpu.memory_space<hbm>> -> memref<1x100000xf32, #tpu.memory_space<hbm>>
        %dma_wait3A_106 = tpu.memref_squeeze %dma_wait3A_105 : memref<1x100000xf32, #tpu.memory_space<hbm>> -> memref<100000xf32, #tpu.memory_space<hbm>>
        %dma_wait3A_107 = arith.constant 0 : i32
        %dma_wait3A_108 = tpu.memref_slice %arg5[%add3A_57, %dma_wait3A_107] : memref<64x100000xf32, #tpu.memory_space<hbm>> -> memref<1x100000xf32, #tpu.memory_space<hbm>>
        %dma_wait3A_109 = tpu.memref_squeeze %dma_wait3A_108 : memref<1x100000xf32, #tpu.memory_space<hbm>> -> memref<100000xf32, #tpu.memory_space<hbm>>
        tpu.wait_dma2 semaphore(%run_scoped3A : memref<!tpu.dma_semaphore, #tpu.memory_space<semaphore_mem>>) src(%dma_wait3A_109 : memref<100000xf32, #tpu.memory_space<hbm>>) dst(%arg13 : memref<100000xf32, #tpu.memory_space<vmem>>)
        tpu.yield
      }) : () -> ()
      %scan3A_60 = arith.constant 0 : i32
      %scan3A_61 = arith.constant 0 : i32
      %scan3A_62 = arith.constant 256 : i32
      %scan3A_63 = arith.addi %scan3A_61, %scan3A_62 : i32
      %scan3A_64 = arith.constant 1 : i32
      scf.for %scan3A_100 = %scan3A_61 to %scan3A_63 step %scan3A_64  : i32 {
        %mul3A_101 = arith.constant 16 : i32
        %mul3A_102 = arith.muli %scan3A_100, %mul3A_101 : i32
        %get3A = arith.index_cast %mul3A_102 : i32 to index
        %get3A_103 = tpu.vector_load %arg12[%get3A] {strides = array<i32>} : memref<4096xi32, #tpu.memory_space<vmem>>, vector<16xi32>,
        %gather3A = tpu.vector_load_idx %arg13[%get3A_103] : memref<100000xf32, #tpu.memory_space<vmem>>[vector<16xi32>], vector<16xf32>,
        %mul3A_104 = arith.constant 16 : i32
        %mul3A_105 = arith.muli %scan3A_100, %mul3A_104 : i32
        %swap3A = arith.index_cast %mul3A_105 : i32 to index
        %swap3A_106 = tpu.vector_load %arg14[%swap3A] {strides = array<i32>} : memref<4096xf32, #tpu.memory_space<vmem>>, vector<16xf32>,
        tpu.vector_store %arg14[%swap3A], %gather3A {strides = array<i32>} : memref<4096xf32, #tpu.memory_space<vmem>>, vector<16xf32>,
      }
      %scan3A_65 = arith.constant 256 : i32
      %mul3A_66 = arith.constant 4096 : i32
      %mul3A_67 = arith.muli %add3A_59, %mul3A_66 : i32
      "tpu.region"() ({
        %run_scoped3A = tpu.sem_alloc : memref<!tpu.dma_semaphore, #tpu.memory_space<semaphore_mem>>
        %dma_start3A = tpu.memref_slice %arg10[%mul3A_67] : memref<786432xf32, #tpu.memory_space<hbm>> -> memref<4096xf32, #tpu.memory_space<hbm>>
        %dma_start3A_100 = tpu.memref_slice %arg10[%mul3A_67] : memref<786432xf32, #tpu.memory_space<hbm>> -> memref<4096xf32, #tpu.memory_space<hbm>>
        tpu.enqueue_dma source(%arg14 : memref<4096xf32, #tpu.memory_space<vmem>>) target(%dma_start3A_100 : memref<4096xf32, #tpu.memory_space<hbm>>) target_semaphore(%run_scoped3A : memref<!tpu.dma_semaphore, #tpu.memory_space<semaphore_mem>>)
        %dma_wait3A = tpu.memref_slice %arg10[%mul3A_67] : memref<786432xf32, #tpu.memory_space<hbm>> -> memref<4096xf32, #tpu.memory_space<hbm>>
        %dma_wait3A_101 = tpu.memref_slice %arg10[%mul3A_67] : memref<786432xf32, #tpu.memory_space<hbm>> -> memref<4096xf32, #tpu.memory_space<hbm>>
        tpu.wait_dma2 semaphore(%run_scoped3A : memref<!tpu.dma_semaphore, #tpu.memory_space<semaphore_mem>>) src(%arg14 : memref<4096xf32, #tpu.memory_space<vmem>>) dst(%dma_wait3A_101 : memref<4096xf32, #tpu.memory_space<hbm>>)
        tpu.yield
      }) : () -> ()
      %sub3A_68 = arith.constant 16 : i32
      %sub3A_69 = arith.subi %add3A, %sub3A_68 : i32
      %mul3A_70 = arith.constant 4 : i32
      %mul3A_71 = arith.muli %sub3A_69, %mul3A_70 : i32
      %add3A_72 = arith.constant 2 : i32
      %add3A_73 = arith.addi %mul3A_71, %add3A_72 : i32
      %add3A_74 = arith.constant 64 : i32
      %add3A_75 = arith.addi %add3A_74, %add3A_73 : i32
      "tpu.region"() ({
        %run_scoped3A = tpu.sem_alloc : memref<!tpu.dma_semaphore, #tpu.memory_space<semaphore_mem>>
        %dma_start3A = arith.constant 0 : i32
        %dma_start3A_100 = tpu.memref_slice %arg5[%add3A_73, %dma_start3A] : memref<64x100000xf32, #tpu.memory_space<hbm>> -> memref<1x100000xf32, #tpu.memory_space<hbm>>
        %dma_start3A_101 = tpu.memref_squeeze %dma_start3A_100 : memref<1x100000xf32, #tpu.memory_space<hbm>> -> memref<100000xf32, #tpu.memory_space<hbm>>
        %dma_start3A_102 = arith.constant 0 : i32
        %dma_start3A_103 = tpu.memref_slice %arg5[%add3A_73, %dma_start3A_102] : memref<64x100000xf32, #tpu.memory_space<hbm>> -> memref<1x100000xf32, #tpu.memory_space<hbm>>
        %dma_start3A_104 = tpu.memref_squeeze %dma_start3A_103 : memref<1x100000xf32, #tpu.memory_space<hbm>> -> memref<100000xf32, #tpu.memory_space<hbm>>
        tpu.enqueue_dma source(%dma_start3A_104 : memref<100000xf32, #tpu.memory_space<hbm>>) target(%arg13 : memref<100000xf32, #tpu.memory_space<vmem>>) target_semaphore(%run_scoped3A : memref<!tpu.dma_semaphore, #tpu.memory_space<semaphore_mem>>)
        %dma_wait3A = arith.constant 0 : i32
        %dma_wait3A_105 = tpu.memref_slice %arg5[%add3A_73, %dma_wait3A] : memref<64x100000xf32, #tpu.memory_space<hbm>> -> memref<1x100000xf32, #tpu.memory_space<hbm>>
        %dma_wait3A_106 = tpu.memref_squeeze %dma_wait3A_105 : memref<1x100000xf32, #tpu.memory_space<hbm>> -> memref<100000xf32, #tpu.memory_space<hbm>>
        %dma_wait3A_107 = arith.constant 0 : i32
        %dma_wait3A_108 = tpu.memref_slice %arg5[%add3A_73, %dma_wait3A_107] : memref<64x100000xf32, #tpu.memory_space<hbm>> -> memref<1x100000xf32, #tpu.memory_space<hbm>>
        %dma_wait3A_109 = tpu.memref_squeeze %dma_wait3A_108 : memref<1x100000xf32, #tpu.memory_space<hbm>> -> memref<100000xf32, #tpu.memory_space<hbm>>
        tpu.wait_dma2 semaphore(%run_scoped3A : memref<!tpu.dma_semaphore, #tpu.memory_space<semaphore_mem>>) src(%dma_wait3A_109 : memref<100000xf32, #tpu.memory_space<hbm>>) dst(%arg13 : memref<100000xf32, #tpu.memory_space<vmem>>)
        tpu.yield
      }) : () -> ()
      %scan3A_76 = arith.constant 0 : i32
      %scan3A_77 = arith.constant 0 : i32
      %scan3A_78 = arith.constant 256 : i32
      %scan3A_79 = arith.addi %scan3A_77, %scan3A_78 : i32
      %scan3A_80 = arith.constant 1 : i32
      scf.for %scan3A_100 = %scan3A_77 to %scan3A_79 step %scan3A_80  : i32 {
        %mul3A_101 = arith.constant 16 : i32
        %mul3A_102 = arith.muli %scan3A_100, %mul3A_101 : i32
        %get3A = arith.index_cast %mul3A_102 : i32 to index
        %get3A_103 = tpu.vector_load %arg12[%get3A] {strides = array<i32>} : memref<4096xi32, #tpu.memory_space<vmem>>, vector<16xi32>,
        %gather3A = tpu.vector_load_idx %arg13[%get3A_103] : memref<100000xf32, #tpu.memory_space<vmem>>[vector<16xi32>], vector<16xf32>,
        %mul3A_104 = arith.constant 16 : i32
        %mul3A_105 = arith.muli %scan3A_100, %mul3A_104 : i32
        %swap3A = arith.index_cast %mul3A_105 : i32 to index
        %swap3A_106 = tpu.vector_load %arg14[%swap3A] {strides = array<i32>} : memref<4096xf32, #tpu.memory_space<vmem>>, vector<16xf32>,
        tpu.vector_store %arg14[%swap3A], %gather3A {strides = array<i32>} : memref<4096xf32, #tpu.memory_space<vmem>>, vector<16xf32>,
      }
      %scan3A_81 = arith.constant 256 : i32
      %mul3A_82 = arith.constant 4096 : i32
      %mul3A_83 = arith.muli %add3A_75, %mul3A_82 : i32
      "tpu.region"() ({
        %run_scoped3A = tpu.sem_alloc : memref<!tpu.dma_semaphore, #tpu.memory_space<semaphore_mem>>
        %dma_start3A = tpu.memref_slice %arg10[%mul3A_83] : memref<786432xf32, #tpu.memory_space<hbm>> -> memref<4096xf32, #tpu.memory_space<hbm>>
        %dma_start3A_100 = tpu.memref_slice %arg10[%mul3A_83] : memref<786432xf32, #tpu.memory_space<hbm>> -> memref<4096xf32, #tpu.memory_space<hbm>>
        tpu.enqueue_dma source(%arg14 : memref<4096xf32, #tpu.memory_space<vmem>>) target(%dma_start3A_100 : memref<4096xf32, #tpu.memory_space<hbm>>) target_semaphore(%run_scoped3A : memref<!tpu.dma_semaphore, #tpu.memory_space<semaphore_mem>>)
        %dma_wait3A = tpu.memref_slice %arg10[%mul3A_83] : memref<786432xf32, #tpu.memory_space<hbm>> -> memref<4096xf32, #tpu.memory_space<hbm>>
        %dma_wait3A_101 = tpu.memref_slice %arg10[%mul3A_83] : memref<786432xf32, #tpu.memory_space<hbm>> -> memref<4096xf32, #tpu.memory_space<hbm>>
        tpu.wait_dma2 semaphore(%run_scoped3A : memref<!tpu.dma_semaphore, #tpu.memory_space<semaphore_mem>>) src(%arg14 : memref<4096xf32, #tpu.memory_space<vmem>>) dst(%dma_wait3A_101 : memref<4096xf32, #tpu.memory_space<hbm>>)
        tpu.yield
      }) : () -> ()
      %sub3A_84 = arith.constant 16 : i32
      %sub3A_85 = arith.subi %add3A, %sub3A_84 : i32
      %mul3A_86 = arith.constant 4 : i32
      %mul3A_87 = arith.muli %sub3A_85, %mul3A_86 : i32
      %add3A_88 = arith.constant 3 : i32
      %add3A_89 = arith.addi %mul3A_87, %add3A_88 : i32
      %add3A_90 = arith.constant 64 : i32
      %add3A_91 = arith.addi %add3A_90, %add3A_89 : i32
      "tpu.region"() ({
        %run_scoped3A = tpu.sem_alloc : memref<!tpu.dma_semaphore, #tpu.memory_space<semaphore_mem>>
        %dma_start3A = arith.constant 0 : i32
        %dma_start3A_100 = tpu.memref_slice %arg5[%add3A_89, %dma_start3A] : memref<64x100000xf32, #tpu.memory_space<hbm>> -> memref<1x100000xf32, #tpu.memory_space<hbm>>
        %dma_start3A_101 = tpu.memref_squeeze %dma_start3A_100 : memref<1x100000xf32, #tpu.memory_space<hbm>> -> memref<100000xf32, #tpu.memory_space<hbm>>
        %dma_start3A_102 = arith.constant 0 : i32
        %dma_start3A_103 = tpu.memref_slice %arg5[%add3A_89, %dma_start3A_102] : memref<64x100000xf32, #tpu.memory_space<hbm>> -> memref<1x100000xf32, #tpu.memory_space<hbm>>
        %dma_start3A_104 = tpu.memref_squeeze %dma_start3A_103 : memref<1x100000xf32, #tpu.memory_space<hbm>> -> memref<100000xf32, #tpu.memory_space<hbm>>
        tpu.enqueue_dma source(%dma_start3A_104 : memref<100000xf32, #tpu.memory_space<hbm>>) target(%arg13 : memref<100000xf32, #tpu.memory_space<vmem>>) target_semaphore(%run_scoped3A : memref<!tpu.dma_semaphore, #tpu.memory_space<semaphore_mem>>)
        %dma_wait3A = arith.constant 0 : i32
        %dma_wait3A_105 = tpu.memref_slice %arg5[%add3A_89, %dma_wait3A] : memref<64x100000xf32, #tpu.memory_space<hbm>> -> memref<1x100000xf32, #tpu.memory_space<hbm>>
        %dma_wait3A_106 = tpu.memref_squeeze %dma_wait3A_105 : memref<1x100000xf32, #tpu.memory_space<hbm>> -> memref<100000xf32, #tpu.memory_space<hbm>>
        %dma_wait3A_107 = arith.constant 0 : i32
        %dma_wait3A_108 = tpu.memref_slice %arg5[%add3A_89, %dma_wait3A_107] : memref<64x100000xf32, #tpu.memory_space<hbm>> -> memref<1x100000xf32, #tpu.memory_space<hbm>>
        %dma_wait3A_109 = tpu.memref_squeeze %dma_wait3A_108 : memref<1x100000xf32, #tpu.memory_space<hbm>> -> memref<100000xf32, #tpu.memory_space<hbm>>
        tpu.wait_dma2 semaphore(%run_scoped3A : memref<!tpu.dma_semaphore, #tpu.memory_space<semaphore_mem>>) src(%dma_wait3A_109 : memref<100000xf32, #tpu.memory_space<hbm>>) dst(%arg13 : memref<100000xf32, #tpu.memory_space<vmem>>)
        tpu.yield
      }) : () -> ()
      %scan3A_92 = arith.constant 0 : i32
      %scan3A_93 = arith.constant 0 : i32
      %scan3A_94 = arith.constant 256 : i32
      %scan3A_95 = arith.addi %scan3A_93, %scan3A_94 : i32
      %scan3A_96 = arith.constant 1 : i32
      scf.for %scan3A_100 = %scan3A_93 to %scan3A_95 step %scan3A_96  : i32 {
        %mul3A_101 = arith.constant 16 : i32
        %mul3A_102 = arith.muli %scan3A_100, %mul3A_101 : i32
        %get3A = arith.index_cast %mul3A_102 : i32 to index
        %get3A_103 = tpu.vector_load %arg12[%get3A] {strides = array<i32>} : memref<4096xi32, #tpu.memory_space<vmem>>, vector<16xi32>,
        %gather3A = tpu.vector_load_idx %arg13[%get3A_103] : memref<100000xf32, #tpu.memory_space<vmem>>[vector<16xi32>], vector<16xf32>,
        %mul3A_104 = arith.constant 16 : i32
        %mul3A_105 = arith.muli %scan3A_100, %mul3A_104 : i32
        %swap3A = arith.index_cast %mul3A_105 : i32 to index
        %swap3A_106 = tpu.vector_load %arg14[%swap3A] {strides = array<i32>} : memref<4096xf32, #tpu.memory_space<vmem>>, vector<16xf32>,
        tpu.vector_store %arg14[%swap3A], %gather3A {strides = array<i32>} : memref<4096xf32, #tpu.memory_space<vmem>>, vector<16xf32>,
      }
      %scan3A_97 = arith.constant 256 : i32
      %mul3A_98 = arith.constant 4096 : i32
      %mul3A_99 = arith.muli %add3A_91, %mul3A_98 : i32
      "tpu.region"() ({
        %run_scoped3A = tpu.sem_alloc : memref<!tpu.dma_semaphore, #tpu.memory_space<semaphore_mem>>
        %dma_start3A = tpu.memref_slice %arg10[%mul3A_99] : memref<786432xf32, #tpu.memory_space<hbm>> -> memref<4096xf32, #tpu.memory_space<hbm>>
        %dma_start3A_100 = tpu.memref_slice %arg10[%mul3A_99] : memref<786432xf32, #tpu.memory_space<hbm>> -> memref<4096xf32, #tpu.memory_space<hbm>>
        tpu.enqueue_dma source(%arg14 : memref<4096xf32, #tpu.memory_space<vmem>>) target(%dma_start3A_100 : memref<4096xf32, #tpu.memory_space<hbm>>) target_semaphore(%run_scoped3A : memref<!tpu.dma_semaphore, #tpu.memory_space<semaphore_mem>>)
        %dma_wait3A = tpu.memref_slice %arg10[%mul3A_99] : memref<786432xf32, #tpu.memory_space<hbm>> -> memref<4096xf32, #tpu.memory_space<hbm>>
        %dma_wait3A_101 = tpu.memref_slice %arg10[%mul3A_99] : memref<786432xf32, #tpu.memory_space<hbm>> -> memref<4096xf32, #tpu.memory_space<hbm>>
        tpu.wait_dma2 semaphore(%run_scoped3A : memref<!tpu.dma_semaphore, #tpu.memory_space<semaphore_mem>>) src(%arg14 : memref<4096xf32, #tpu.memory_space<vmem>>) dst(%dma_wait3A_101 : memref<4096xf32, #tpu.memory_space<hbm>>)
        tpu.yield
      }) : () -> ()
    } else {
    }
    %ge3A_7 = arith.constant 0 : i32
    %ge3A_8 = arith.cmpi sge, %add3A, %ge3A_7 : i32
    %lt3A_9 = arith.constant 8 : i32
    %lt3A_10 = arith.cmpi slt, %add3A, %lt3A_9 : i32
    %and3A = arith.andi %ge3A_8, %lt3A_10 : i1
    %convert_element_type3A_11 = arith.extui %and3A : i1 to i32
    %cond3A_12 = arith.constant 0 : i32
    %cond3A_13 = arith.cmpi ne, %convert_element_type3A_11, %cond3A_12 : i32
    scf.if %cond3A_13 {
      %sub3A = arith.constant 0 : i32
      %sub3A_38 = arith.subi %add3A, %sub3A : i32
      %mul3A_39 = arith.constant 2 : i32
      %mul3A_40 = arith.muli %mul3A_39, %sub3A_38 : i32
      %add3A_41 = arith.constant 0 : i32
      %add3A_42 = arith.addi %mul3A_40, %add3A_41 : i32
      %add3A_43 = arith.constant 128 : i32
      %add3A_44 = arith.addi %add3A_43, %add3A_42 : i32
      "tpu.region"() ({
        %run_scoped3A = tpu.sem_alloc : memref<!tpu.dma_semaphore, #tpu.memory_space<semaphore_mem>>
        %dma_start3A = arith.constant 0 : i32
        %dma_start3A_68 = tpu.memref_slice %arg6[%add3A_42, %dma_start3A] : memref<16x100000xf32, #tpu.memory_space<hbm>> -> memref<1x100000xf32, #tpu.memory_space<hbm>>
        %dma_start3A_69 = tpu.memref_squeeze %dma_start3A_68 : memref<1x100000xf32, #tpu.memory_space<hbm>> -> memref<100000xf32, #tpu.memory_space<hbm>>
        %dma_start3A_70 = arith.constant 0 : i32
        %dma_start3A_71 = tpu.memref_slice %arg6[%add3A_42, %dma_start3A_70] : memref<16x100000xf32, #tpu.memory_space<hbm>> -> memref<1x100000xf32, #tpu.memory_space<hbm>>
        %dma_start3A_72 = tpu.memref_squeeze %dma_start3A_71 : memref<1x100000xf32, #tpu.memory_space<hbm>> -> memref<100000xf32, #tpu.memory_space<hbm>>
        tpu.enqueue_dma source(%dma_start3A_72 : memref<100000xf32, #tpu.memory_space<hbm>>) target(%arg13 : memref<100000xf32, #tpu.memory_space<vmem>>) target_semaphore(%run_scoped3A : memref<!tpu.dma_semaphore, #tpu.memory_space<semaphore_mem>>)
        %dma_wait3A = arith.constant 0 : i32
        %dma_wait3A_73 = tpu.memref_slice %arg6[%add3A_42, %dma_wait3A] : memref<16x100000xf32, #tpu.memory_space<hbm>> -> memref<1x100000xf32, #tpu.memory_space<hbm>>
        %dma_wait3A_74 = tpu.memref_squeeze %dma_wait3A_73 : memref<1x100000xf32, #tpu.memory_space<hbm>> -> memref<100000xf32, #tpu.memory_space<hbm>>
        %dma_wait3A_75 = arith.constant 0 : i32
        %dma_wait3A_76 = tpu.memref_slice %arg6[%add3A_42, %dma_wait3A_75] : memref<16x100000xf32, #tpu.memory_space<hbm>> -> memref<1x100000xf32, #tpu.memory_space<hbm>>
        %dma_wait3A_77 = tpu.memref_squeeze %dma_wait3A_76 : memref<1x100000xf32, #tpu.memory_space<hbm>> -> memref<100000xf32, #tpu.memory_space<hbm>>
        tpu.wait_dma2 semaphore(%run_scoped3A : memref<!tpu.dma_semaphore, #tpu.memory_space<semaphore_mem>>) src(%dma_wait3A_77 : memref<100000xf32, #tpu.memory_space<hbm>>) dst(%arg13 : memref<100000xf32, #tpu.memory_space<vmem>>)
        tpu.yield
      }) : () -> ()
      %scan3A = arith.constant 0 : i32
      %scan3A_45 = arith.constant 0 : i32
      %scan3A_46 = arith.constant 256 : i32
      %scan3A_47 = arith.addi %scan3A_45, %scan3A_46 : i32
      %scan3A_48 = arith.constant 1 : i32
      scf.for %scan3A_68 = %scan3A_45 to %scan3A_47 step %scan3A_48  : i32 {
        %mul3A_69 = arith.constant 16 : i32
        %mul3A_70 = arith.muli %scan3A_68, %mul3A_69 : i32
        %get3A = arith.index_cast %mul3A_70 : i32 to index
        %get3A_71 = tpu.vector_load %arg11[%get3A] {strides = array<i32>} : memref<4096xi32, #tpu.memory_space<vmem>>, vector<16xi32>,
        %gather3A = tpu.vector_load_idx %arg13[%get3A_71] : memref<100000xf32, #tpu.memory_space<vmem>>[vector<16xi32>], vector<16xf32>,
        %mul3A_72 = arith.constant 16 : i32
        %mul3A_73 = arith.muli %scan3A_68, %mul3A_72 : i32
        %swap3A = arith.index_cast %mul3A_73 : i32 to index
        %swap3A_74 = tpu.vector_load %arg14[%swap3A] {strides = array<i32>} : memref<4096xf32, #tpu.memory_space<vmem>>, vector<16xf32>,
        tpu.vector_store %arg14[%swap3A], %gather3A {strides = array<i32>} : memref<4096xf32, #tpu.memory_space<vmem>>, vector<16xf32>,
      }
      %scan3A_49 = arith.constant 256 : i32
      %mul3A_50 = arith.constant 4096 : i32
      %mul3A_51 = arith.muli %add3A_44, %mul3A_50 : i32
      "tpu.region"() ({
        %run_scoped3A = tpu.sem_alloc : memref<!tpu.dma_semaphore, #tpu.memory_space<semaphore_mem>>
        %dma_start3A = tpu.memref_slice %arg10[%mul3A_51] : memref<786432xf32, #tpu.memory_space<hbm>> -> memref<4096xf32, #tpu.memory_space<hbm>>
        %dma_start3A_68 = tpu.memref_slice %arg10[%mul3A_51] : memref<786432xf32, #tpu.memory_space<hbm>> -> memref<4096xf32, #tpu.memory_space<hbm>>
        tpu.enqueue_dma source(%arg14 : memref<4096xf32, #tpu.memory_space<vmem>>) target(%dma_start3A_68 : memref<4096xf32, #tpu.memory_space<hbm>>) target_semaphore(%run_scoped3A : memref<!tpu.dma_semaphore, #tpu.memory_space<semaphore_mem>>)
        %dma_wait3A = tpu.memref_slice %arg10[%mul3A_51] : memref<786432xf32, #tpu.memory_space<hbm>> -> memref<4096xf32, #tpu.memory_space<hbm>>
        %dma_wait3A_69 = tpu.memref_slice %arg10[%mul3A_51] : memref<786432xf32, #tpu.memory_space<hbm>> -> memref<4096xf32, #tpu.memory_space<hbm>>
        tpu.wait_dma2 semaphore(%run_scoped3A : memref<!tpu.dma_semaphore, #tpu.memory_space<semaphore_mem>>) src(%arg14 : memref<4096xf32, #tpu.memory_space<vmem>>) dst(%dma_wait3A_69 : memref<4096xf32, #tpu.memory_space<hbm>>)
        tpu.yield
      }) : () -> ()
      %sub3A_52 = arith.constant 0 : i32
      %sub3A_53 = arith.subi %add3A, %sub3A_52 : i32
      %mul3A_54 = arith.constant 2 : i32
      %mul3A_55 = arith.muli %mul3A_54, %sub3A_53 : i32
      %add3A_56 = arith.constant 1 : i32
      %add3A_57 = arith.addi %mul3A_55, %add3A_56 : i32
      %add3A_58 = arith.constant 128 : i32
      %add3A_59 = arith.addi %add3A_58, %add3A_57 : i32
      "tpu.region"() ({
        %run_scoped3A = tpu.sem_alloc : memref<!tpu.dma_semaphore, #tpu.memory_space<semaphore_mem>>
        %dma_start3A = arith.constant 0 : i32
        %dma_start3A_68 = tpu.memref_slice %arg6[%add3A_57, %dma_start3A] : memref<16x100000xf32, #tpu.memory_space<hbm>> -> memref<1x100000xf32, #tpu.memory_space<hbm>>
        %dma_start3A_69 = tpu.memref_squeeze %dma_start3A_68 : memref<1x100000xf32, #tpu.memory_space<hbm>> -> memref<100000xf32, #tpu.memory_space<hbm>>
        %dma_start3A_70 = arith.constant 0 : i32
        %dma_start3A_71 = tpu.memref_slice %arg6[%add3A_57, %dma_start3A_70] : memref<16x100000xf32, #tpu.memory_space<hbm>> -> memref<1x100000xf32, #tpu.memory_space<hbm>>
        %dma_start3A_72 = tpu.memref_squeeze %dma_start3A_71 : memref<1x100000xf32, #tpu.memory_space<hbm>> -> memref<100000xf32, #tpu.memory_space<hbm>>
        tpu.enqueue_dma source(%dma_start3A_72 : memref<100000xf32, #tpu.memory_space<hbm>>) target(%arg13 : memref<100000xf32, #tpu.memory_space<vmem>>) target_semaphore(%run_scoped3A : memref<!tpu.dma_semaphore, #tpu.memory_space<semaphore_mem>>)
        %dma_wait3A = arith.constant 0 : i32
        %dma_wait3A_73 = tpu.memref_slice %arg6[%add3A_57, %dma_wait3A] : memref<16x100000xf32, #tpu.memory_space<hbm>> -> memref<1x100000xf32, #tpu.memory_space<hbm>>
        %dma_wait3A_74 = tpu.memref_squeeze %dma_wait3A_73 : memref<1x100000xf32, #tpu.memory_space<hbm>> -> memref<100000xf32, #tpu.memory_space<hbm>>
        %dma_wait3A_75 = arith.constant 0 : i32
        %dma_wait3A_76 = tpu.memref_slice %arg6[%add3A_57, %dma_wait3A_75] : memref<16x100000xf32, #tpu.memory_space<hbm>> -> memref<1x100000xf32, #tpu.memory_space<hbm>>
        %dma_wait3A_77 = tpu.memref_squeeze %dma_wait3A_76 : memref<1x100000xf32, #tpu.memory_space<hbm>> -> memref<100000xf32, #tpu.memory_space<hbm>>
        tpu.wait_dma2 semaphore(%run_scoped3A : memref<!tpu.dma_semaphore, #tpu.memory_space<semaphore_mem>>) src(%dma_wait3A_77 : memref<100000xf32, #tpu.memory_space<hbm>>) dst(%arg13 : memref<100000xf32, #tpu.memory_space<vmem>>)
        tpu.yield
      }) : () -> ()
      %scan3A_60 = arith.constant 0 : i32
      %scan3A_61 = arith.constant 0 : i32
      %scan3A_62 = arith.constant 256 : i32
      %scan3A_63 = arith.addi %scan3A_61, %scan3A_62 : i32
      %scan3A_64 = arith.constant 1 : i32
      scf.for %scan3A_68 = %scan3A_61 to %scan3A_63 step %scan3A_64  : i32 {
        %mul3A_69 = arith.constant 16 : i32
        %mul3A_70 = arith.muli %scan3A_68, %mul3A_69 : i32
        %get3A = arith.index_cast %mul3A_70 : i32 to index
        %get3A_71 = tpu.vector_load %arg11[%get3A] {strides = array<i32>} : memref<4096xi32, #tpu.memory_space<vmem>>, vector<16xi32>,
        %gather3A = tpu.vector_load_idx %arg13[%get3A_71] : memref<100000xf32, #tpu.memory_space<vmem>>[vector<16xi32>], vector<16xf32>,
        %mul3A_72 = arith.constant 16 : i32
        %mul3A_73 = arith.muli %scan3A_68, %mul3A_72 : i32
        %swap3A = arith.index_cast %mul3A_73 : i32 to index
        %swap3A_74 = tpu.vector_load %arg14[%swap3A] {strides = array<i32>} : memref<4096xf32, #tpu.memory_space<vmem>>, vector<16xf32>,
        tpu.vector_store %arg14[%swap3A], %gather3A {strides = array<i32>} : memref<4096xf32, #tpu.memory_space<vmem>>, vector<16xf32>,
      }
      %scan3A_65 = arith.constant 256 : i32
      %mul3A_66 = arith.constant 4096 : i32
      %mul3A_67 = arith.muli %add3A_59, %mul3A_66 : i32
      "tpu.region"() ({
        %run_scoped3A = tpu.sem_alloc : memref<!tpu.dma_semaphore, #tpu.memory_space<semaphore_mem>>
        %dma_start3A = tpu.memref_slice %arg10[%mul3A_67] : memref<786432xf32, #tpu.memory_space<hbm>> -> memref<4096xf32, #tpu.memory_space<hbm>>
        %dma_start3A_68 = tpu.memref_slice %arg10[%mul3A_67] : memref<786432xf32, #tpu.memory_space<hbm>> -> memref<4096xf32, #tpu.memory_space<hbm>>
        tpu.enqueue_dma source(%arg14 : memref<4096xf32, #tpu.memory_space<vmem>>) target(%dma_start3A_68 : memref<4096xf32, #tpu.memory_space<hbm>>) target_semaphore(%run_scoped3A : memref<!tpu.dma_semaphore, #tpu.memory_space<semaphore_mem>>)
        %dma_wait3A = tpu.memref_slice %arg10[%mul3A_67] : memref<786432xf32, #tpu.memory_space<hbm>> -> memref<4096xf32, #tpu.memory_space<hbm>>
        %dma_wait3A_69 = tpu.memref_slice %arg10[%mul3A_67] : memref<786432xf32, #tpu.memory_space<hbm>> -> memref<4096xf32, #tpu.memory_space<hbm>>
        tpu.wait_dma2 semaphore(%run_scoped3A : memref<!tpu.dma_semaphore, #tpu.memory_space<semaphore_mem>>) src(%arg14 : memref<4096xf32, #tpu.memory_space<vmem>>) dst(%dma_wait3A_69 : memref<4096xf32, #tpu.memory_space<hbm>>)
        tpu.yield
      }) : () -> ()
    } else {
    }
    %ge3A_14 = arith.constant 8 : i32
    %ge3A_15 = arith.cmpi sge, %add3A, %ge3A_14 : i32
    %lt3A_16 = arith.constant 16 : i32
    %lt3A_17 = arith.cmpi slt, %add3A, %lt3A_16 : i32
    %and3A_18 = arith.andi %ge3A_15, %lt3A_17 : i1
    %convert_element_type3A_19 = arith.extui %and3A_18 : i1 to i32
    %cond3A_20 = arith.constant 0 : i32
    %cond3A_21 = arith.cmpi ne, %convert_element_type3A_19, %cond3A_20 : i32
    scf.if %cond3A_21 {
      %sub3A = arith.constant 8 : i32
      %sub3A_38 = arith.subi %add3A, %sub3A : i32
      %mul3A_39 = arith.constant 2 : i32
      %mul3A_40 = arith.muli %mul3A_39, %sub3A_38 : i32
      %add3A_41 = arith.constant 0 : i32
      %add3A_42 = arith.addi %mul3A_40, %add3A_41 : i32
      %add3A_43 = arith.constant 144 : i32
      %add3A_44 = arith.addi %add3A_43, %add3A_42 : i32
      "tpu.region"() ({
        %run_scoped3A = tpu.sem_alloc : memref<!tpu.dma_semaphore, #tpu.memory_space<semaphore_mem>>
        %dma_start3A = arith.constant 0 : i32
        %dma_start3A_68 = tpu.memref_slice %arg7[%add3A_42, %dma_start3A] : memref<16x100000xf32, #tpu.memory_space<hbm>> -> memref<1x100000xf32, #tpu.memory_space<hbm>>
        %dma_start3A_69 = tpu.memref_squeeze %dma_start3A_68 : memref<1x100000xf32, #tpu.memory_space<hbm>> -> memref<100000xf32, #tpu.memory_space<hbm>>
        %dma_start3A_70 = arith.constant 0 : i32
        %dma_start3A_71 = tpu.memref_slice %arg7[%add3A_42, %dma_start3A_70] : memref<16x100000xf32, #tpu.memory_space<hbm>> -> memref<1x100000xf32, #tpu.memory_space<hbm>>
        %dma_start3A_72 = tpu.memref_squeeze %dma_start3A_71 : memref<1x100000xf32, #tpu.memory_space<hbm>> -> memref<100000xf32, #tpu.memory_space<hbm>>
        tpu.enqueue_dma source(%dma_start3A_72 : memref<100000xf32, #tpu.memory_space<hbm>>) target(%arg13 : memref<100000xf32, #tpu.memory_space<vmem>>) target_semaphore(%run_scoped3A : memref<!tpu.dma_semaphore, #tpu.memory_space<semaphore_mem>>)
        %dma_wait3A = arith.constant 0 : i32
        %dma_wait3A_73 = tpu.memref_slice %arg7[%add3A_42, %dma_wait3A] : memref<16x100000xf32, #tpu.memory_space<hbm>> -> memref<1x100000xf32, #tpu.memory_space<hbm>>
        %dma_wait3A_74 = tpu.memref_squeeze %dma_wait3A_73 : memref<1x100000xf32, #tpu.memory_space<hbm>> -> memref<100000xf32, #tpu.memory_space<hbm>>
        %dma_wait3A_75 = arith.constant 0 : i32
        %dma_wait3A_76 = tpu.memref_slice %arg7[%add3A_42, %dma_wait3A_75] : memref<16x100000xf32, #tpu.memory_space<hbm>> -> memref<1x100000xf32, #tpu.memory_space<hbm>>
        %dma_wait3A_77 = tpu.memref_squeeze %dma_wait3A_76 : memref<1x100000xf32, #tpu.memory_space<hbm>> -> memref<100000xf32, #tpu.memory_space<hbm>>
        tpu.wait_dma2 semaphore(%run_scoped3A : memref<!tpu.dma_semaphore, #tpu.memory_space<semaphore_mem>>) src(%dma_wait3A_77 : memref<100000xf32, #tpu.memory_space<hbm>>) dst(%arg13 : memref<100000xf32, #tpu.memory_space<vmem>>)
        tpu.yield
      }) : () -> ()
      %scan3A = arith.constant 0 : i32
      %scan3A_45 = arith.constant 0 : i32
      %scan3A_46 = arith.constant 256 : i32
      %scan3A_47 = arith.addi %scan3A_45, %scan3A_46 : i32
      %scan3A_48 = arith.constant 1 : i32
      scf.for %scan3A_68 = %scan3A_45 to %scan3A_47 step %scan3A_48  : i32 {
        %mul3A_69 = arith.constant 16 : i32
        %mul3A_70 = arith.muli %scan3A_68, %mul3A_69 : i32
        %get3A = arith.index_cast %mul3A_70 : i32 to index
        %get3A_71 = tpu.vector_load %arg12[%get3A] {strides = array<i32>} : memref<4096xi32, #tpu.memory_space<vmem>>, vector<16xi32>,
        %gather3A = tpu.vector_load_idx %arg13[%get3A_71] : memref<100000xf32, #tpu.memory_space<vmem>>[vector<16xi32>], vector<16xf32>,
        %mul3A_72 = arith.constant 16 : i32
        %mul3A_73 = arith.muli %scan3A_68, %mul3A_72 : i32
        %swap3A = arith.index_cast %mul3A_73 : i32 to index
        %swap3A_74 = tpu.vector_load %arg14[%swap3A] {strides = array<i32>} : memref<4096xf32, #tpu.memory_space<vmem>>, vector<16xf32>,
        tpu.vector_store %arg14[%swap3A], %gather3A {strides = array<i32>} : memref<4096xf32, #tpu.memory_space<vmem>>, vector<16xf32>,
      }
      %scan3A_49 = arith.constant 256 : i32
      %mul3A_50 = arith.constant 4096 : i32
      %mul3A_51 = arith.muli %add3A_44, %mul3A_50 : i32
      "tpu.region"() ({
        %run_scoped3A = tpu.sem_alloc : memref<!tpu.dma_semaphore, #tpu.memory_space<semaphore_mem>>
        %dma_start3A = tpu.memref_slice %arg10[%mul3A_51] : memref<786432xf32, #tpu.memory_space<hbm>> -> memref<4096xf32, #tpu.memory_space<hbm>>
        %dma_start3A_68 = tpu.memref_slice %arg10[%mul3A_51] : memref<786432xf32, #tpu.memory_space<hbm>> -> memref<4096xf32, #tpu.memory_space<hbm>>
        tpu.enqueue_dma source(%arg14 : memref<4096xf32, #tpu.memory_space<vmem>>) target(%dma_start3A_68 : memref<4096xf32, #tpu.memory_space<hbm>>) target_semaphore(%run_scoped3A : memref<!tpu.dma_semaphore, #tpu.memory_space<semaphore_mem>>)
        %dma_wait3A = tpu.memref_slice %arg10[%mul3A_51] : memref<786432xf32, #tpu.memory_space<hbm>> -> memref<4096xf32, #tpu.memory_space<hbm>>
        %dma_wait3A_69 = tpu.memref_slice %arg10[%mul3A_51] : memref<786432xf32, #tpu.memory_space<hbm>> -> memref<4096xf32, #tpu.memory_space<hbm>>
        tpu.wait_dma2 semaphore(%run_scoped3A : memref<!tpu.dma_semaphore, #tpu.memory_space<semaphore_mem>>) src(%arg14 : memref<4096xf32, #tpu.memory_space<vmem>>) dst(%dma_wait3A_69 : memref<4096xf32, #tpu.memory_space<hbm>>)
        tpu.yield
      }) : () -> ()
      %sub3A_52 = arith.constant 8 : i32
      %sub3A_53 = arith.subi %add3A, %sub3A_52 : i32
      %mul3A_54 = arith.constant 2 : i32
      %mul3A_55 = arith.muli %mul3A_54, %sub3A_53 : i32
      %add3A_56 = arith.constant 1 : i32
      %add3A_57 = arith.addi %mul3A_55, %add3A_56 : i32
      %add3A_58 = arith.constant 144 : i32
      %add3A_59 = arith.addi %add3A_58, %add3A_57 : i32
      "tpu.region"() ({
        %run_scoped3A = tpu.sem_alloc : memref<!tpu.dma_semaphore, #tpu.memory_space<semaphore_mem>>
        %dma_start3A = arith.constant 0 : i32
        %dma_start3A_68 = tpu.memref_slice %arg7[%add3A_57, %dma_start3A] : memref<16x100000xf32, #tpu.memory_space<hbm>> -> memref<1x100000xf32, #tpu.memory_space<hbm>>
        %dma_start3A_69 = tpu.memref_squeeze %dma_start3A_68 : memref<1x100000xf32, #tpu.memory_space<hbm>> -> memref<100000xf32, #tpu.memory_space<hbm>>
        %dma_start3A_70 = arith.constant 0 : i32
        %dma_start3A_71 = tpu.memref_slice %arg7[%add3A_57, %dma_start3A_70] : memref<16x100000xf32, #tpu.memory_space<hbm>> -> memref<1x100000xf32, #tpu.memory_space<hbm>>
        %dma_start3A_72 = tpu.memref_squeeze %dma_start3A_71 : memref<1x100000xf32, #tpu.memory_space<hbm>> -> memref<100000xf32, #tpu.memory_space<hbm>>
        tpu.enqueue_dma source(%dma_start3A_72 : memref<100000xf32, #tpu.memory_space<hbm>>) target(%arg13 : memref<100000xf32, #tpu.memory_space<vmem>>) target_semaphore(%run_scoped3A : memref<!tpu.dma_semaphore, #tpu.memory_space<semaphore_mem>>)
        %dma_wait3A = arith.constant 0 : i32
        %dma_wait3A_73 = tpu.memref_slice %arg7[%add3A_57, %dma_wait3A] : memref<16x100000xf32, #tpu.memory_space<hbm>> -> memref<1x100000xf32, #tpu.memory_space<hbm>>
        %dma_wait3A_74 = tpu.memref_squeeze %dma_wait3A_73 : memref<1x100000xf32, #tpu.memory_space<hbm>> -> memref<100000xf32, #tpu.memory_space<hbm>>
        %dma_wait3A_75 = arith.constant 0 : i32
        %dma_wait3A_76 = tpu.memref_slice %arg7[%add3A_57, %dma_wait3A_75] : memref<16x100000xf32, #tpu.memory_space<hbm>> -> memref<1x100000xf32, #tpu.memory_space<hbm>>
        %dma_wait3A_77 = tpu.memref_squeeze %dma_wait3A_76 : memref<1x100000xf32, #tpu.memory_space<hbm>> -> memref<100000xf32, #tpu.memory_space<hbm>>
        tpu.wait_dma2 semaphore(%run_scoped3A : memref<!tpu.dma_semaphore, #tpu.memory_space<semaphore_mem>>) src(%dma_wait3A_77 : memref<100000xf32, #tpu.memory_space<hbm>>) dst(%arg13 : memref<100000xf32, #tpu.memory_space<vmem>>)
        tpu.yield
      }) : () -> ()
      %scan3A_60 = arith.constant 0 : i32
      %scan3A_61 = arith.constant 0 : i32
      %scan3A_62 = arith.constant 256 : i32
      %scan3A_63 = arith.addi %scan3A_61, %scan3A_62 : i32
      %scan3A_64 = arith.constant 1 : i32
      scf.for %scan3A_68 = %scan3A_61 to %scan3A_63 step %scan3A_64  : i32 {
        %mul3A_69 = arith.constant 16 : i32
        %mul3A_70 = arith.muli %scan3A_68, %mul3A_69 : i32
        %get3A = arith.index_cast %mul3A_70 : i32 to index
        %get3A_71 = tpu.vector_load %arg12[%get3A] {strides = array<i32>} : memref<4096xi32, #tpu.memory_space<vmem>>, vector<16xi32>,
        %gather3A = tpu.vector_load_idx %arg13[%get3A_71] : memref<100000xf32, #tpu.memory_space<vmem>>[vector<16xi32>], vector<16xf32>,
        %mul3A_72 = arith.constant 16 : i32
        %mul3A_73 = arith.muli %scan3A_68, %mul3A_72 : i32
        %swap3A = arith.index_cast %mul3A_73 : i32 to index
        %swap3A_74 = tpu.vector_load %arg14[%swap3A] {strides = array<i32>} : memref<4096xf32, #tpu.memory_space<vmem>>, vector<16xf32>,
        tpu.vector_store %arg14[%swap3A], %gather3A {strides = array<i32>} : memref<4096xf32, #tpu.memory_space<vmem>>, vector<16xf32>,
      }
      %scan3A_65 = arith.constant 256 : i32
      %mul3A_66 = arith.constant 4096 : i32
      %mul3A_67 = arith.muli %add3A_59, %mul3A_66 : i32
      "tpu.region"() ({
        %run_scoped3A = tpu.sem_alloc : memref<!tpu.dma_semaphore, #tpu.memory_space<semaphore_mem>>
        %dma_start3A = tpu.memref_slice %arg10[%mul3A_67] : memref<786432xf32, #tpu.memory_space<hbm>> -> memref<4096xf32, #tpu.memory_space<hbm>>
        %dma_start3A_68 = tpu.memref_slice %arg10[%mul3A_67] : memref<786432xf32, #tpu.memory_space<hbm>> -> memref<4096xf32, #tpu.memory_space<hbm>>
        tpu.enqueue_dma source(%arg14 : memref<4096xf32, #tpu.memory_space<vmem>>) target(%dma_start3A_68 : memref<4096xf32, #tpu.memory_space<hbm>>) target_semaphore(%run_scoped3A : memref<!tpu.dma_semaphore, #tpu.memory_space<semaphore_mem>>)
        %dma_wait3A = tpu.memref_slice %arg10[%mul3A_67] : memref<786432xf32, #tpu.memory_space<hbm>> -> memref<4096xf32, #tpu.memory_space<hbm>>
        %dma_wait3A_69 = tpu.memref_slice %arg10[%mul3A_67] : memref<786432xf32, #tpu.memory_space<hbm>> -> memref<4096xf32, #tpu.memory_space<hbm>>
        tpu.wait_dma2 semaphore(%run_scoped3A : memref<!tpu.dma_semaphore, #tpu.memory_space<semaphore_mem>>) src(%arg14 : memref<4096xf32, #tpu.memory_space<vmem>>) dst(%dma_wait3A_69 : memref<4096xf32, #tpu.memory_space<hbm>>)
        tpu.yield
      }) : () -> ()
    } else {
    }
    %ge3A_22 = arith.constant 16 : i32
    %ge3A_23 = arith.cmpi sge, %add3A, %ge3A_22 : i32
    %lt3A_24 = arith.constant 24 : i32
    %lt3A_25 = arith.cmpi slt, %add3A, %lt3A_24 : i32
    %and3A_26 = arith.andi %ge3A_23, %lt3A_25 : i1
    %convert_element_type3A_27 = arith.extui %and3A_26 : i1 to i32
    %cond3A_28 = arith.constant 0 : i32
    %cond3A_29 = arith.cmpi ne, %convert_element_type3A_27, %cond3A_28 : i32
    scf.if %cond3A_29 {
      %sub3A = arith.constant 16 : i32
      %sub3A_38 = arith.subi %add3A, %sub3A : i32
      %mul3A_39 = arith.constant 2 : i32
      %mul3A_40 = arith.muli %mul3A_39, %sub3A_38 : i32
      %add3A_41 = arith.constant 0 : i32
      %add3A_42 = arith.addi %mul3A_40, %add3A_41 : i32
      %add3A_43 = arith.constant 160 : i32
      %add3A_44 = arith.addi %add3A_43, %add3A_42 : i32
      "tpu.region"() ({
        %run_scoped3A = tpu.sem_alloc : memref<!tpu.dma_semaphore, #tpu.memory_space<semaphore_mem>>
        %dma_start3A = arith.constant 0 : i32
        %dma_start3A_68 = tpu.memref_slice %arg8[%add3A_42, %dma_start3A] : memref<16x100000xf32, #tpu.memory_space<hbm>> -> memref<1x100000xf32, #tpu.memory_space<hbm>>
        %dma_start3A_69 = tpu.memref_squeeze %dma_start3A_68 : memref<1x100000xf32, #tpu.memory_space<hbm>> -> memref<100000xf32, #tpu.memory_space<hbm>>
        %dma_start3A_70 = arith.constant 0 : i32
        %dma_start3A_71 = tpu.memref_slice %arg8[%add3A_42, %dma_start3A_70] : memref<16x100000xf32, #tpu.memory_space<hbm>> -> memref<1x100000xf32, #tpu.memory_space<hbm>>
        %dma_start3A_72 = tpu.memref_squeeze %dma_start3A_71 : memref<1x100000xf32, #tpu.memory_space<hbm>> -> memref<100000xf32, #tpu.memory_space<hbm>>
        tpu.enqueue_dma source(%dma_start3A_72 : memref<100000xf32, #tpu.memory_space<hbm>>) target(%arg13 : memref<100000xf32, #tpu.memory_space<vmem>>) target_semaphore(%run_scoped3A : memref<!tpu.dma_semaphore, #tpu.memory_space<semaphore_mem>>)
        %dma_wait3A = arith.constant 0 : i32
        %dma_wait3A_73 = tpu.memref_slice %arg8[%add3A_42, %dma_wait3A] : memref<16x100000xf32, #tpu.memory_space<hbm>> -> memref<1x100000xf32, #tpu.memory_space<hbm>>
        %dma_wait3A_74 = tpu.memref_squeeze %dma_wait3A_73 : memref<1x100000xf32, #tpu.memory_space<hbm>> -> memref<100000xf32, #tpu.memory_space<hbm>>
        %dma_wait3A_75 = arith.constant 0 : i32
        %dma_wait3A_76 = tpu.memref_slice %arg8[%add3A_42, %dma_wait3A_75] : memref<16x100000xf32, #tpu.memory_space<hbm>> -> memref<1x100000xf32, #tpu.memory_space<hbm>>
        %dma_wait3A_77 = tpu.memref_squeeze %dma_wait3A_76 : memref<1x100000xf32, #tpu.memory_space<hbm>> -> memref<100000xf32, #tpu.memory_space<hbm>>
        tpu.wait_dma2 semaphore(%run_scoped3A : memref<!tpu.dma_semaphore, #tpu.memory_space<semaphore_mem>>) src(%dma_wait3A_77 : memref<100000xf32, #tpu.memory_space<hbm>>) dst(%arg13 : memref<100000xf32, #tpu.memory_space<vmem>>)
        tpu.yield
      }) : () -> ()
      %scan3A = arith.constant 0 : i32
      %scan3A_45 = arith.constant 0 : i32
      %scan3A_46 = arith.constant 256 : i32
      %scan3A_47 = arith.addi %scan3A_45, %scan3A_46 : i32
      %scan3A_48 = arith.constant 1 : i32
      scf.for %scan3A_68 = %scan3A_45 to %scan3A_47 step %scan3A_48  : i32 {
        %mul3A_69 = arith.constant 16 : i32
        %mul3A_70 = arith.muli %scan3A_68, %mul3A_69 : i32
        %get3A = arith.index_cast %mul3A_70 : i32 to index
        %get3A_71 = tpu.vector_load %arg11[%get3A] {strides = array<i32>} : memref<4096xi32, #tpu.memory_space<vmem>>, vector<16xi32>,
        %gather3A = tpu.vector_load_idx %arg13[%get3A_71] : memref<100000xf32, #tpu.memory_space<vmem>>[vector<16xi32>], vector<16xf32>,
        %mul3A_72 = arith.constant 16 : i32
        %mul3A_73 = arith.muli %scan3A_68, %mul3A_72 : i32
        %swap3A = arith.index_cast %mul3A_73 : i32 to index
        %swap3A_74 = tpu.vector_load %arg14[%swap3A] {strides = array<i32>} : memref<4096xf32, #tpu.memory_space<vmem>>, vector<16xf32>,
        tpu.vector_store %arg14[%swap3A], %gather3A {strides = array<i32>} : memref<4096xf32, #tpu.memory_space<vmem>>, vector<16xf32>,
      }
      %scan3A_49 = arith.constant 256 : i32
      %mul3A_50 = arith.constant 4096 : i32
      %mul3A_51 = arith.muli %add3A_44, %mul3A_50 : i32
      "tpu.region"() ({
        %run_scoped3A = tpu.sem_alloc : memref<!tpu.dma_semaphore, #tpu.memory_space<semaphore_mem>>
        %dma_start3A = tpu.memref_slice %arg10[%mul3A_51] : memref<786432xf32, #tpu.memory_space<hbm>> -> memref<4096xf32, #tpu.memory_space<hbm>>
        %dma_start3A_68 = tpu.memref_slice %arg10[%mul3A_51] : memref<786432xf32, #tpu.memory_space<hbm>> -> memref<4096xf32, #tpu.memory_space<hbm>>
        tpu.enqueue_dma source(%arg14 : memref<4096xf32, #tpu.memory_space<vmem>>) target(%dma_start3A_68 : memref<4096xf32, #tpu.memory_space<hbm>>) target_semaphore(%run_scoped3A : memref<!tpu.dma_semaphore, #tpu.memory_space<semaphore_mem>>)
        %dma_wait3A = tpu.memref_slice %arg10[%mul3A_51] : memref<786432xf32, #tpu.memory_space<hbm>> -> memref<4096xf32, #tpu.memory_space<hbm>>
        %dma_wait3A_69 = tpu.memref_slice %arg10[%mul3A_51] : memref<786432xf32, #tpu.memory_space<hbm>> -> memref<4096xf32, #tpu.memory_space<hbm>>
        tpu.wait_dma2 semaphore(%run_scoped3A : memref<!tpu.dma_semaphore, #tpu.memory_space<semaphore_mem>>) src(%arg14 : memref<4096xf32, #tpu.memory_space<vmem>>) dst(%dma_wait3A_69 : memref<4096xf32, #tpu.memory_space<hbm>>)
        tpu.yield
      }) : () -> ()
      %sub3A_52 = arith.constant 16 : i32
      %sub3A_53 = arith.subi %add3A, %sub3A_52 : i32
      %mul3A_54 = arith.constant 2 : i32
      %mul3A_55 = arith.muli %mul3A_54, %sub3A_53 : i32
      %add3A_56 = arith.constant 1 : i32
      %add3A_57 = arith.addi %mul3A_55, %add3A_56 : i32
      %add3A_58 = arith.constant 160 : i32
      %add3A_59 = arith.addi %add3A_58, %add3A_57 : i32
      "tpu.region"() ({
        %run_scoped3A = tpu.sem_alloc : memref<!tpu.dma_semaphore, #tpu.memory_space<semaphore_mem>>
        %dma_start3A = arith.constant 0 : i32
        %dma_start3A_68 = tpu.memref_slice %arg8[%add3A_57, %dma_start3A] : memref<16x100000xf32, #tpu.memory_space<hbm>> -> memref<1x100000xf32, #tpu.memory_space<hbm>>
        %dma_start3A_69 = tpu.memref_squeeze %dma_start3A_68 : memref<1x100000xf32, #tpu.memory_space<hbm>> -> memref<100000xf32, #tpu.memory_space<hbm>>
        %dma_start3A_70 = arith.constant 0 : i32
        %dma_start3A_71 = tpu.memref_slice %arg8[%add3A_57, %dma_start3A_70] : memref<16x100000xf32, #tpu.memory_space<hbm>> -> memref<1x100000xf32, #tpu.memory_space<hbm>>
        %dma_start3A_72 = tpu.memref_squeeze %dma_start3A_71 : memref<1x100000xf32, #tpu.memory_space<hbm>> -> memref<100000xf32, #tpu.memory_space<hbm>>
        tpu.enqueue_dma source(%dma_start3A_72 : memref<100000xf32, #tpu.memory_space<hbm>>) target(%arg13 : memref<100000xf32, #tpu.memory_space<vmem>>) target_semaphore(%run_scoped3A : memref<!tpu.dma_semaphore, #tpu.memory_space<semaphore_mem>>)
        %dma_wait3A = arith.constant 0 : i32
        %dma_wait3A_73 = tpu.memref_slice %arg8[%add3A_57, %dma_wait3A] : memref<16x100000xf32, #tpu.memory_space<hbm>> -> memref<1x100000xf32, #tpu.memory_space<hbm>>
        %dma_wait3A_74 = tpu.memref_squeeze %dma_wait3A_73 : memref<1x100000xf32, #tpu.memory_space<hbm>> -> memref<100000xf32, #tpu.memory_space<hbm>>
        %dma_wait3A_75 = arith.constant 0 : i32
        %dma_wait3A_76 = tpu.memref_slice %arg8[%add3A_57, %dma_wait3A_75] : memref<16x100000xf32, #tpu.memory_space<hbm>> -> memref<1x100000xf32, #tpu.memory_space<hbm>>
        %dma_wait3A_77 = tpu.memref_squeeze %dma_wait3A_76 : memref<1x100000xf32, #tpu.memory_space<hbm>> -> memref<100000xf32, #tpu.memory_space<hbm>>
        tpu.wait_dma2 semaphore(%run_scoped3A : memref<!tpu.dma_semaphore, #tpu.memory_space<semaphore_mem>>) src(%dma_wait3A_77 : memref<100000xf32, #tpu.memory_space<hbm>>) dst(%arg13 : memref<100000xf32, #tpu.memory_space<vmem>>)
        tpu.yield
      }) : () -> ()
      %scan3A_60 = arith.constant 0 : i32
      %scan3A_61 = arith.constant 0 : i32
      %scan3A_62 = arith.constant 256 : i32
      %scan3A_63 = arith.addi %scan3A_61, %scan3A_62 : i32
      %scan3A_64 = arith.constant 1 : i32
      scf.for %scan3A_68 = %scan3A_61 to %scan3A_63 step %scan3A_64  : i32 {
        %mul3A_69 = arith.constant 16 : i32
        %mul3A_70 = arith.muli %scan3A_68, %mul3A_69 : i32
        %get3A = arith.index_cast %mul3A_70 : i32 to index
        %get3A_71 = tpu.vector_load %arg11[%get3A] {strides = array<i32>} : memref<4096xi32, #tpu.memory_space<vmem>>, vector<16xi32>,
        %gather3A = tpu.vector_load_idx %arg13[%get3A_71] : memref<100000xf32, #tpu.memory_space<vmem>>[vector<16xi32>], vector<16xf32>,
        %mul3A_72 = arith.constant 16 : i32
        %mul3A_73 = arith.muli %scan3A_68, %mul3A_72 : i32
        %swap3A = arith.index_cast %mul3A_73 : i32 to index
        %swap3A_74 = tpu.vector_load %arg14[%swap3A] {strides = array<i32>} : memref<4096xf32, #tpu.memory_space<vmem>>, vector<16xf32>,
        tpu.vector_store %arg14[%swap3A], %gather3A {strides = array<i32>} : memref<4096xf32, #tpu.memory_space<vmem>>, vector<16xf32>,
      }
      %scan3A_65 = arith.constant 256 : i32
      %mul3A_66 = arith.constant 4096 : i32
      %mul3A_67 = arith.muli %add3A_59, %mul3A_66 : i32
      "tpu.region"() ({
        %run_scoped3A = tpu.sem_alloc : memref<!tpu.dma_semaphore, #tpu.memory_space<semaphore_mem>>
        %dma_start3A = tpu.memref_slice %arg10[%mul3A_67] : memref<786432xf32, #tpu.memory_space<hbm>> -> memref<4096xf32, #tpu.memory_space<hbm>>
        %dma_start3A_68 = tpu.memref_slice %arg10[%mul3A_67] : memref<786432xf32, #tpu.memory_space<hbm>> -> memref<4096xf32, #tpu.memory_space<hbm>>
        tpu.enqueue_dma source(%arg14 : memref<4096xf32, #tpu.memory_space<vmem>>) target(%dma_start3A_68 : memref<4096xf32, #tpu.memory_space<hbm>>) target_semaphore(%run_scoped3A : memref<!tpu.dma_semaphore, #tpu.memory_space<semaphore_mem>>)
        %dma_wait3A = tpu.memref_slice %arg10[%mul3A_67] : memref<786432xf32, #tpu.memory_space<hbm>> -> memref<4096xf32, #tpu.memory_space<hbm>>
        %dma_wait3A_69 = tpu.memref_slice %arg10[%mul3A_67] : memref<786432xf32, #tpu.memory_space<hbm>> -> memref<4096xf32, #tpu.memory_space<hbm>>
        tpu.wait_dma2 semaphore(%run_scoped3A : memref<!tpu.dma_semaphore, #tpu.memory_space<semaphore_mem>>) src(%arg14 : memref<4096xf32, #tpu.memory_space<vmem>>) dst(%dma_wait3A_69 : memref<4096xf32, #tpu.memory_space<hbm>>)
        tpu.yield
      }) : () -> ()
    } else {
    }
    %ge3A_30 = arith.constant 24 : i32
    %ge3A_31 = arith.cmpi sge, %add3A, %ge3A_30 : i32
    %lt3A_32 = arith.constant 32 : i32
    %lt3A_33 = arith.cmpi slt, %add3A, %lt3A_32 : i32
    %and3A_34 = arith.andi %ge3A_31, %lt3A_33 : i1
    %convert_element_type3A_35 = arith.extui %and3A_34 : i1 to i32
    %cond3A_36 = arith.constant 0 : i32
    %cond3A_37 = arith.cmpi ne, %convert_element_type3A_35, %cond3A_36 : i32
    scf.if %cond3A_37 {
      %sub3A = arith.constant 24 : i32
      %sub3A_38 = arith.subi %add3A, %sub3A : i32
      %mul3A_39 = arith.constant 2 : i32
      %mul3A_40 = arith.muli %mul3A_39, %sub3A_38 : i32
      %add3A_41 = arith.constant 0 : i32
      %add3A_42 = arith.addi %mul3A_40, %add3A_41 : i32
      %add3A_43 = arith.constant 176 : i32
      %add3A_44 = arith.addi %add3A_43, %add3A_42 : i32
      "tpu.region"() ({
        %run_scoped3A = tpu.sem_alloc : memref<!tpu.dma_semaphore, #tpu.memory_space<semaphore_mem>>
        %dma_start3A = arith.constant 0 : i32
        %dma_start3A_68 = tpu.memref_slice %arg9[%add3A_42, %dma_start3A] : memref<16x100000xf32, #tpu.memory_space<hbm>> -> memref<1x100000xf32, #tpu.memory_space<hbm>>
        %dma_start3A_69 = tpu.memref_squeeze %dma_start3A_68 : memref<1x100000xf32, #tpu.memory_space<hbm>> -> memref<100000xf32, #tpu.memory_space<hbm>>
        %dma_start3A_70 = arith.constant 0 : i32
        %dma_start3A_71 = tpu.memref_slice %arg9[%add3A_42, %dma_start3A_70] : memref<16x100000xf32, #tpu.memory_space<hbm>> -> memref<1x100000xf32, #tpu.memory_space<hbm>>
        %dma_start3A_72 = tpu.memref_squeeze %dma_start3A_71 : memref<1x100000xf32, #tpu.memory_space<hbm>> -> memref<100000xf32, #tpu.memory_space<hbm>>
        tpu.enqueue_dma source(%dma_start3A_72 : memref<100000xf32, #tpu.memory_space<hbm>>) target(%arg13 : memref<100000xf32, #tpu.memory_space<vmem>>) target_semaphore(%run_scoped3A : memref<!tpu.dma_semaphore, #tpu.memory_space<semaphore_mem>>)
        %dma_wait3A = arith.constant 0 : i32
        %dma_wait3A_73 = tpu.memref_slice %arg9[%add3A_42, %dma_wait3A] : memref<16x100000xf32, #tpu.memory_space<hbm>> -> memref<1x100000xf32, #tpu.memory_space<hbm>>
        %dma_wait3A_74 = tpu.memref_squeeze %dma_wait3A_73 : memref<1x100000xf32, #tpu.memory_space<hbm>> -> memref<100000xf32, #tpu.memory_space<hbm>>
        %dma_wait3A_75 = arith.constant 0 : i32
        %dma_wait3A_76 = tpu.memref_slice %arg9[%add3A_42, %dma_wait3A_75] : memref<16x100000xf32, #tpu.memory_space<hbm>> -> memref<1x100000xf32, #tpu.memory_space<hbm>>
        %dma_wait3A_77 = tpu.memref_squeeze %dma_wait3A_76 : memref<1x100000xf32, #tpu.memory_space<hbm>> -> memref<100000xf32, #tpu.memory_space<hbm>>
        tpu.wait_dma2 semaphore(%run_scoped3A : memref<!tpu.dma_semaphore, #tpu.memory_space<semaphore_mem>>) src(%dma_wait3A_77 : memref<100000xf32, #tpu.memory_space<hbm>>) dst(%arg13 : memref<100000xf32, #tpu.memory_space<vmem>>)
        tpu.yield
      }) : () -> ()
      %scan3A = arith.constant 0 : i32
      %scan3A_45 = arith.constant 0 : i32
      %scan3A_46 = arith.constant 256 : i32
      %scan3A_47 = arith.addi %scan3A_45, %scan3A_46 : i32
      %scan3A_48 = arith.constant 1 : i32
      scf.for %scan3A_68 = %scan3A_45 to %scan3A_47 step %scan3A_48  : i32 {
        %mul3A_69 = arith.constant 16 : i32
        %mul3A_70 = arith.muli %scan3A_68, %mul3A_69 : i32
        %get3A = arith.index_cast %mul3A_70 : i32 to index
        %get3A_71 = tpu.vector_load %arg12[%get3A] {strides = array<i32>} : memref<4096xi32, #tpu.memory_space<vmem>>, vector<16xi32>,
        %gather3A = tpu.vector_load_idx %arg13[%get3A_71] : memref<100000xf32, #tpu.memory_space<vmem>>[vector<16xi32>], vector<16xf32>,
        %mul3A_72 = arith.constant 16 : i32
        %mul3A_73 = arith.muli %scan3A_68, %mul3A_72 : i32
        %swap3A = arith.index_cast %mul3A_73 : i32 to index
        %swap3A_74 = tpu.vector_load %arg14[%swap3A] {strides = array<i32>} : memref<4096xf32, #tpu.memory_space<vmem>>, vector<16xf32>,
        tpu.vector_store %arg14[%swap3A], %gather3A {strides = array<i32>} : memref<4096xf32, #tpu.memory_space<vmem>>, vector<16xf32>,
      }
      %scan3A_49 = arith.constant 256 : i32
      %mul3A_50 = arith.constant 4096 : i32
      %mul3A_51 = arith.muli %add3A_44, %mul3A_50 : i32
      "tpu.region"() ({
        %run_scoped3A = tpu.sem_alloc : memref<!tpu.dma_semaphore, #tpu.memory_space<semaphore_mem>>
        %dma_start3A = tpu.memref_slice %arg10[%mul3A_51] : memref<786432xf32, #tpu.memory_space<hbm>> -> memref<4096xf32, #tpu.memory_space<hbm>>
        %dma_start3A_68 = tpu.memref_slice %arg10[%mul3A_51] : memref<786432xf32, #tpu.memory_space<hbm>> -> memref<4096xf32, #tpu.memory_space<hbm>>
        tpu.enqueue_dma source(%arg14 : memref<4096xf32, #tpu.memory_space<vmem>>) target(%dma_start3A_68 : memref<4096xf32, #tpu.memory_space<hbm>>) target_semaphore(%run_scoped3A : memref<!tpu.dma_semaphore, #tpu.memory_space<semaphore_mem>>)
        %dma_wait3A = tpu.memref_slice %arg10[%mul3A_51] : memref<786432xf32, #tpu.memory_space<hbm>> -> memref<4096xf32, #tpu.memory_space<hbm>>
        %dma_wait3A_69 = tpu.memref_slice %arg10[%mul3A_51] : memref<786432xf32, #tpu.memory_space<hbm>> -> memref<4096xf32, #tpu.memory_space<hbm>>
        tpu.wait_dma2 semaphore(%run_scoped3A : memref<!tpu.dma_semaphore, #tpu.memory_space<semaphore_mem>>) src(%arg14 : memref<4096xf32, #tpu.memory_space<vmem>>) dst(%dma_wait3A_69 : memref<4096xf32, #tpu.memory_space<hbm>>)
        tpu.yield
      }) : () -> ()
      %sub3A_52 = arith.constant 24 : i32
      %sub3A_53 = arith.subi %add3A, %sub3A_52 : i32
      %mul3A_54 = arith.constant 2 : i32
      %mul3A_55 = arith.muli %mul3A_54, %sub3A_53 : i32
      %add3A_56 = arith.constant 1 : i32
      %add3A_57 = arith.addi %mul3A_55, %add3A_56 : i32
      %add3A_58 = arith.constant 176 : i32
      %add3A_59 = arith.addi %add3A_58, %add3A_57 : i32
      "tpu.region"() ({
        %run_scoped3A = tpu.sem_alloc : memref<!tpu.dma_semaphore, #tpu.memory_space<semaphore_mem>>
        %dma_start3A = arith.constant 0 : i32
        %dma_start3A_68 = tpu.memref_slice %arg9[%add3A_57, %dma_start3A] : memref<16x100000xf32, #tpu.memory_space<hbm>> -> memref<1x100000xf32, #tpu.memory_space<hbm>>
        %dma_start3A_69 = tpu.memref_squeeze %dma_start3A_68 : memref<1x100000xf32, #tpu.memory_space<hbm>> -> memref<100000xf32, #tpu.memory_space<hbm>>
        %dma_start3A_70 = arith.constant 0 : i32
        %dma_start3A_71 = tpu.memref_slice %arg9[%add3A_57, %dma_start3A_70] : memref<16x100000xf32, #tpu.memory_space<hbm>> -> memref<1x100000xf32, #tpu.memory_space<hbm>>
        %dma_start3A_72 = tpu.memref_squeeze %dma_start3A_71 : memref<1x100000xf32, #tpu.memory_space<hbm>> -> memref<100000xf32, #tpu.memory_space<hbm>>
        tpu.enqueue_dma source(%dma_start3A_72 : memref<100000xf32, #tpu.memory_space<hbm>>) target(%arg13 : memref<100000xf32, #tpu.memory_space<vmem>>) target_semaphore(%run_scoped3A : memref<!tpu.dma_semaphore, #tpu.memory_space<semaphore_mem>>)
        %dma_wait3A = arith.constant 0 : i32
        %dma_wait3A_73 = tpu.memref_slice %arg9[%add3A_57, %dma_wait3A] : memref<16x100000xf32, #tpu.memory_space<hbm>> -> memref<1x100000xf32, #tpu.memory_space<hbm>>
        %dma_wait3A_74 = tpu.memref_squeeze %dma_wait3A_73 : memref<1x100000xf32, #tpu.memory_space<hbm>> -> memref<100000xf32, #tpu.memory_space<hbm>>
        %dma_wait3A_75 = arith.constant 0 : i32
        %dma_wait3A_76 = tpu.memref_slice %arg9[%add3A_57, %dma_wait3A_75] : memref<16x100000xf32, #tpu.memory_space<hbm>> -> memref<1x100000xf32, #tpu.memory_space<hbm>>
        %dma_wait3A_77 = tpu.memref_squeeze %dma_wait3A_76 : memref<1x100000xf32, #tpu.memory_space<hbm>> -> memref<100000xf32, #tpu.memory_space<hbm>>
        tpu.wait_dma2 semaphore(%run_scoped3A : memref<!tpu.dma_semaphore, #tpu.memory_space<semaphore_mem>>) src(%dma_wait3A_77 : memref<100000xf32, #tpu.memory_space<hbm>>) dst(%arg13 : memref<100000xf32, #tpu.memory_space<vmem>>)
        tpu.yield
      }) : () -> ()
      %scan3A_60 = arith.constant 0 : i32
      %scan3A_61 = arith.constant 0 : i32
      %scan3A_62 = arith.constant 256 : i32
      %scan3A_63 = arith.addi %scan3A_61, %scan3A_62 : i32
      %scan3A_64 = arith.constant 1 : i32
      scf.for %scan3A_68 = %scan3A_61 to %scan3A_63 step %scan3A_64  : i32 {
        %mul3A_69 = arith.constant 16 : i32
        %mul3A_70 = arith.muli %scan3A_68, %mul3A_69 : i32
        %get3A = arith.index_cast %mul3A_70 : i32 to index
        %get3A_71 = tpu.vector_load %arg12[%get3A] {strides = array<i32>} : memref<4096xi32, #tpu.memory_space<vmem>>, vector<16xi32>,
        %gather3A = tpu.vector_load_idx %arg13[%get3A_71] : memref<100000xf32, #tpu.memory_space<vmem>>[vector<16xi32>], vector<16xf32>,
        %mul3A_72 = arith.constant 16 : i32
        %mul3A_73 = arith.muli %scan3A_68, %mul3A_72 : i32
        %swap3A = arith.index_cast %mul3A_73 : i32 to index
        %swap3A_74 = tpu.vector_load %arg14[%swap3A] {strides = array<i32>} : memref<4096xf32, #tpu.memory_space<vmem>>, vector<16xf32>,
        tpu.vector_store %arg14[%swap3A], %gather3A {strides = array<i32>} : memref<4096xf32, #tpu.memory_space<vmem>>, vector<16xf32>,
      }
      %scan3A_65 = arith.constant 256 : i32
      %mul3A_66 = arith.constant 4096 : i32
      %mul3A_67 = arith.muli %add3A_59, %mul3A_66 : i32
      "tpu.region"() ({
        %run_scoped3A = tpu.sem_alloc : memref<!tpu.dma_semaphore, #tpu.memory_space<semaphore_mem>>
        %dma_start3A = tpu.memref_slice %arg10[%mul3A_67] : memref<786432xf32, #tpu.memory_space<hbm>> -> memref<4096xf32, #tpu.memory_space<hbm>>
        %dma_start3A_68 = tpu.memref_slice %arg10[%mul3A_67] : memref<786432xf32, #tpu.memory_space<hbm>> -> memref<4096xf32, #tpu.memory_space<hbm>>
        tpu.enqueue_dma source(%arg14 : memref<4096xf32, #tpu.memory_space<vmem>>) target(%dma_start3A_68 : memref<4096xf32, #tpu.memory_space<hbm>>) target_semaphore(%run_scoped3A : memref<!tpu.dma_semaphore, #tpu.memory_space<semaphore_mem>>)
        %dma_wait3A = tpu.memref_slice %arg10[%mul3A_67] : memref<786432xf32, #tpu.memory_space<hbm>> -> memref<4096xf32, #tpu.memory_space<hbm>>
        %dma_wait3A_69 = tpu.memref_slice %arg10[%mul3A_67] : memref<786432xf32, #tpu.memory_space<hbm>> -> memref<4096xf32, #tpu.memory_space<hbm>>
        tpu.wait_dma2 semaphore(%run_scoped3A : memref<!tpu.dma_semaphore, #tpu.memory_space<semaphore_mem>>) src(%arg14 : memref<4096xf32, #tpu.memory_space<vmem>>) dst(%dma_wait3A_69 : memref<4096xf32, #tpu.memory_space<hbm>>)
        tpu.yield
      }) : () -> ()
    } else {
    }
    return
  }
}

#map = affine_map<(d0, d1) -> (0)>
#map1 = affine_map<(d0, d1) -> (0, 0)>
module attributes {stable_mosaic.version = 14 : i64} {
  func.func @_sc2_body(%arg0: i32, %arg1: i32, %arg2: memref<4096xi32, #tpu.memory_space<hbm>>, %arg3: memref<4096xi32, #tpu.memory_space<hbm>>, %arg4: memref<16x100000xf32, #tpu.memory_space<hbm>>, %arg5: memref<16x100000xf32, #tpu.memory_space<hbm>>, %arg6: memref<131072xf32, #tpu.memory_space<hbm>>, %arg7: memref<4096xi32, #tpu.memory_space<vmem>>, %arg8: memref<4096xi32, #tpu.memory_space<vmem>>, %arg9: memref<100000xf32, #tpu.memory_space<vmem>>, %arg10: memref<4096xf32, #tpu.memory_space<vmem>>) attributes {dimension_semantics = [#tpu.dimension_semantics<core_parallel>, #tpu.dimension_semantics<subcore_parallel>], iteration_bounds = array<i64: 2, 16>, scalar_prefetch = 0 : i64, scratch_operands = 4 : i64, tpu.core_type = #tpu.core_type<sc_vector_subcore>, window_params = [{transform_indices = #map}, {transform_indices = #map}, {transform_indices = #map1}, {transform_indices = #map1}, {transform_indices = #map}]} {
    %mul3A = arith.constant 2 : i32
    %mul3A_0 = arith.muli %arg1, %mul3A : i32
    %add3A = arith.addi %mul3A_0, %arg0 : i32
    "tpu.region"() ({
      %run_scoped3A = tpu.sem_alloc : memref<!tpu.dma_semaphore, #tpu.memory_space<semaphore_mem>>
      tpu.enqueue_dma source(%arg2 : memref<4096xi32, #tpu.memory_space<hbm>>) target(%arg7 : memref<4096xi32, #tpu.memory_space<vmem>>) target_semaphore(%run_scoped3A : memref<!tpu.dma_semaphore, #tpu.memory_space<semaphore_mem>>)
      tpu.wait_dma2 semaphore(%run_scoped3A : memref<!tpu.dma_semaphore, #tpu.memory_space<semaphore_mem>>) src(%arg2 : memref<4096xi32, #tpu.memory_space<hbm>>) dst(%arg7 : memref<4096xi32, #tpu.memory_space<vmem>>)
      tpu.yield
    }) : () -> ()
    "tpu.region"() ({
      %run_scoped3A = tpu.sem_alloc : memref<!tpu.dma_semaphore, #tpu.memory_space<semaphore_mem>>
      tpu.enqueue_dma source(%arg3 : memref<4096xi32, #tpu.memory_space<hbm>>) target(%arg8 : memref<4096xi32, #tpu.memory_space<vmem>>) target_semaphore(%run_scoped3A : memref<!tpu.dma_semaphore, #tpu.memory_space<semaphore_mem>>)
      tpu.wait_dma2 semaphore(%run_scoped3A : memref<!tpu.dma_semaphore, #tpu.memory_space<semaphore_mem>>) src(%arg3 : memref<4096xi32, #tpu.memory_space<hbm>>) dst(%arg8 : memref<4096xi32, #tpu.memory_space<vmem>>)
      tpu.yield
    }) : () -> ()
    %lt3A = arith.constant 16 : i32
    %lt3A_1 = arith.cmpi slt, %add3A, %lt3A : i32
    %convert_element_type3A = arith.extui %lt3A_1 : i1 to i32
    %cond3A = arith.constant 0 : i32
    %cond3A_2 = arith.cmpi ne, %convert_element_type3A, %cond3A : i32
    scf.if %cond3A_2 {
      "tpu.region"() ({
        %run_scoped3A = tpu.sem_alloc : memref<!tpu.dma_semaphore, #tpu.memory_space<semaphore_mem>>
        %dma_start3A = arith.constant 0 : i32
        %dma_start3A_14 = tpu.memref_slice %arg4[%add3A, %dma_start3A] : memref<16x100000xf32, #tpu.memory_space<hbm>> -> memref<1x100000xf32, #tpu.memory_space<hbm>>
        %dma_start3A_15 = tpu.memref_squeeze %dma_start3A_14 : memref<1x100000xf32, #tpu.memory_space<hbm>> -> memref<100000xf32, #tpu.memory_space<hbm>>
        %dma_start3A_16 = arith.constant 0 : i32
        %dma_start3A_17 = tpu.memref_slice %arg4[%add3A, %dma_start3A_16] : memref<16x100000xf32, #tpu.memory_space<hbm>> -> memref<1x100000xf32, #tpu.memory_space<hbm>>
        %dma_start3A_18 = tpu.memref_squeeze %dma_start3A_17 : memref<1x100000xf32, #tpu.memory_space<hbm>> -> memref<100000xf32, #tpu.memory_space<hbm>>
        tpu.enqueue_dma source(%dma_start3A_18 : memref<100000xf32, #tpu.memory_space<hbm>>) target(%arg9 : memref<100000xf32, #tpu.memory_space<vmem>>) target_semaphore(%run_scoped3A : memref<!tpu.dma_semaphore, #tpu.memory_space<semaphore_mem>>)
        %dma_wait3A = arith.constant 0 : i32
        %dma_wait3A_19 = tpu.memref_slice %arg4[%add3A, %dma_wait3A] : memref<16x100000xf32, #tpu.memory_space<hbm>> -> memref<1x100000xf32, #tpu.memory_space<hbm>>
        %dma_wait3A_20 = tpu.memref_squeeze %dma_wait3A_19 : memref<1x100000xf32, #tpu.memory_space<hbm>> -> memref<100000xf32, #tpu.memory_space<hbm>>
        %dma_wait3A_21 = arith.constant 0 : i32
        %dma_wait3A_22 = tpu.memref_slice %arg4[%add3A, %dma_wait3A_21] : memref<16x100000xf32, #tpu.memory_space<hbm>> -> memref<1x100000xf32, #tpu.memory_space<hbm>>
        %dma_wait3A_23 = tpu.memref_squeeze %dma_wait3A_22 : memref<1x100000xf32, #tpu.memory_space<hbm>> -> memref<100000xf32, #tpu.memory_space<hbm>>
        tpu.wait_dma2 semaphore(%run_scoped3A : memref<!tpu.dma_semaphore, #tpu.memory_space<semaphore_mem>>) src(%dma_wait3A_23 : memref<100000xf32, #tpu.memory_space<hbm>>) dst(%arg9 : memref<100000xf32, #tpu.memory_space<vmem>>)
        tpu.yield
      }) : () -> ()
      %scan3A = arith.constant 0 : i32
      %scan3A_7 = arith.constant 0 : i32
      %scan3A_8 = arith.constant 256 : i32
      %scan3A_9 = arith.addi %scan3A_7, %scan3A_8 : i32
      %scan3A_10 = arith.constant 1 : i32
      scf.for %scan3A_14 = %scan3A_7 to %scan3A_9 step %scan3A_10  : i32 {
        %mul3A_15 = arith.constant 16 : i32
        %mul3A_16 = arith.muli %scan3A_14, %mul3A_15 : i32
        %get3A = arith.index_cast %mul3A_16 : i32 to index
        %get3A_17 = tpu.vector_load %arg7[%get3A] {strides = array<i32>} : memref<4096xi32, #tpu.memory_space<vmem>>, vector<16xi32>,
        %gather3A = tpu.vector_load_idx %arg9[%get3A_17] : memref<100000xf32, #tpu.memory_space<vmem>>[vector<16xi32>], vector<16xf32>,
        %mul3A_18 = arith.constant 16 : i32
        %mul3A_19 = arith.muli %scan3A_14, %mul3A_18 : i32
        %swap3A = arith.index_cast %mul3A_19 : i32 to index
        %swap3A_20 = tpu.vector_load %arg10[%swap3A] {strides = array<i32>} : memref<4096xf32, #tpu.memory_space<vmem>>, vector<16xf32>,
        tpu.vector_store %arg10[%swap3A], %gather3A {strides = array<i32>} : memref<4096xf32, #tpu.memory_space<vmem>>, vector<16xf32>,
      }
      %scan3A_11 = arith.constant 256 : i32
      %mul3A_12 = arith.constant 4096 : i32
      %mul3A_13 = arith.muli %add3A, %mul3A_12 : i32
      "tpu.region"() ({
        %run_scoped3A = tpu.sem_alloc : memref<!tpu.dma_semaphore, #tpu.memory_space<semaphore_mem>>
        %dma_start3A = tpu.memref_slice %arg6[%mul3A_13] : memref<131072xf32, #tpu.memory_space<hbm>> -> memref<4096xf32, #tpu.memory_space<hbm>>
        %dma_start3A_14 = tpu.memref_slice %arg6[%mul3A_13] : memref<131072xf32, #tpu.memory_space<hbm>> -> memref<4096xf32, #tpu.memory_space<hbm>>
        tpu.enqueue_dma source(%arg10 : memref<4096xf32, #tpu.memory_space<vmem>>) target(%dma_start3A_14 : memref<4096xf32, #tpu.memory_space<hbm>>) target_semaphore(%run_scoped3A : memref<!tpu.dma_semaphore, #tpu.memory_space<semaphore_mem>>)
        %dma_wait3A = tpu.memref_slice %arg6[%mul3A_13] : memref<131072xf32, #tpu.memory_space<hbm>> -> memref<4096xf32, #tpu.memory_space<hbm>>
        %dma_wait3A_15 = tpu.memref_slice %arg6[%mul3A_13] : memref<131072xf32, #tpu.memory_space<hbm>> -> memref<4096xf32, #tpu.memory_space<hbm>>
        tpu.wait_dma2 semaphore(%run_scoped3A : memref<!tpu.dma_semaphore, #tpu.memory_space<semaphore_mem>>) src(%arg10 : memref<4096xf32, #tpu.memory_space<vmem>>) dst(%dma_wait3A_15 : memref<4096xf32, #tpu.memory_space<hbm>>)
        tpu.yield
      }) : () -> ()
    } else {
    }
    %ge3A = arith.constant 16 : i32
    %ge3A_3 = arith.cmpi sge, %add3A, %ge3A : i32
    %convert_element_type3A_4 = arith.extui %ge3A_3 : i1 to i32
    %cond3A_5 = arith.constant 0 : i32
    %cond3A_6 = arith.cmpi ne, %convert_element_type3A_4, %cond3A_5 : i32
    scf.if %cond3A_6 {
      %sub3A = arith.constant 16 : i32
      %sub3A_7 = arith.subi %add3A, %sub3A : i32
      "tpu.region"() ({
        %run_scoped3A = tpu.sem_alloc : memref<!tpu.dma_semaphore, #tpu.memory_space<semaphore_mem>>
        %dma_start3A = arith.constant 0 : i32
        %dma_start3A_15 = tpu.memref_slice %arg5[%sub3A_7, %dma_start3A] : memref<16x100000xf32, #tpu.memory_space<hbm>> -> memref<1x100000xf32, #tpu.memory_space<hbm>>
        %dma_start3A_16 = tpu.memref_squeeze %dma_start3A_15 : memref<1x100000xf32, #tpu.memory_space<hbm>> -> memref<100000xf32, #tpu.memory_space<hbm>>
        %dma_start3A_17 = arith.constant 0 : i32
        %dma_start3A_18 = tpu.memref_slice %arg5[%sub3A_7, %dma_start3A_17] : memref<16x100000xf32, #tpu.memory_space<hbm>> -> memref<1x100000xf32, #tpu.memory_space<hbm>>
        %dma_start3A_19 = tpu.memref_squeeze %dma_start3A_18 : memref<1x100000xf32, #tpu.memory_space<hbm>> -> memref<100000xf32, #tpu.memory_space<hbm>>
        tpu.enqueue_dma source(%dma_start3A_19 : memref<100000xf32, #tpu.memory_space<hbm>>) target(%arg9 : memref<100000xf32, #tpu.memory_space<vmem>>) target_semaphore(%run_scoped3A : memref<!tpu.dma_semaphore, #tpu.memory_space<semaphore_mem>>)
        %dma_wait3A = arith.constant 0 : i32
        %dma_wait3A_20 = tpu.memref_slice %arg5[%sub3A_7, %dma_wait3A] : memref<16x100000xf32, #tpu.memory_space<hbm>> -> memref<1x100000xf32, #tpu.memory_space<hbm>>
        %dma_wait3A_21 = tpu.memref_squeeze %dma_wait3A_20 : memref<1x100000xf32, #tpu.memory_space<hbm>> -> memref<100000xf32, #tpu.memory_space<hbm>>
        %dma_wait3A_22 = arith.constant 0 : i32
        %dma_wait3A_23 = tpu.memref_slice %arg5[%sub3A_7, %dma_wait3A_22] : memref<16x100000xf32, #tpu.memory_space<hbm>> -> memref<1x100000xf32, #tpu.memory_space<hbm>>
        %dma_wait3A_24 = tpu.memref_squeeze %dma_wait3A_23 : memref<1x100000xf32, #tpu.memory_space<hbm>> -> memref<100000xf32, #tpu.memory_space<hbm>>
        tpu.wait_dma2 semaphore(%run_scoped3A : memref<!tpu.dma_semaphore, #tpu.memory_space<semaphore_mem>>) src(%dma_wait3A_24 : memref<100000xf32, #tpu.memory_space<hbm>>) dst(%arg9 : memref<100000xf32, #tpu.memory_space<vmem>>)
        tpu.yield
      }) : () -> ()
      %scan3A = arith.constant 0 : i32
      %scan3A_8 = arith.constant 0 : i32
      %scan3A_9 = arith.constant 256 : i32
      %scan3A_10 = arith.addi %scan3A_8, %scan3A_9 : i32
      %scan3A_11 = arith.constant 1 : i32
      scf.for %scan3A_15 = %scan3A_8 to %scan3A_10 step %scan3A_11  : i32 {
        %mul3A_16 = arith.constant 16 : i32
        %mul3A_17 = arith.muli %scan3A_15, %mul3A_16 : i32
        %get3A = arith.index_cast %mul3A_17 : i32 to index
        %get3A_18 = tpu.vector_load %arg8[%get3A] {strides = array<i32>} : memref<4096xi32, #tpu.memory_space<vmem>>, vector<16xi32>,
        %gather3A = tpu.vector_load_idx %arg9[%get3A_18] : memref<100000xf32, #tpu.memory_space<vmem>>[vector<16xi32>], vector<16xf32>,
        %mul3A_19 = arith.constant 16 : i32
        %mul3A_20 = arith.muli %scan3A_15, %mul3A_19 : i32
        %swap3A = arith.index_cast %mul3A_20 : i32 to index
        %swap3A_21 = tpu.vector_load %arg10[%swap3A] {strides = array<i32>} : memref<4096xf32, #tpu.memory_space<vmem>>, vector<16xf32>,
        tpu.vector_store %arg10[%swap3A], %gather3A {strides = array<i32>} : memref<4096xf32, #tpu.memory_space<vmem>>, vector<16xf32>,
      }
      %scan3A_12 = arith.constant 256 : i32
      %mul3A_13 = arith.constant 4096 : i32
      %mul3A_14 = arith.muli %add3A, %mul3A_13 : i32
      "tpu.region"() ({
        %run_scoped3A = tpu.sem_alloc : memref<!tpu.dma_semaphore, #tpu.memory_space<semaphore_mem>>
        %dma_start3A = tpu.memref_slice %arg6[%mul3A_14] : memref<131072xf32, #tpu.memory_space<hbm>> -> memref<4096xf32, #tpu.memory_space<hbm>>
        %dma_start3A_15 = tpu.memref_slice %arg6[%mul3A_14] : memref<131072xf32, #tpu.memory_space<hbm>> -> memref<4096xf32, #tpu.memory_space<hbm>>
        tpu.enqueue_dma source(%arg10 : memref<4096xf32, #tpu.memory_space<vmem>>) target(%dma_start3A_15 : memref<4096xf32, #tpu.memory_space<hbm>>) target_semaphore(%run_scoped3A : memref<!tpu.dma_semaphore, #tpu.memory_space<semaphore_mem>>)
        %dma_wait3A = tpu.memref_slice %arg6[%mul3A_14] : memref<131072xf32, #tpu.memory_space<hbm>> -> memref<4096xf32, #tpu.memory_space<hbm>>
        %dma_wait3A_16 = tpu.memref_slice %arg6[%mul3A_14] : memref<131072xf32, #tpu.memory_space<hbm>> -> memref<4096xf32, #tpu.memory_space<hbm>>
        tpu.wait_dma2 semaphore(%run_scoped3A : memref<!tpu.dma_semaphore, #tpu.memory_space<semaphore_mem>>) src(%arg10 : memref<4096xf32, #tpu.memory_space<vmem>>) dst(%dma_wait3A_16 : memref<4096xf32, #tpu.memory_space<hbm>>)
        tpu.yield
      }) : () -> ()
    } else {
    }
    return
  }
}

module attributes {stable_mosaic.version = 14 : i64} {
  func.func @_tail2_body(%arg0: memref<131072xf32, #tpu.memory_space<vmem>>, %arg1: memref<4096xf32, #tpu.memory_space<vmem>>, %arg2: memref<4096xf32, #tpu.memory_space<vmem>>, %arg3: memref<1x3xf32, #tpu.memory_space<smem>>, %arg4: memref<4096xf32, #tpu.memory_space<vmem>>) attributes {dimension_semantics = [], scalar_prefetch = 0 : i64, scratch_operands = 0 : i64, tpu.core_type = #tpu.core_type<tc>} {
    %broadcast_in_dim3A = arith.constant 0.000000e+00 : f32
    %broadcast_in_dim3A_0 = vector.broadcast %broadcast_in_dim3A : f32 to vector<4096xf32>
    %get3A = arith.constant 0 : index
    %get3A_1 = vector.load %arg0[%get3A] : memref<131072xf32, #tpu.memory_space<vmem>>, vector<4096xf32>
    %get3A_2 = arith.constant 65536 : index
    %get3A_3 = vector.load %arg0[%get3A_2] : memref<131072xf32, #tpu.memory_space<vmem>>, vector<4096xf32>
    %mul3A = arith.mulf %get3A_1, %get3A_3 : vector<4096xf32>
    %add3A = arith.addf %broadcast_in_dim3A_0, %mul3A : vector<4096xf32>
    %get3A_4 = arith.constant 4096 : index
    %get3A_5 = vector.load %arg0[%get3A_4] : memref<131072xf32, #tpu.memory_space<vmem>>, vector<4096xf32>
    %get3A_6 = arith.constant 69632 : index
    %get3A_7 = vector.load %arg0[%get3A_6] : memref<131072xf32, #tpu.memory_space<vmem>>, vector<4096xf32>
    %mul3A_8 = arith.mulf %get3A_5, %get3A_7 : vector<4096xf32>
    %add3A_9 = arith.addf %add3A, %mul3A_8 : vector<4096xf32>
    %get3A_10 = arith.constant 8192 : index
    %get3A_11 = vector.load %arg0[%get3A_10] : memref<131072xf32, #tpu.memory_space<vmem>>, vector<4096xf32>
    %get3A_12 = arith.constant 73728 : index
    %get3A_13 = vector.load %arg0[%get3A_12] : memref<131072xf32, #tpu.memory_space<vmem>>, vector<4096xf32>
    %mul3A_14 = arith.mulf %get3A_11, %get3A_13 : vector<4096xf32>
    %add3A_15 = arith.addf %add3A_9, %mul3A_14 : vector<4096xf32>
    %get3A_16 = arith.constant 12288 : index
    %get3A_17 = vector.load %arg0[%get3A_16] : memref<131072xf32, #tpu.memory_space<vmem>>, vector<4096xf32>
    %get3A_18 = arith.constant 77824 : index
    %get3A_19 = vector.load %arg0[%get3A_18] : memref<131072xf32, #tpu.memory_space<vmem>>, vector<4096xf32>
    %mul3A_20 = arith.mulf %get3A_17, %get3A_19 : vector<4096xf32>
    %add3A_21 = arith.addf %add3A_15, %mul3A_20 : vector<4096xf32>
    %get3A_22 = arith.constant 16384 : index
    %get3A_23 = vector.load %arg0[%get3A_22] : memref<131072xf32, #tpu.memory_space<vmem>>, vector<4096xf32>
    %get3A_24 = arith.constant 81920 : index
    %get3A_25 = vector.load %arg0[%get3A_24] : memref<131072xf32, #tpu.memory_space<vmem>>, vector<4096xf32>
    %mul3A_26 = arith.mulf %get3A_23, %get3A_25 : vector<4096xf32>
    %add3A_27 = arith.addf %add3A_21, %mul3A_26 : vector<4096xf32>
    %get3A_28 = arith.constant 20480 : index
    %get3A_29 = vector.load %arg0[%get3A_28] : memref<131072xf32, #tpu.memory_space<vmem>>, vector<4096xf32>
    %get3A_30 = arith.constant 86016 : index
    %get3A_31 = vector.load %arg0[%get3A_30] : memref<131072xf32, #tpu.memory_space<vmem>>, vector<4096xf32>
    %mul3A_32 = arith.mulf %get3A_29, %get3A_31 : vector<4096xf32>
    %add3A_33 = arith.addf %add3A_27, %mul3A_32 : vector<4096xf32>
    %get3A_34 = arith.constant 24576 : index
    %get3A_35 = vector.load %arg0[%get3A_34] : memref<131072xf32, #tpu.memory_space<vmem>>, vector<4096xf32>
    %get3A_36 = arith.constant 90112 : index
    %get3A_37 = vector.load %arg0[%get3A_36] : memref<131072xf32, #tpu.memory_space<vmem>>, vector<4096xf32>
    %mul3A_38 = arith.mulf %get3A_35, %get3A_37 : vector<4096xf32>
    %add3A_39 = arith.addf %add3A_33, %mul3A_38 : vector<4096xf32>
    %get3A_40 = arith.constant 28672 : index
    %get3A_41 = vector.load %arg0[%get3A_40] : memref<131072xf32, #tpu.memory_space<vmem>>, vector<4096xf32>
    %get3A_42 = arith.constant 94208 : index
    %get3A_43 = vector.load %arg0[%get3A_42] : memref<131072xf32, #tpu.memory_space<vmem>>, vector<4096xf32>
    %mul3A_44 = arith.mulf %get3A_41, %get3A_43 : vector<4096xf32>
    %add3A_45 = arith.addf %add3A_39, %mul3A_44 : vector<4096xf32>
    %get3A_46 = arith.constant 32768 : index
    %get3A_47 = vector.load %arg0[%get3A_46] : memref<131072xf32, #tpu.memory_space<vmem>>, vector<4096xf32>
    %get3A_48 = arith.constant 98304 : index
    %get3A_49 = vector.load %arg0[%get3A_48] : memref<131072xf32, #tpu.memory_space<vmem>>, vector<4096xf32>
    %mul3A_50 = arith.mulf %get3A_47, %get3A_49 : vector<4096xf32>
    %add3A_51 = arith.addf %add3A_45, %mul3A_50 : vector<4096xf32>
    %get3A_52 = arith.constant 36864 : index
    %get3A_53 = vector.load %arg0[%get3A_52] : memref<131072xf32, #tpu.memory_space<vmem>>, vector<4096xf32>
    %get3A_54 = arith.constant 102400 : index
    %get3A_55 = vector.load %arg0[%get3A_54] : memref<131072xf32, #tpu.memory_space<vmem>>, vector<4096xf32>
    %mul3A_56 = arith.mulf %get3A_53, %get3A_55 : vector<4096xf32>
    %add3A_57 = arith.addf %add3A_51, %mul3A_56 : vector<4096xf32>
    %get3A_58 = arith.constant 40960 : index
    %get3A_59 = vector.load %arg0[%get3A_58] : memref<131072xf32, #tpu.memory_space<vmem>>, vector<4096xf32>
    %get3A_60 = arith.constant 106496 : index
    %get3A_61 = vector.load %arg0[%get3A_60] : memref<131072xf32, #tpu.memory_space<vmem>>, vector<4096xf32>
    %mul3A_62 = arith.mulf %get3A_59, %get3A_61 : vector<4096xf32>
    %add3A_63 = arith.addf %add3A_57, %mul3A_62 : vector<4096xf32>
    %get3A_64 = arith.constant 45056 : index
    %get3A_65 = vector.load %arg0[%get3A_64] : memref<131072xf32, #tpu.memory_space<vmem>>, vector<4096xf32>
    %get3A_66 = arith.constant 110592 : index
    %get3A_67 = vector.load %arg0[%get3A_66] : memref<131072xf32, #tpu.memory_space<vmem>>, vector<4096xf32>
    %mul3A_68 = arith.mulf %get3A_65, %get3A_67 : vector<4096xf32>
    %add3A_69 = arith.addf %add3A_63, %mul3A_68 : vector<4096xf32>
    %get3A_70 = arith.constant 49152 : index
    %get3A_71 = vector.load %arg0[%get3A_70] : memref<131072xf32, #tpu.memory_space<vmem>>, vector<4096xf32>
    %get3A_72 = arith.constant 114688 : index
    %get3A_73 = vector.load %arg0[%get3A_72] : memref<131072xf32, #tpu.memory_space<vmem>>, vector<4096xf32>
    %mul3A_74 = arith.mulf %get3A_71, %get3A_73 : vector<4096xf32>
    %add3A_75 = arith.addf %add3A_69, %mul3A_74 : vector<4096xf32>
    %get3A_76 = arith.constant 53248 : index
    %get3A_77 = vector.load %arg0[%get3A_76] : memref<131072xf32, #tpu.memory_space<vmem>>, vector<4096xf32>
    %get3A_78 = arith.constant 118784 : index
    %get3A_79 = vector.load %arg0[%get3A_78] : memref<131072xf32, #tpu.memory_space<vmem>>, vector<4096xf32>
    %mul3A_80 = arith.mulf %get3A_77, %get3A_79 : vector<4096xf32>
    %add3A_81 = arith.addf %add3A_75, %mul3A_80 : vector<4096xf32>
    %get3A_82 = arith.constant 57344 : index
    %get3A_83 = vector.load %arg0[%get3A_82] : memref<131072xf32, #tpu.memory_space<vmem>>, vector<4096xf32>
    %get3A_84 = arith.constant 122880 : index
    %get3A_85 = vector.load %arg0[%get3A_84] : memref<131072xf32, #tpu.memory_space<vmem>>, vector<4096xf32>
    %mul3A_86 = arith.mulf %get3A_83, %get3A_85 : vector<4096xf32>
    %add3A_87 = arith.addf %add3A_81, %mul3A_86 : vector<4096xf32>
    %get3A_88 = arith.constant 61440 : index
    %get3A_89 = vector.load %arg0[%get3A_88] : memref<131072xf32, #tpu.memory_space<vmem>>, vector<4096xf32>
    %get3A_90 = arith.constant 126976 : index
    %get3A_91 = vector.load %arg0[%get3A_90] : memref<131072xf32, #tpu.memory_space<vmem>>, vector<4096xf32>
    %mul3A_92 = arith.mulf %get3A_89, %get3A_91 : vector<4096xf32>
    %add3A_93 = arith.addf %add3A_87, %mul3A_92 : vector<4096xf32>
    %get3A_94 = arith.constant 0 : index
    %get3A_95 = vector.load %arg2[%get3A_94] : memref<4096xf32, #tpu.memory_space<vmem>>, vector<4096xf32>
    %convert_element_type3A = arith.truncf %get3A_95 : vector<4096xf32> to vector<4096xbf16>
    %reshape3A = vector.shape_cast %convert_element_type3A : vector<4096xbf16> to vector<4096x1xbf16>
    %get3A_96 = arith.constant 0 : index
    %get3A_97 = vector.load %arg1[%get3A_96] : memref<4096xf32, #tpu.memory_space<vmem>>, vector<4096xf32>
    %get3A_98 = arith.constant 0 : index
    %get3A_99 = arith.constant 2 : index
    %get3A_100 = memref.load %arg3[%get3A_98, %get3A_99] : memref<1x3xf32, #tpu.memory_space<smem>>
    %slice3A = vector.extract_strided_slice %add3A_93 {offsets = [0], sizes = [512], strides = [1]} : vector<4096xf32> to vector<512xf32>
    %reshape3A_101 = vector.shape_cast %slice3A : vector<512xf32> to vector<512x1xf32>
    %reshape3A_102 = vector.shape_cast %get3A_97 : vector<4096xf32> to vector<1x4096xf32>
    %add3A_103 = vector.broadcast %reshape3A_102 : vector<1x4096xf32> to vector<512x4096xf32>
    %add3A_104 = vector.broadcast %reshape3A_101 : vector<512x1xf32> to vector<512x4096xf32>
    %add3A_105 = arith.addf %add3A_103, %add3A_104 : vector<512x4096xf32>
    %convert_element_type3A_106 = arith.truncf %add3A_105 : vector<512x4096xf32> to vector<512x4096xbf16>
    %dot_general3A = arith.constant dense<0.000000e+00> : vector<512x1xf32>
    %dot_general3A_107 = tpu.matmul %convert_element_type3A_106, %reshape3A, %dot_general3A {dimension_numbers = #tpu.dot_dimension_numbers<[1], [0], [0], [1], [0, 0, 1, 1], [], []>, transpose_lhs_hint = false} : vector<512x4096xbf16>, vector<4096x1xbf16>, vector<512x1xf32> -> vector<512x1xf32>
    %reshape3A_108 = vector.shape_cast %dot_general3A_107 : vector<512x1xf32> to vector<512xf32>
    %add3A_109 = vector.broadcast %get3A_100 : f32 to vector<512xf32>
    %add3A_110 = arith.addf %reshape3A_108, %add3A_109 : vector<512xf32>
    %slice3A_111 = vector.extract_strided_slice %add3A_93 {offsets = [512], sizes = [512], strides = [1]} : vector<4096xf32> to vector<512xf32>
    %reshape3A_112 = vector.shape_cast %slice3A_111 : vector<512xf32> to vector<512x1xf32>
    %reshape3A_113 = vector.shape_cast %get3A_97 : vector<4096xf32> to vector<1x4096xf32>
    %add3A_114 = vector.broadcast %reshape3A_113 : vector<1x4096xf32> to vector<512x4096xf32>
    %add3A_115 = vector.broadcast %reshape3A_112 : vector<512x1xf32> to vector<512x4096xf32>
    %add3A_116 = arith.addf %add3A_114, %add3A_115 : vector<512x4096xf32>
    %convert_element_type3A_117 = arith.truncf %add3A_116 : vector<512x4096xf32> to vector<512x4096xbf16>
    %dot_general3A_118 = arith.constant dense<0.000000e+00> : vector<512x1xf32>
    %dot_general3A_119 = tpu.matmul %convert_element_type3A_117, %reshape3A, %dot_general3A_118 {dimension_numbers = #tpu.dot_dimension_numbers<[1], [0], [0], [1], [0, 0, 1, 1], [], []>, transpose_lhs_hint = false} : vector<512x4096xbf16>, vector<4096x1xbf16>, vector<512x1xf32> -> vector<512x1xf32>
    %reshape3A_120 = vector.shape_cast %dot_general3A_119 : vector<512x1xf32> to vector<512xf32>
    %add3A_121 = vector.broadcast %get3A_100 : f32 to vector<512xf32>
    %add3A_122 = arith.addf %reshape3A_120, %add3A_121 : vector<512xf32>
    %slice3A_123 = vector.extract_strided_slice %add3A_93 {offsets = [1024], sizes = [512], strides = [1]} : vector<4096xf32> to vector<512xf32>
    %reshape3A_124 = vector.shape_cast %slice3A_123 : vector<512xf32> to vector<512x1xf32>
    %reshape3A_125 = vector.shape_cast %get3A_97 : vector<4096xf32> to vector<1x4096xf32>
    %add3A_126 = vector.broadcast %reshape3A_125 : vector<1x4096xf32> to vector<512x4096xf32>
    %add3A_127 = vector.broadcast %reshape3A_124 : vector<512x1xf32> to vector<512x4096xf32>
    %add3A_128 = arith.addf %add3A_126, %add3A_127 : vector<512x4096xf32>
    %convert_element_type3A_129 = arith.truncf %add3A_128 : vector<512x4096xf32> to vector<512x4096xbf16>
    %dot_general3A_130 = arith.constant dense<0.000000e+00> : vector<512x1xf32>
    %dot_general3A_131 = tpu.matmul %convert_element_type3A_129, %reshape3A, %dot_general3A_130 {dimension_numbers = #tpu.dot_dimension_numbers<[1], [0], [0], [1], [0, 0, 1, 1], [], []>, transpose_lhs_hint = false} : vector<512x4096xbf16>, vector<4096x1xbf16>, vector<512x1xf32> -> vector<512x1xf32>
    %reshape3A_132 = vector.shape_cast %dot_general3A_131 : vector<512x1xf32> to vector<512xf32>
    %add3A_133 = vector.broadcast %get3A_100 : f32 to vector<512xf32>
    %add3A_134 = arith.addf %reshape3A_132, %add3A_133 : vector<512xf32>
    %slice3A_135 = vector.extract_strided_slice %add3A_93 {offsets = [1536], sizes = [512], strides = [1]} : vector<4096xf32> to vector<512xf32>
    %reshape3A_136 = vector.shape_cast %slice3A_135 : vector<512xf32> to vector<512x1xf32>
    %reshape3A_137 = vector.shape_cast %get3A_97 : vector<4096xf32> to vector<1x4096xf32>
    %add3A_138 = vector.broadcast %reshape3A_137 : vector<1x4096xf32> to vector<512x4096xf32>
    %add3A_139 = vector.broadcast %reshape3A_136 : vector<512x1xf32> to vector<512x4096xf32>
    %add3A_140 = arith.addf %add3A_138, %add3A_139 : vector<512x4096xf32>
    %convert_element_type3A_141 = arith.truncf %add3A_140 : vector<512x4096xf32> to vector<512x4096xbf16>
    %dot_general3A_142 = arith.constant dense<0.000000e+00> : vector<512x1xf32>
    %dot_general3A_143 = tpu.matmul %convert_element_type3A_141, %reshape3A, %dot_general3A_142 {dimension_numbers = #tpu.dot_dimension_numbers<[1], [0], [0], [1], [0, 0, 1, 1], [], []>, transpose_lhs_hint = false} : vector<512x4096xbf16>, vector<4096x1xbf16>, vector<512x1xf32> -> vector<512x1xf32>
    %reshape3A_144 = vector.shape_cast %dot_general3A_143 : vector<512x1xf32> to vector<512xf32>
    %add3A_145 = vector.broadcast %get3A_100 : f32 to vector<512xf32>
    %add3A_146 = arith.addf %reshape3A_144, %add3A_145 : vector<512xf32>
    %slice3A_147 = vector.extract_strided_slice %add3A_93 {offsets = [2048], sizes = [512], strides = [1]} : vector<4096xf32> to vector<512xf32>
    %reshape3A_148 = vector.shape_cast %slice3A_147 : vector<512xf32> to vector<512x1xf32>
    %reshape3A_149 = vector.shape_cast %get3A_97 : vector<4096xf32> to vector<1x4096xf32>
    %add3A_150 = vector.broadcast %reshape3A_149 : vector<1x4096xf32> to vector<512x4096xf32>
    %add3A_151 = vector.broadcast %reshape3A_148 : vector<512x1xf32> to vector<512x4096xf32>
    %add3A_152 = arith.addf %add3A_150, %add3A_151 : vector<512x4096xf32>
    %convert_element_type3A_153 = arith.truncf %add3A_152 : vector<512x4096xf32> to vector<512x4096xbf16>
    %dot_general3A_154 = arith.constant dense<0.000000e+00> : vector<512x1xf32>
    %dot_general3A_155 = tpu.matmul %convert_element_type3A_153, %reshape3A, %dot_general3A_154 {dimension_numbers = #tpu.dot_dimension_numbers<[1], [0], [0], [1], [0, 0, 1, 1], [], []>, transpose_lhs_hint = false} : vector<512x4096xbf16>, vector<4096x1xbf16>, vector<512x1xf32> -> vector<512x1xf32>
    %reshape3A_156 = vector.shape_cast %dot_general3A_155 : vector<512x1xf32> to vector<512xf32>
    %add3A_157 = vector.broadcast %get3A_100 : f32 to vector<512xf32>
    %add3A_158 = arith.addf %reshape3A_156, %add3A_157 : vector<512xf32>
    %slice3A_159 = vector.extract_strided_slice %add3A_93 {offsets = [2560], sizes = [512], strides = [1]} : vector<4096xf32> to vector<512xf32>
    %reshape3A_160 = vector.shape_cast %slice3A_159 : vector<512xf32> to vector<512x1xf32>
    %reshape3A_161 = vector.shape_cast %get3A_97 : vector<4096xf32> to vector<1x4096xf32>
    %add3A_162 = vector.broadcast %reshape3A_161 : vector<1x4096xf32> to vector<512x4096xf32>
    %add3A_163 = vector.broadcast %reshape3A_160 : vector<512x1xf32> to vector<512x4096xf32>
    %add3A_164 = arith.addf %add3A_162, %add3A_163 : vector<512x4096xf32>
    %convert_element_type3A_165 = arith.truncf %add3A_164 : vector<512x4096xf32> to vector<512x4096xbf16>
    %dot_general3A_166 = arith.constant dense<0.000000e+00> : vector<512x1xf32>
    %dot_general3A_167 = tpu.matmul %convert_element_type3A_165, %reshape3A, %dot_general3A_166 {dimension_numbers = #tpu.dot_dimension_numbers<[1], [0], [0], [1], [0, 0, 1, 1], [], []>, transpose_lhs_hint = false} : vector<512x4096xbf16>, vector<4096x1xbf16>, vector<512x1xf32> -> vector<512x1xf32>
    %reshape3A_168 = vector.shape_cast %dot_general3A_167 : vector<512x1xf32> to vector<512xf32>
    %add3A_169 = vector.broadcast %get3A_100 : f32 to vector<512xf32>
    %add3A_170 = arith.addf %reshape3A_168, %add3A_169 : vector<512xf32>
    %slice3A_171 = vector.extract_strided_slice %add3A_93 {offsets = [3072], sizes = [512], strides = [1]} : vector<4096xf32> to vector<512xf32>
    %reshape3A_172 = vector.shape_cast %slice3A_171 : vector<512xf32> to vector<512x1xf32>
    %reshape3A_173 = vector.shape_cast %get3A_97 : vector<4096xf32> to vector<1x4096xf32>
    %add3A_174 = vector.broadcast %reshape3A_173 : vector<1x4096xf32> to vector<512x4096xf32>
    %add3A_175 = vector.broadcast %reshape3A_172 : vector<512x1xf32> to vector<512x4096xf32>
    %add3A_176 = arith.addf %add3A_174, %add3A_175 : vector<512x4096xf32>
    %convert_element_type3A_177 = arith.truncf %add3A_176 : vector<512x4096xf32> to vector<512x4096xbf16>
    %dot_general3A_178 = arith.constant dense<0.000000e+00> : vector<512x1xf32>
    %dot_general3A_179 = tpu.matmul %convert_element_type3A_177, %reshape3A, %dot_general3A_178 {dimension_numbers = #tpu.dot_dimension_numbers<[1], [0], [0], [1], [0, 0, 1, 1], [], []>, transpose_lhs_hint = false} : vector<512x4096xbf16>, vector<4096x1xbf16>, vector<512x1xf32> -> vector<512x1xf32>
    %reshape3A_180 = vector.shape_cast %dot_general3A_179 : vector<512x1xf32> to vector<512xf32>
    %add3A_181 = vector.broadcast %get3A_100 : f32 to vector<512xf32>
    %add3A_182 = arith.addf %reshape3A_180, %add3A_181 : vector<512xf32>
    %slice3A_183 = vector.extract_strided_slice %add3A_93 {offsets = [3584], sizes = [512], strides = [1]} : vector<4096xf32> to vector<512xf32>
    %reshape3A_184 = vector.shape_cast %slice3A_183 : vector<512xf32> to vector<512x1xf32>
    %reshape3A_185 = vector.shape_cast %get3A_97 : vector<4096xf32> to vector<1x4096xf32>
    %add3A_186 = vector.broadcast %reshape3A_185 : vector<1x4096xf32> to vector<512x4096xf32>
    %add3A_187 = vector.broadcast %reshape3A_184 : vector<512x1xf32> to vector<512x4096xf32>
    %add3A_188 = arith.addf %add3A_186, %add3A_187 : vector<512x4096xf32>
    %convert_element_type3A_189 = arith.truncf %add3A_188 : vector<512x4096xf32> to vector<512x4096xbf16>
    %dot_general3A_190 = arith.constant dense<0.000000e+00> : vector<512x1xf32>
    %dot_general3A_191 = tpu.matmul %convert_element_type3A_189, %reshape3A, %dot_general3A_190 {dimension_numbers = #tpu.dot_dimension_numbers<[1], [0], [0], [1], [0, 0, 1, 1], [], []>, transpose_lhs_hint = false} : vector<512x4096xbf16>, vector<4096x1xbf16>, vector<512x1xf32> -> vector<512x1xf32>
    %reshape3A_192 = vector.shape_cast %dot_general3A_191 : vector<512x1xf32> to vector<512xf32>
    %add3A_193 = vector.broadcast %get3A_100 : f32 to vector<512xf32>
    %add3A_194 = arith.addf %reshape3A_192, %add3A_193 : vector<512xf32>
    %concatenate3A = tpu.concatenate %add3A_110, %add3A_122, %add3A_134, %add3A_146, %add3A_158, %add3A_170, %add3A_182, %add3A_194 in 0 : vector<512xf32>, vector<512xf32>, vector<512xf32>, vector<512xf32>, vector<512xf32>, vector<512xf32>, vector<512xf32>, vector<512xf32> -> vector<4096xf32>
    %swap3A = arith.constant 0 : index
    %swap3A_195 = vector.load %arg4[%swap3A] : memref<4096xf32, #tpu.memory_space<vmem>>, vector<4096xf32>
    tpu.vector_store %arg4[%swap3A], %concatenate3A {strides = array<i32>} : memref<4096xf32, #tpu.memory_space<vmem>>, vector<4096xf32>,
    return
  }
}

module attributes {stable_mosaic.version = 14 : i64} {
  func.func @_tail1_body(%arg0: memref<786432xf32, #tpu.memory_space<vmem>>, %arg1: memref<1x64xf32, #tpu.memory_space<smem>>, %arg2: memref<4096xf32, #tpu.memory_space<vmem>>, %arg3: memref<1x3xf32, #tpu.memory_space<smem>>, %arg4: memref<4096xf32, #tpu.memory_space<vmem>>) attributes {dimension_semantics = [], scalar_prefetch = 0 : i64, scratch_operands = 0 : i64, tpu.core_type = #tpu.core_type<tc>} {
    %broadcast_in_dim3A = arith.constant 0.000000e+00 : f32
    %broadcast_in_dim3A_0 = vector.broadcast %broadcast_in_dim3A : f32 to vector<4096xf32>
    %broadcast_in_dim3A_1 = arith.constant 0.000000e+00 : f32
    %broadcast_in_dim3A_2 = vector.broadcast %broadcast_in_dim3A_1 : f32 to vector<4096xf32>
    %get3A = arith.constant 524288 : index
    %get3A_3 = vector.load %arg0[%get3A] : memref<786432xf32, #tpu.memory_space<vmem>>, vector<4096xf32>
    %get3A_4 = arith.constant 589824 : index
    %get3A_5 = vector.load %arg0[%get3A_4] : memref<786432xf32, #tpu.memory_space<vmem>>, vector<4096xf32>
    %mul3A = arith.mulf %get3A_3, %get3A_5 : vector<4096xf32>
    %add3A = arith.addf %broadcast_in_dim3A_0, %mul3A : vector<4096xf32>
    %get3A_6 = arith.constant 655360 : index
    %get3A_7 = vector.load %arg0[%get3A_6] : memref<786432xf32, #tpu.memory_space<vmem>>, vector<4096xf32>
    %get3A_8 = arith.constant 720896 : index
    %get3A_9 = vector.load %arg0[%get3A_8] : memref<786432xf32, #tpu.memory_space<vmem>>, vector<4096xf32>
    %mul3A_10 = arith.mulf %get3A_7, %get3A_9 : vector<4096xf32>
    %add3A_11 = arith.addf %broadcast_in_dim3A_2, %mul3A_10 : vector<4096xf32>
    %get3A_12 = arith.constant 528384 : index
    %get3A_13 = vector.load %arg0[%get3A_12] : memref<786432xf32, #tpu.memory_space<vmem>>, vector<4096xf32>
    %get3A_14 = arith.constant 593920 : index
    %get3A_15 = vector.load %arg0[%get3A_14] : memref<786432xf32, #tpu.memory_space<vmem>>, vector<4096xf32>
    %mul3A_16 = arith.mulf %get3A_13, %get3A_15 : vector<4096xf32>
    %add3A_17 = arith.addf %add3A, %mul3A_16 : vector<4096xf32>
    %get3A_18 = arith.constant 659456 : index
    %get3A_19 = vector.load %arg0[%get3A_18] : memref<786432xf32, #tpu.memory_space<vmem>>, vector<4096xf32>
    %get3A_20 = arith.constant 724992 : index
    %get3A_21 = vector.load %arg0[%get3A_20] : memref<786432xf32, #tpu.memory_space<vmem>>, vector<4096xf32>
    %mul3A_22 = arith.mulf %get3A_19, %get3A_21 : vector<4096xf32>
    %add3A_23 = arith.addf %add3A_11, %mul3A_22 : vector<4096xf32>
    %get3A_24 = arith.constant 532480 : index
    %get3A_25 = vector.load %arg0[%get3A_24] : memref<786432xf32, #tpu.memory_space<vmem>>, vector<4096xf32>
    %get3A_26 = arith.constant 598016 : index
    %get3A_27 = vector.load %arg0[%get3A_26] : memref<786432xf32, #tpu.memory_space<vmem>>, vector<4096xf32>
    %mul3A_28 = arith.mulf %get3A_25, %get3A_27 : vector<4096xf32>
    %add3A_29 = arith.addf %add3A_17, %mul3A_28 : vector<4096xf32>
    %get3A_30 = arith.constant 663552 : index
    %get3A_31 = vector.load %arg0[%get3A_30] : memref<786432xf32, #tpu.memory_space<vmem>>, vector<4096xf32>
    %get3A_32 = arith.constant 729088 : index
    %get3A_33 = vector.load %arg0[%get3A_32] : memref<786432xf32, #tpu.memory_space<vmem>>, vector<4096xf32>
    %mul3A_34 = arith.mulf %get3A_31, %get3A_33 : vector<4096xf32>
    %add3A_35 = arith.addf %add3A_23, %mul3A_34 : vector<4096xf32>
    %get3A_36 = arith.constant 536576 : index
    %get3A_37 = vector.load %arg0[%get3A_36] : memref<786432xf32, #tpu.memory_space<vmem>>, vector<4096xf32>
    %get3A_38 = arith.constant 602112 : index
    %get3A_39 = vector.load %arg0[%get3A_38] : memref<786432xf32, #tpu.memory_space<vmem>>, vector<4096xf32>
    %mul3A_40 = arith.mulf %get3A_37, %get3A_39 : vector<4096xf32>
    %add3A_41 = arith.addf %add3A_29, %mul3A_40 : vector<4096xf32>
    %get3A_42 = arith.constant 667648 : index
    %get3A_43 = vector.load %arg0[%get3A_42] : memref<786432xf32, #tpu.memory_space<vmem>>, vector<4096xf32>
    %get3A_44 = arith.constant 733184 : index
    %get3A_45 = vector.load %arg0[%get3A_44] : memref<786432xf32, #tpu.memory_space<vmem>>, vector<4096xf32>
    %mul3A_46 = arith.mulf %get3A_43, %get3A_45 : vector<4096xf32>
    %add3A_47 = arith.addf %add3A_35, %mul3A_46 : vector<4096xf32>
    %get3A_48 = arith.constant 540672 : index
    %get3A_49 = vector.load %arg0[%get3A_48] : memref<786432xf32, #tpu.memory_space<vmem>>, vector<4096xf32>
    %get3A_50 = arith.constant 606208 : index
    %get3A_51 = vector.load %arg0[%get3A_50] : memref<786432xf32, #tpu.memory_space<vmem>>, vector<4096xf32>
    %mul3A_52 = arith.mulf %get3A_49, %get3A_51 : vector<4096xf32>
    %add3A_53 = arith.addf %add3A_41, %mul3A_52 : vector<4096xf32>
    %get3A_54 = arith.constant 671744 : index
    %get3A_55 = vector.load %arg0[%get3A_54] : memref<786432xf32, #tpu.memory_space<vmem>>, vector<4096xf32>
    %get3A_56 = arith.constant 737280 : index
    %get3A_57 = vector.load %arg0[%get3A_56] : memref<786432xf32, #tpu.memory_space<vmem>>, vector<4096xf32>
    %mul3A_58 = arith.mulf %get3A_55, %get3A_57 : vector<4096xf32>
    %add3A_59 = arith.addf %add3A_47, %mul3A_58 : vector<4096xf32>
    %get3A_60 = arith.constant 544768 : index
    %get3A_61 = vector.load %arg0[%get3A_60] : memref<786432xf32, #tpu.memory_space<vmem>>, vector<4096xf32>
    %get3A_62 = arith.constant 610304 : index
    %get3A_63 = vector.load %arg0[%get3A_62] : memref<786432xf32, #tpu.memory_space<vmem>>, vector<4096xf32>
    %mul3A_64 = arith.mulf %get3A_61, %get3A_63 : vector<4096xf32>
    %add3A_65 = arith.addf %add3A_53, %mul3A_64 : vector<4096xf32>
    %get3A_66 = arith.constant 675840 : index
    %get3A_67 = vector.load %arg0[%get3A_66] : memref<786432xf32, #tpu.memory_space<vmem>>, vector<4096xf32>
    %get3A_68 = arith.constant 741376 : index
    %get3A_69 = vector.load %arg0[%get3A_68] : memref<786432xf32, #tpu.memory_space<vmem>>, vector<4096xf32>
    %mul3A_70 = arith.mulf %get3A_67, %get3A_69 : vector<4096xf32>
    %add3A_71 = arith.addf %add3A_59, %mul3A_70 : vector<4096xf32>
    %get3A_72 = arith.constant 548864 : index
    %get3A_73 = vector.load %arg0[%get3A_72] : memref<786432xf32, #tpu.memory_space<vmem>>, vector<4096xf32>
    %get3A_74 = arith.constant 614400 : index
    %get3A_75 = vector.load %arg0[%get3A_74] : memref<786432xf32, #tpu.memory_space<vmem>>, vector<4096xf32>
    %mul3A_76 = arith.mulf %get3A_73, %get3A_75 : vector<4096xf32>
    %add3A_77 = arith.addf %add3A_65, %mul3A_76 : vector<4096xf32>
    %get3A_78 = arith.constant 679936 : index
    %get3A_79 = vector.load %arg0[%get3A_78] : memref<786432xf32, #tpu.memory_space<vmem>>, vector<4096xf32>
    %get3A_80 = arith.constant 745472 : index
    %get3A_81 = vector.load %arg0[%get3A_80] : memref<786432xf32, #tpu.memory_space<vmem>>, vector<4096xf32>
    %mul3A_82 = arith.mulf %get3A_79, %get3A_81 : vector<4096xf32>
    %add3A_83 = arith.addf %add3A_71, %mul3A_82 : vector<4096xf32>
    %get3A_84 = arith.constant 552960 : index
    %get3A_85 = vector.load %arg0[%get3A_84] : memref<786432xf32, #tpu.memory_space<vmem>>, vector<4096xf32>
    %get3A_86 = arith.constant 618496 : index
    %get3A_87 = vector.load %arg0[%get3A_86] : memref<786432xf32, #tpu.memory_space<vmem>>, vector<4096xf32>
    %mul3A_88 = arith.mulf %get3A_85, %get3A_87 : vector<4096xf32>
    %add3A_89 = arith.addf %add3A_77, %mul3A_88 : vector<4096xf32>
    %get3A_90 = arith.constant 684032 : index
    %get3A_91 = vector.load %arg0[%get3A_90] : memref<786432xf32, #tpu.memory_space<vmem>>, vector<4096xf32>
    %get3A_92 = arith.constant 749568 : index
    %get3A_93 = vector.load %arg0[%get3A_92] : memref<786432xf32, #tpu.memory_space<vmem>>, vector<4096xf32>
    %mul3A_94 = arith.mulf %get3A_91, %get3A_93 : vector<4096xf32>
    %add3A_95 = arith.addf %add3A_83, %mul3A_94 : vector<4096xf32>
    %get3A_96 = arith.constant 557056 : index
    %get3A_97 = vector.load %arg0[%get3A_96] : memref<786432xf32, #tpu.memory_space<vmem>>, vector<4096xf32>
    %get3A_98 = arith.constant 622592 : index
    %get3A_99 = vector.load %arg0[%get3A_98] : memref<786432xf32, #tpu.memory_space<vmem>>, vector<4096xf32>
    %mul3A_100 = arith.mulf %get3A_97, %get3A_99 : vector<4096xf32>
    %add3A_101 = arith.addf %add3A_89, %mul3A_100 : vector<4096xf32>
    %get3A_102 = arith.constant 688128 : index
    %get3A_103 = vector.load %arg0[%get3A_102] : memref<786432xf32, #tpu.memory_space<vmem>>, vector<4096xf32>
    %get3A_104 = arith.constant 753664 : index
    %get3A_105 = vector.load %arg0[%get3A_104] : memref<786432xf32, #tpu.memory_space<vmem>>, vector<4096xf32>
    %mul3A_106 = arith.mulf %get3A_103, %get3A_105 : vector<4096xf32>
    %add3A_107 = arith.addf %add3A_95, %mul3A_106 : vector<4096xf32>
    %get3A_108 = arith.constant 561152 : index
    %get3A_109 = vector.load %arg0[%get3A_108] : memref<786432xf32, #tpu.memory_space<vmem>>, vector<4096xf32>
    %get3A_110 = arith.constant 626688 : index
    %get3A_111 = vector.load %arg0[%get3A_110] : memref<786432xf32, #tpu.memory_space<vmem>>, vector<4096xf32>
    %mul3A_112 = arith.mulf %get3A_109, %get3A_111 : vector<4096xf32>
    %add3A_113 = arith.addf %add3A_101, %mul3A_112 : vector<4096xf32>
    %get3A_114 = arith.constant 692224 : index
    %get3A_115 = vector.load %arg0[%get3A_114] : memref<786432xf32, #tpu.memory_space<vmem>>, vector<4096xf32>
    %get3A_116 = arith.constant 757760 : index
    %get3A_117 = vector.load %arg0[%get3A_116] : memref<786432xf32, #tpu.memory_space<vmem>>, vector<4096xf32>
    %mul3A_118 = arith.mulf %get3A_115, %get3A_117 : vector<4096xf32>
    %add3A_119 = arith.addf %add3A_107, %mul3A_118 : vector<4096xf32>
    %get3A_120 = arith.constant 565248 : index
    %get3A_121 = vector.load %arg0[%get3A_120] : memref<786432xf32, #tpu.memory_space<vmem>>, vector<4096xf32>
    %get3A_122 = arith.constant 630784 : index
    %get3A_123 = vector.load %arg0[%get3A_122] : memref<786432xf32, #tpu.memory_space<vmem>>, vector<4096xf32>
    %mul3A_124 = arith.mulf %get3A_121, %get3A_123 : vector<4096xf32>
    %add3A_125 = arith.addf %add3A_113, %mul3A_124 : vector<4096xf32>
    %get3A_126 = arith.constant 696320 : index
    %get3A_127 = vector.load %arg0[%get3A_126] : memref<786432xf32, #tpu.memory_space<vmem>>, vector<4096xf32>
    %get3A_128 = arith.constant 761856 : index
    %get3A_129 = vector.load %arg0[%get3A_128] : memref<786432xf32, #tpu.memory_space<vmem>>, vector<4096xf32>
    %mul3A_130 = arith.mulf %get3A_127, %get3A_129 : vector<4096xf32>
    %add3A_131 = arith.addf %add3A_119, %mul3A_130 : vector<4096xf32>
    %get3A_132 = arith.constant 569344 : index
    %get3A_133 = vector.load %arg0[%get3A_132] : memref<786432xf32, #tpu.memory_space<vmem>>, vector<4096xf32>
    %get3A_134 = arith.constant 634880 : index
    %get3A_135 = vector.load %arg0[%get3A_134] : memref<786432xf32, #tpu.memory_space<vmem>>, vector<4096xf32>
    %mul3A_136 = arith.mulf %get3A_133, %get3A_135 : vector<4096xf32>
    %add3A_137 = arith.addf %add3A_125, %mul3A_136 : vector<4096xf32>
    %get3A_138 = arith.constant 700416 : index
    %get3A_139 = vector.load %arg0[%get3A_138] : memref<786432xf32, #tpu.memory_space<vmem>>, vector<4096xf32>
    %get3A_140 = arith.constant 765952 : index
    %get3A_141 = vector.load %arg0[%get3A_140] : memref<786432xf32, #tpu.memory_space<vmem>>, vector<4096xf32>
    %mul3A_142 = arith.mulf %get3A_139, %get3A_141 : vector<4096xf32>
    %add3A_143 = arith.addf %add3A_131, %mul3A_142 : vector<4096xf32>
    %get3A_144 = arith.constant 573440 : index
    %get3A_145 = vector.load %arg0[%get3A_144] : memref<786432xf32, #tpu.memory_space<vmem>>, vector<4096xf32>
    %get3A_146 = arith.constant 638976 : index
    %get3A_147 = vector.load %arg0[%get3A_146] : memref<786432xf32, #tpu.memory_space<vmem>>, vector<4096xf32>
    %mul3A_148 = arith.mulf %get3A_145, %get3A_147 : vector<4096xf32>
    %add3A_149 = arith.addf %add3A_137, %mul3A_148 : vector<4096xf32>
    %get3A_150 = arith.constant 704512 : index
    %get3A_151 = vector.load %arg0[%get3A_150] : memref<786432xf32, #tpu.memory_space<vmem>>, vector<4096xf32>
    %get3A_152 = arith.constant 770048 : index
    %get3A_153 = vector.load %arg0[%get3A_152] : memref<786432xf32, #tpu.memory_space<vmem>>, vector<4096xf32>
    %mul3A_154 = arith.mulf %get3A_151, %get3A_153 : vector<4096xf32>
    %add3A_155 = arith.addf %add3A_143, %mul3A_154 : vector<4096xf32>
    %get3A_156 = arith.constant 577536 : index
    %get3A_157 = vector.load %arg0[%get3A_156] : memref<786432xf32, #tpu.memory_space<vmem>>, vector<4096xf32>
    %get3A_158 = arith.constant 643072 : index
    %get3A_159 = vector.load %arg0[%get3A_158] : memref<786432xf32, #tpu.memory_space<vmem>>, vector<4096xf32>
    %mul3A_160 = arith.mulf %get3A_157, %get3A_159 : vector<4096xf32>
    %add3A_161 = arith.addf %add3A_149, %mul3A_160 : vector<4096xf32>
    %get3A_162 = arith.constant 708608 : index
    %get3A_163 = vector.load %arg0[%get3A_162] : memref<786432xf32, #tpu.memory_space<vmem>>, vector<4096xf32>
    %get3A_164 = arith.constant 774144 : index
    %get3A_165 = vector.load %arg0[%get3A_164] : memref<786432xf32, #tpu.memory_space<vmem>>, vector<4096xf32>
    %mul3A_166 = arith.mulf %get3A_163, %get3A_165 : vector<4096xf32>
    %add3A_167 = arith.addf %add3A_155, %mul3A_166 : vector<4096xf32>
    %get3A_168 = arith.constant 581632 : index
    %get3A_169 = vector.load %arg0[%get3A_168] : memref<786432xf32, #tpu.memory_space<vmem>>, vector<4096xf32>
    %get3A_170 = arith.constant 647168 : index
    %get3A_171 = vector.load %arg0[%get3A_170] : memref<786432xf32, #tpu.memory_space<vmem>>, vector<4096xf32>
    %mul3A_172 = arith.mulf %get3A_169, %get3A_171 : vector<4096xf32>
    %add3A_173 = arith.addf %add3A_161, %mul3A_172 : vector<4096xf32>
    %get3A_174 = arith.constant 712704 : index
    %get3A_175 = vector.load %arg0[%get3A_174] : memref<786432xf32, #tpu.memory_space<vmem>>, vector<4096xf32>
    %get3A_176 = arith.constant 778240 : index
    %get3A_177 = vector.load %arg0[%get3A_176] : memref<786432xf32, #tpu.memory_space<vmem>>, vector<4096xf32>
    %mul3A_178 = arith.mulf %get3A_175, %get3A_177 : vector<4096xf32>
    %add3A_179 = arith.addf %add3A_167, %mul3A_178 : vector<4096xf32>
    %get3A_180 = arith.constant 585728 : index
    %get3A_181 = vector.load %arg0[%get3A_180] : memref<786432xf32, #tpu.memory_space<vmem>>, vector<4096xf32>
    %get3A_182 = arith.constant 651264 : index
    %get3A_183 = vector.load %arg0[%get3A_182] : memref<786432xf32, #tpu.memory_space<vmem>>, vector<4096xf32>
    %mul3A_184 = arith.mulf %get3A_181, %get3A_183 : vector<4096xf32>
    %add3A_185 = arith.addf %add3A_173, %mul3A_184 : vector<4096xf32>
    %get3A_186 = arith.constant 716800 : index
    %get3A_187 = vector.load %arg0[%get3A_186] : memref<786432xf32, #tpu.memory_space<vmem>>, vector<4096xf32>
    %get3A_188 = arith.constant 782336 : index
    %get3A_189 = vector.load %arg0[%get3A_188] : memref<786432xf32, #tpu.memory_space<vmem>>, vector<4096xf32>
    %mul3A_190 = arith.mulf %get3A_187, %get3A_189 : vector<4096xf32>
    %add3A_191 = arith.addf %add3A_179, %mul3A_190 : vector<4096xf32>
    %get3A_192 = arith.constant 0 : index
    %get3A_193 = arith.constant 0 : index
    %get3A_194 = memref.load %arg3[%get3A_192, %get3A_193] : memref<1x3xf32, #tpu.memory_space<smem>>
    %get3A_195 = arith.constant 0 : index
    %get3A_196 = arith.constant 1 : index
    %get3A_197 = memref.load %arg3[%get3A_195, %get3A_196] : memref<1x3xf32, #tpu.memory_space<smem>>
    %broadcast_in_dim3A_198 = arith.constant 0.000000e+00 : f32
    %broadcast_in_dim3A_199 = vector.broadcast %broadcast_in_dim3A_198 : f32 to vector<4096xf32>
    %get3A_200 = arith.constant 0 : index
    %get3A_201 = vector.load %arg0[%get3A_200] : memref<786432xf32, #tpu.memory_space<vmem>>, vector<4096xf32>
    %get3A_202 = arith.constant 262144 : index
    %get3A_203 = vector.load %arg0[%get3A_202] : memref<786432xf32, #tpu.memory_space<vmem>>, vector<4096xf32>
    %mul3A_204 = arith.mulf %get3A_201, %get3A_203 : vector<4096xf32>
    %add3A_205 = arith.addf %mul3A_204, %add3A_185 : vector<4096xf32>
    %convert_element_type3A = arith.truncf %add3A_205 : vector<4096xf32> to vector<4096xbf16>
    %convert_element_type3A_206 = arith.extf %convert_element_type3A : vector<4096xbf16> to vector<4096xf32>
    %get3A_207 = arith.constant 0 : index
    %get3A_208 = arith.constant 0 : index
    %get3A_209 = memref.load %arg1[%get3A_207, %get3A_208] : memref<1x64xf32, #tpu.memory_space<smem>>
    %convert_element_type3A_210 = arith.truncf %get3A_209 : f32 to bf16
    %convert_element_type3A_211 = arith.extf %convert_element_type3A_210 : bf16 to f32
    %mul3A_212 = vector.broadcast %convert_element_type3A_211 : f32 to vector<4096xf32>
    %mul3A_213 = arith.mulf %convert_element_type3A_206, %mul3A_212 : vector<4096xf32>
    %add3A_214 = arith.addf %broadcast_in_dim3A_199, %mul3A_213 : vector<4096xf32>
    %get3A_215 = arith.constant 4096 : index
    %get3A_216 = vector.load %arg0[%get3A_215] : memref<786432xf32, #tpu.memory_space<vmem>>, vector<4096xf32>
    %get3A_217 = arith.constant 266240 : index
    %get3A_218 = vector.load %arg0[%get3A_217] : memref<786432xf32, #tpu.memory_space<vmem>>, vector<4096xf32>
    %mul3A_219 = arith.mulf %get3A_216, %get3A_218 : vector<4096xf32>
    %add3A_220 = arith.addf %mul3A_219, %add3A_185 : vector<4096xf32>
    %convert_element_type3A_221 = arith.truncf %add3A_220 : vector<4096xf32> to vector<4096xbf16>
    %convert_element_type3A_222 = arith.extf %convert_element_type3A_221 : vector<4096xbf16> to vector<4096xf32>
    %get3A_223 = arith.constant 0 : index
    %get3A_224 = arith.constant 1 : index
    %get3A_225 = memref.load %arg1[%get3A_223, %get3A_224] : memref<1x64xf32, #tpu.memory_space<smem>>
    %convert_element_type3A_226 = arith.truncf %get3A_225 : f32 to bf16
    %convert_element_type3A_227 = arith.extf %convert_element_type3A_226 : bf16 to f32
    %mul3A_228 = vector.broadcast %convert_element_type3A_227 : f32 to vector<4096xf32>
    %mul3A_229 = arith.mulf %convert_element_type3A_222, %mul3A_228 : vector<4096xf32>
    %add3A_230 = arith.addf %add3A_214, %mul3A_229 : vector<4096xf32>
    %get3A_231 = arith.constant 8192 : index
    %get3A_232 = vector.load %arg0[%get3A_231] : memref<786432xf32, #tpu.memory_space<vmem>>, vector<4096xf32>
    %get3A_233 = arith.constant 270336 : index
    %get3A_234 = vector.load %arg0[%get3A_233] : memref<786432xf32, #tpu.memory_space<vmem>>, vector<4096xf32>
    %mul3A_235 = arith.mulf %get3A_232, %get3A_234 : vector<4096xf32>
    %add3A_236 = arith.addf %mul3A_235, %add3A_185 : vector<4096xf32>
    %convert_element_type3A_237 = arith.truncf %add3A_236 : vector<4096xf32> to vector<4096xbf16>
    %convert_element_type3A_238 = arith.extf %convert_element_type3A_237 : vector<4096xbf16> to vector<4096xf32>
    %get3A_239 = arith.constant 0 : index
    %get3A_240 = arith.constant 2 : index
    %get3A_241 = memref.load %arg1[%get3A_239, %get3A_240] : memref<1x64xf32, #tpu.memory_space<smem>>
    %convert_element_type3A_242 = arith.truncf %get3A_241 : f32 to bf16
    %convert_element_type3A_243 = arith.extf %convert_element_type3A_242 : bf16 to f32
    %mul3A_244 = vector.broadcast %convert_element_type3A_243 : f32 to vector<4096xf32>
    %mul3A_245 = arith.mulf %convert_element_type3A_238, %mul3A_244 : vector<4096xf32>
    %add3A_246 = arith.addf %add3A_230, %mul3A_245 : vector<4096xf32>
    %get3A_247 = arith.constant 12288 : index
    %get3A_248 = vector.load %arg0[%get3A_247] : memref<786432xf32, #tpu.memory_space<vmem>>, vector<4096xf32>
    %get3A_249 = arith.constant 274432 : index
    %get3A_250 = vector.load %arg0[%get3A_249] : memref<786432xf32, #tpu.memory_space<vmem>>, vector<4096xf32>
    %mul3A_251 = arith.mulf %get3A_248, %get3A_250 : vector<4096xf32>
    %add3A_252 = arith.addf %mul3A_251, %add3A_185 : vector<4096xf32>
    %convert_element_type3A_253 = arith.truncf %add3A_252 : vector<4096xf32> to vector<4096xbf16>
    %convert_element_type3A_254 = arith.extf %convert_element_type3A_253 : vector<4096xbf16> to vector<4096xf32>
    %get3A_255 = arith.constant 0 : index
    %get3A_256 = arith.constant 3 : index
    %get3A_257 = memref.load %arg1[%get3A_255, %get3A_256] : memref<1x64xf32, #tpu.memory_space<smem>>
    %convert_element_type3A_258 = arith.truncf %get3A_257 : f32 to bf16
    %convert_element_type3A_259 = arith.extf %convert_element_type3A_258 : bf16 to f32
    %mul3A_260 = vector.broadcast %convert_element_type3A_259 : f32 to vector<4096xf32>
    %mul3A_261 = arith.mulf %convert_element_type3A_254, %mul3A_260 : vector<4096xf32>
    %add3A_262 = arith.addf %add3A_246, %mul3A_261 : vector<4096xf32>
    %get3A_263 = arith.constant 16384 : index
    %get3A_264 = vector.load %arg0[%get3A_263] : memref<786432xf32, #tpu.memory_space<vmem>>, vector<4096xf32>
    %get3A_265 = arith.constant 278528 : index
    %get3A_266 = vector.load %arg0[%get3A_265] : memref<786432xf32, #tpu.memory_space<vmem>>, vector<4096xf32>
    %mul3A_267 = arith.mulf %get3A_264, %get3A_266 : vector<4096xf32>
    %add3A_268 = arith.addf %mul3A_267, %add3A_185 : vector<4096xf32>
    %convert_element_type3A_269 = arith.truncf %add3A_268 : vector<4096xf32> to vector<4096xbf16>
    %convert_element_type3A_270 = arith.extf %convert_element_type3A_269 : vector<4096xbf16> to vector<4096xf32>
    %get3A_271 = arith.constant 0 : index
    %get3A_272 = arith.constant 4 : index
    %get3A_273 = memref.load %arg1[%get3A_271, %get3A_272] : memref<1x64xf32, #tpu.memory_space<smem>>
    %convert_element_type3A_274 = arith.truncf %get3A_273 : f32 to bf16
    %convert_element_type3A_275 = arith.extf %convert_element_type3A_274 : bf16 to f32
    %mul3A_276 = vector.broadcast %convert_element_type3A_275 : f32 to vector<4096xf32>
    %mul3A_277 = arith.mulf %convert_element_type3A_270, %mul3A_276 : vector<4096xf32>
    %add3A_278 = arith.addf %add3A_262, %mul3A_277 : vector<4096xf32>
    %get3A_279 = arith.constant 20480 : index
    %get3A_280 = vector.load %arg0[%get3A_279] : memref<786432xf32, #tpu.memory_space<vmem>>, vector<4096xf32>
    %get3A_281 = arith.constant 282624 : index
    %get3A_282 = vector.load %arg0[%get3A_281] : memref<786432xf32, #tpu.memory_space<vmem>>, vector<4096xf32>
    %mul3A_283 = arith.mulf %get3A_280, %get3A_282 : vector<4096xf32>
    %add3A_284 = arith.addf %mul3A_283, %add3A_185 : vector<4096xf32>
    %convert_element_type3A_285 = arith.truncf %add3A_284 : vector<4096xf32> to vector<4096xbf16>
    %convert_element_type3A_286 = arith.extf %convert_element_type3A_285 : vector<4096xbf16> to vector<4096xf32>
    %get3A_287 = arith.constant 0 : index
    %get3A_288 = arith.constant 5 : index
    %get3A_289 = memref.load %arg1[%get3A_287, %get3A_288] : memref<1x64xf32, #tpu.memory_space<smem>>
    %convert_element_type3A_290 = arith.truncf %get3A_289 : f32 to bf16
    %convert_element_type3A_291 = arith.extf %convert_element_type3A_290 : bf16 to f32
    %mul3A_292 = vector.broadcast %convert_element_type3A_291 : f32 to vector<4096xf32>
    %mul3A_293 = arith.mulf %convert_element_type3A_286, %mul3A_292 : vector<4096xf32>
    %add3A_294 = arith.addf %add3A_278, %mul3A_293 : vector<4096xf32>
    %get3A_295 = arith.constant 24576 : index
    %get3A_296 = vector.load %arg0[%get3A_295] : memref<786432xf32, #tpu.memory_space<vmem>>, vector<4096xf32>
    %get3A_297 = arith.constant 286720 : index
    %get3A_298 = vector.load %arg0[%get3A_297] : memref<786432xf32, #tpu.memory_space<vmem>>, vector<4096xf32>
    %mul3A_299 = arith.mulf %get3A_296, %get3A_298 : vector<4096xf32>
    %add3A_300 = arith.addf %mul3A_299, %add3A_185 : vector<4096xf32>
    %convert_element_type3A_301 = arith.truncf %add3A_300 : vector<4096xf32> to vector<4096xbf16>
    %convert_element_type3A_302 = arith.extf %convert_element_type3A_301 : vector<4096xbf16> to vector<4096xf32>
    %get3A_303 = arith.constant 0 : index
    %get3A_304 = arith.constant 6 : index
    %get3A_305 = memref.load %arg1[%get3A_303, %get3A_304] : memref<1x64xf32, #tpu.memory_space<smem>>
    %convert_element_type3A_306 = arith.truncf %get3A_305 : f32 to bf16
    %convert_element_type3A_307 = arith.extf %convert_element_type3A_306 : bf16 to f32
    %mul3A_308 = vector.broadcast %convert_element_type3A_307 : f32 to vector<4096xf32>
    %mul3A_309 = arith.mulf %convert_element_type3A_302, %mul3A_308 : vector<4096xf32>
    %add3A_310 = arith.addf %add3A_294, %mul3A_309 : vector<4096xf32>
    %get3A_311 = arith.constant 28672 : index
    %get3A_312 = vector.load %arg0[%get3A_311] : memref<786432xf32, #tpu.memory_space<vmem>>, vector<4096xf32>
    %get3A_313 = arith.constant 290816 : index
    %get3A_314 = vector.load %arg0[%get3A_313] : memref<786432xf32, #tpu.memory_space<vmem>>, vector<4096xf32>
    %mul3A_315 = arith.mulf %get3A_312, %get3A_314 : vector<4096xf32>
    %add3A_316 = arith.addf %mul3A_315, %add3A_185 : vector<4096xf32>
    %convert_element_type3A_317 = arith.truncf %add3A_316 : vector<4096xf32> to vector<4096xbf16>
    %convert_element_type3A_318 = arith.extf %convert_element_type3A_317 : vector<4096xbf16> to vector<4096xf32>
    %get3A_319 = arith.constant 0 : index
    %get3A_320 = arith.constant 7 : index
    %get3A_321 = memref.load %arg1[%get3A_319, %get3A_320] : memref<1x64xf32, #tpu.memory_space<smem>>
    %convert_element_type3A_322 = arith.truncf %get3A_321 : f32 to bf16
    %convert_element_type3A_323 = arith.extf %convert_element_type3A_322 : bf16 to f32
    %mul3A_324 = vector.broadcast %convert_element_type3A_323 : f32 to vector<4096xf32>
    %mul3A_325 = arith.mulf %convert_element_type3A_318, %mul3A_324 : vector<4096xf32>
    %add3A_326 = arith.addf %add3A_310, %mul3A_325 : vector<4096xf32>
    %get3A_327 = arith.constant 32768 : index
    %get3A_328 = vector.load %arg0[%get3A_327] : memref<786432xf32, #tpu.memory_space<vmem>>, vector<4096xf32>
    %get3A_329 = arith.constant 294912 : index
    %get3A_330 = vector.load %arg0[%get3A_329] : memref<786432xf32, #tpu.memory_space<vmem>>, vector<4096xf32>
    %mul3A_331 = arith.mulf %get3A_328, %get3A_330 : vector<4096xf32>
    %add3A_332 = arith.addf %mul3A_331, %add3A_185 : vector<4096xf32>
    %convert_element_type3A_333 = arith.truncf %add3A_332 : vector<4096xf32> to vector<4096xbf16>
    %convert_element_type3A_334 = arith.extf %convert_element_type3A_333 : vector<4096xbf16> to vector<4096xf32>
    %get3A_335 = arith.constant 0 : index
    %get3A_336 = arith.constant 8 : index
    %get3A_337 = memref.load %arg1[%get3A_335, %get3A_336] : memref<1x64xf32, #tpu.memory_space<smem>>
    %convert_element_type3A_338 = arith.truncf %get3A_337 : f32 to bf16
    %convert_element_type3A_339 = arith.extf %convert_element_type3A_338 : bf16 to f32
    %mul3A_340 = vector.broadcast %convert_element_type3A_339 : f32 to vector<4096xf32>
    %mul3A_341 = arith.mulf %convert_element_type3A_334, %mul3A_340 : vector<4096xf32>
    %add3A_342 = arith.addf %add3A_326, %mul3A_341 : vector<4096xf32>
    %get3A_343 = arith.constant 36864 : index
    %get3A_344 = vector.load %arg0[%get3A_343] : memref<786432xf32, #tpu.memory_space<vmem>>, vector<4096xf32>
    %get3A_345 = arith.constant 299008 : index
    %get3A_346 = vector.load %arg0[%get3A_345] : memref<786432xf32, #tpu.memory_space<vmem>>, vector<4096xf32>
    %mul3A_347 = arith.mulf %get3A_344, %get3A_346 : vector<4096xf32>
    %add3A_348 = arith.addf %mul3A_347, %add3A_185 : vector<4096xf32>
    %convert_element_type3A_349 = arith.truncf %add3A_348 : vector<4096xf32> to vector<4096xbf16>
    %convert_element_type3A_350 = arith.extf %convert_element_type3A_349 : vector<4096xbf16> to vector<4096xf32>
    %get3A_351 = arith.constant 0 : index
    %get3A_352 = arith.constant 9 : index
    %get3A_353 = memref.load %arg1[%get3A_351, %get3A_352] : memref<1x64xf32, #tpu.memory_space<smem>>
    %convert_element_type3A_354 = arith.truncf %get3A_353 : f32 to bf16
    %convert_element_type3A_355 = arith.extf %convert_element_type3A_354 : bf16 to f32
    %mul3A_356 = vector.broadcast %convert_element_type3A_355 : f32 to vector<4096xf32>
    %mul3A_357 = arith.mulf %convert_element_type3A_350, %mul3A_356 : vector<4096xf32>
    %add3A_358 = arith.addf %add3A_342, %mul3A_357 : vector<4096xf32>
    %get3A_359 = arith.constant 40960 : index
    %get3A_360 = vector.load %arg0[%get3A_359] : memref<786432xf32, #tpu.memory_space<vmem>>, vector<4096xf32>
    %get3A_361 = arith.constant 303104 : index
    %get3A_362 = vector.load %arg0[%get3A_361] : memref<786432xf32, #tpu.memory_space<vmem>>, vector<4096xf32>
    %mul3A_363 = arith.mulf %get3A_360, %get3A_362 : vector<4096xf32>
    %add3A_364 = arith.addf %mul3A_363, %add3A_185 : vector<4096xf32>
    %convert_element_type3A_365 = arith.truncf %add3A_364 : vector<4096xf32> to vector<4096xbf16>
    %convert_element_type3A_366 = arith.extf %convert_element_type3A_365 : vector<4096xbf16> to vector<4096xf32>
    %get3A_367 = arith.constant 0 : index
    %get3A_368 = arith.constant 10 : index
    %get3A_369 = memref.load %arg1[%get3A_367, %get3A_368] : memref<1x64xf32, #tpu.memory_space<smem>>
    %convert_element_type3A_370 = arith.truncf %get3A_369 : f32 to bf16
    %convert_element_type3A_371 = arith.extf %convert_element_type3A_370 : bf16 to f32
    %mul3A_372 = vector.broadcast %convert_element_type3A_371 : f32 to vector<4096xf32>
    %mul3A_373 = arith.mulf %convert_element_type3A_366, %mul3A_372 : vector<4096xf32>
    %add3A_374 = arith.addf %add3A_358, %mul3A_373 : vector<4096xf32>
    %get3A_375 = arith.constant 45056 : index
    %get3A_376 = vector.load %arg0[%get3A_375] : memref<786432xf32, #tpu.memory_space<vmem>>, vector<4096xf32>
    %get3A_377 = arith.constant 307200 : index
    %get3A_378 = vector.load %arg0[%get3A_377] : memref<786432xf32, #tpu.memory_space<vmem>>, vector<4096xf32>
    %mul3A_379 = arith.mulf %get3A_376, %get3A_378 : vector<4096xf32>
    %add3A_380 = arith.addf %mul3A_379, %add3A_185 : vector<4096xf32>
    %convert_element_type3A_381 = arith.truncf %add3A_380 : vector<4096xf32> to vector<4096xbf16>
    %convert_element_type3A_382 = arith.extf %convert_element_type3A_381 : vector<4096xbf16> to vector<4096xf32>
    %get3A_383 = arith.constant 0 : index
    %get3A_384 = arith.constant 11 : index
    %get3A_385 = memref.load %arg1[%get3A_383, %get3A_384] : memref<1x64xf32, #tpu.memory_space<smem>>
    %convert_element_type3A_386 = arith.truncf %get3A_385 : f32 to bf16
    %convert_element_type3A_387 = arith.extf %convert_element_type3A_386 : bf16 to f32
    %mul3A_388 = vector.broadcast %convert_element_type3A_387 : f32 to vector<4096xf32>
    %mul3A_389 = arith.mulf %convert_element_type3A_382, %mul3A_388 : vector<4096xf32>
    %add3A_390 = arith.addf %add3A_374, %mul3A_389 : vector<4096xf32>
    %get3A_391 = arith.constant 49152 : index
    %get3A_392 = vector.load %arg0[%get3A_391] : memref<786432xf32, #tpu.memory_space<vmem>>, vector<4096xf32>
    %get3A_393 = arith.constant 311296 : index
    %get3A_394 = vector.load %arg0[%get3A_393] : memref<786432xf32, #tpu.memory_space<vmem>>, vector<4096xf32>
    %mul3A_395 = arith.mulf %get3A_392, %get3A_394 : vector<4096xf32>
    %add3A_396 = arith.addf %mul3A_395, %add3A_185 : vector<4096xf32>
    %convert_element_type3A_397 = arith.truncf %add3A_396 : vector<4096xf32> to vector<4096xbf16>
    %convert_element_type3A_398 = arith.extf %convert_element_type3A_397 : vector<4096xbf16> to vector<4096xf32>
    %get3A_399 = arith.constant 0 : index
    %get3A_400 = arith.constant 12 : index
    %get3A_401 = memref.load %arg1[%get3A_399, %get3A_400] : memref<1x64xf32, #tpu.memory_space<smem>>
    %convert_element_type3A_402 = arith.truncf %get3A_401 : f32 to bf16
    %convert_element_type3A_403 = arith.extf %convert_element_type3A_402 : bf16 to f32
    %mul3A_404 = vector.broadcast %convert_element_type3A_403 : f32 to vector<4096xf32>
    %mul3A_405 = arith.mulf %convert_element_type3A_398, %mul3A_404 : vector<4096xf32>
    %add3A_406 = arith.addf %add3A_390, %mul3A_405 : vector<4096xf32>
    %get3A_407 = arith.constant 53248 : index
    %get3A_408 = vector.load %arg0[%get3A_407] : memref<786432xf32, #tpu.memory_space<vmem>>, vector<4096xf32>
    %get3A_409 = arith.constant 315392 : index
    %get3A_410 = vector.load %arg0[%get3A_409] : memref<786432xf32, #tpu.memory_space<vmem>>, vector<4096xf32>
    %mul3A_411 = arith.mulf %get3A_408, %get3A_410 : vector<4096xf32>
    %add3A_412 = arith.addf %mul3A_411, %add3A_185 : vector<4096xf32>
    %convert_element_type3A_413 = arith.truncf %add3A_412 : vector<4096xf32> to vector<4096xbf16>
    %convert_element_type3A_414 = arith.extf %convert_element_type3A_413 : vector<4096xbf16> to vector<4096xf32>
    %get3A_415 = arith.constant 0 : index
    %get3A_416 = arith.constant 13 : index
    %get3A_417 = memref.load %arg1[%get3A_415, %get3A_416] : memref<1x64xf32, #tpu.memory_space<smem>>
    %convert_element_type3A_418 = arith.truncf %get3A_417 : f32 to bf16
    %convert_element_type3A_419 = arith.extf %convert_element_type3A_418 : bf16 to f32
    %mul3A_420 = vector.broadcast %convert_element_type3A_419 : f32 to vector<4096xf32>
    %mul3A_421 = arith.mulf %convert_element_type3A_414, %mul3A_420 : vector<4096xf32>
    %add3A_422 = arith.addf %add3A_406, %mul3A_421 : vector<4096xf32>
    %get3A_423 = arith.constant 57344 : index
    %get3A_424 = vector.load %arg0[%get3A_423] : memref<786432xf32, #tpu.memory_space<vmem>>, vector<4096xf32>
    %get3A_425 = arith.constant 319488 : index
    %get3A_426 = vector.load %arg0[%get3A_425] : memref<786432xf32, #tpu.memory_space<vmem>>, vector<4096xf32>
    %mul3A_427 = arith.mulf %get3A_424, %get3A_426 : vector<4096xf32>
    %add3A_428 = arith.addf %mul3A_427, %add3A_185 : vector<4096xf32>
    %convert_element_type3A_429 = arith.truncf %add3A_428 : vector<4096xf32> to vector<4096xbf16>
    %convert_element_type3A_430 = arith.extf %convert_element_type3A_429 : vector<4096xbf16> to vector<4096xf32>
    %get3A_431 = arith.constant 0 : index
    %get3A_432 = arith.constant 14 : index
    %get3A_433 = memref.load %arg1[%get3A_431, %get3A_432] : memref<1x64xf32, #tpu.memory_space<smem>>
    %convert_element_type3A_434 = arith.truncf %get3A_433 : f32 to bf16
    %convert_element_type3A_435 = arith.extf %convert_element_type3A_434 : bf16 to f32
    %mul3A_436 = vector.broadcast %convert_element_type3A_435 : f32 to vector<4096xf32>
    %mul3A_437 = arith.mulf %convert_element_type3A_430, %mul3A_436 : vector<4096xf32>
    %add3A_438 = arith.addf %add3A_422, %mul3A_437 : vector<4096xf32>
    %get3A_439 = arith.constant 61440 : index
    %get3A_440 = vector.load %arg0[%get3A_439] : memref<786432xf32, #tpu.memory_space<vmem>>, vector<4096xf32>
    %get3A_441 = arith.constant 323584 : index
    %get3A_442 = vector.load %arg0[%get3A_441] : memref<786432xf32, #tpu.memory_space<vmem>>, vector<4096xf32>
    %mul3A_443 = arith.mulf %get3A_440, %get3A_442 : vector<4096xf32>
    %add3A_444 = arith.addf %mul3A_443, %add3A_185 : vector<4096xf32>
    %convert_element_type3A_445 = arith.truncf %add3A_444 : vector<4096xf32> to vector<4096xbf16>
    %convert_element_type3A_446 = arith.extf %convert_element_type3A_445 : vector<4096xbf16> to vector<4096xf32>
    %get3A_447 = arith.constant 0 : index
    %get3A_448 = arith.constant 15 : index
    %get3A_449 = memref.load %arg1[%get3A_447, %get3A_448] : memref<1x64xf32, #tpu.memory_space<smem>>
    %convert_element_type3A_450 = arith.truncf %get3A_449 : f32 to bf16
    %convert_element_type3A_451 = arith.extf %convert_element_type3A_450 : bf16 to f32
    %mul3A_452 = vector.broadcast %convert_element_type3A_451 : f32 to vector<4096xf32>
    %mul3A_453 = arith.mulf %convert_element_type3A_446, %mul3A_452 : vector<4096xf32>
    %add3A_454 = arith.addf %add3A_438, %mul3A_453 : vector<4096xf32>
    %get3A_455 = arith.constant 65536 : index
    %get3A_456 = vector.load %arg0[%get3A_455] : memref<786432xf32, #tpu.memory_space<vmem>>, vector<4096xf32>
    %get3A_457 = arith.constant 327680 : index
    %get3A_458 = vector.load %arg0[%get3A_457] : memref<786432xf32, #tpu.memory_space<vmem>>, vector<4096xf32>
    %mul3A_459 = arith.mulf %get3A_456, %get3A_458 : vector<4096xf32>
    %add3A_460 = arith.addf %mul3A_459, %add3A_185 : vector<4096xf32>
    %convert_element_type3A_461 = arith.truncf %add3A_460 : vector<4096xf32> to vector<4096xbf16>
    %convert_element_type3A_462 = arith.extf %convert_element_type3A_461 : vector<4096xbf16> to vector<4096xf32>
    %get3A_463 = arith.constant 0 : index
    %get3A_464 = arith.constant 16 : index
    %get3A_465 = memref.load %arg1[%get3A_463, %get3A_464] : memref<1x64xf32, #tpu.memory_space<smem>>
    %convert_element_type3A_466 = arith.truncf %get3A_465 : f32 to bf16
    %convert_element_type3A_467 = arith.extf %convert_element_type3A_466 : bf16 to f32
    %mul3A_468 = vector.broadcast %convert_element_type3A_467 : f32 to vector<4096xf32>
    %mul3A_469 = arith.mulf %convert_element_type3A_462, %mul3A_468 : vector<4096xf32>
    %add3A_470 = arith.addf %add3A_454, %mul3A_469 : vector<4096xf32>
    %get3A_471 = arith.constant 69632 : index
    %get3A_472 = vector.load %arg0[%get3A_471] : memref<786432xf32, #tpu.memory_space<vmem>>, vector<4096xf32>
    %get3A_473 = arith.constant 331776 : index
    %get3A_474 = vector.load %arg0[%get3A_473] : memref<786432xf32, #tpu.memory_space<vmem>>, vector<4096xf32>
    %mul3A_475 = arith.mulf %get3A_472, %get3A_474 : vector<4096xf32>
    %add3A_476 = arith.addf %mul3A_475, %add3A_185 : vector<4096xf32>
    %convert_element_type3A_477 = arith.truncf %add3A_476 : vector<4096xf32> to vector<4096xbf16>
    %convert_element_type3A_478 = arith.extf %convert_element_type3A_477 : vector<4096xbf16> to vector<4096xf32>
    %get3A_479 = arith.constant 0 : index
    %get3A_480 = arith.constant 17 : index
    %get3A_481 = memref.load %arg1[%get3A_479, %get3A_480] : memref<1x64xf32, #tpu.memory_space<smem>>
    %convert_element_type3A_482 = arith.truncf %get3A_481 : f32 to bf16
    %convert_element_type3A_483 = arith.extf %convert_element_type3A_482 : bf16 to f32
    %mul3A_484 = vector.broadcast %convert_element_type3A_483 : f32 to vector<4096xf32>
    %mul3A_485 = arith.mulf %convert_element_type3A_478, %mul3A_484 : vector<4096xf32>
    %add3A_486 = arith.addf %add3A_470, %mul3A_485 : vector<4096xf32>
    %get3A_487 = arith.constant 73728 : index
    %get3A_488 = vector.load %arg0[%get3A_487] : memref<786432xf32, #tpu.memory_space<vmem>>, vector<4096xf32>
    %get3A_489 = arith.constant 335872 : index
    %get3A_490 = vector.load %arg0[%get3A_489] : memref<786432xf32, #tpu.memory_space<vmem>>, vector<4096xf32>
    %mul3A_491 = arith.mulf %get3A_488, %get3A_490 : vector<4096xf32>
    %add3A_492 = arith.addf %mul3A_491, %add3A_185 : vector<4096xf32>
    %convert_element_type3A_493 = arith.truncf %add3A_492 : vector<4096xf32> to vector<4096xbf16>
    %convert_element_type3A_494 = arith.extf %convert_element_type3A_493 : vector<4096xbf16> to vector<4096xf32>
    %get3A_495 = arith.constant 0 : index
    %get3A_496 = arith.constant 18 : index
    %get3A_497 = memref.load %arg1[%get3A_495, %get3A_496] : memref<1x64xf32, #tpu.memory_space<smem>>
    %convert_element_type3A_498 = arith.truncf %get3A_497 : f32 to bf16
    %convert_element_type3A_499 = arith.extf %convert_element_type3A_498 : bf16 to f32
    %mul3A_500 = vector.broadcast %convert_element_type3A_499 : f32 to vector<4096xf32>
    %mul3A_501 = arith.mulf %convert_element_type3A_494, %mul3A_500 : vector<4096xf32>
    %add3A_502 = arith.addf %add3A_486, %mul3A_501 : vector<4096xf32>
    %get3A_503 = arith.constant 77824 : index
    %get3A_504 = vector.load %arg0[%get3A_503] : memref<786432xf32, #tpu.memory_space<vmem>>, vector<4096xf32>
    %get3A_505 = arith.constant 339968 : index
    %get3A_506 = vector.load %arg0[%get3A_505] : memref<786432xf32, #tpu.memory_space<vmem>>, vector<4096xf32>
    %mul3A_507 = arith.mulf %get3A_504, %get3A_506 : vector<4096xf32>
    %add3A_508 = arith.addf %mul3A_507, %add3A_185 : vector<4096xf32>
    %convert_element_type3A_509 = arith.truncf %add3A_508 : vector<4096xf32> to vector<4096xbf16>
    %convert_element_type3A_510 = arith.extf %convert_element_type3A_509 : vector<4096xbf16> to vector<4096xf32>
    %get3A_511 = arith.constant 0 : index
    %get3A_512 = arith.constant 19 : index
    %get3A_513 = memref.load %arg1[%get3A_511, %get3A_512] : memref<1x64xf32, #tpu.memory_space<smem>>
    %convert_element_type3A_514 = arith.truncf %get3A_513 : f32 to bf16
    %convert_element_type3A_515 = arith.extf %convert_element_type3A_514 : bf16 to f32
    %mul3A_516 = vector.broadcast %convert_element_type3A_515 : f32 to vector<4096xf32>
    %mul3A_517 = arith.mulf %convert_element_type3A_510, %mul3A_516 : vector<4096xf32>
    %add3A_518 = arith.addf %add3A_502, %mul3A_517 : vector<4096xf32>
    %get3A_519 = arith.constant 81920 : index
    %get3A_520 = vector.load %arg0[%get3A_519] : memref<786432xf32, #tpu.memory_space<vmem>>, vector<4096xf32>
    %get3A_521 = arith.constant 344064 : index
    %get3A_522 = vector.load %arg0[%get3A_521] : memref<786432xf32, #tpu.memory_space<vmem>>, vector<4096xf32>
    %mul3A_523 = arith.mulf %get3A_520, %get3A_522 : vector<4096xf32>
    %add3A_524 = arith.addf %mul3A_523, %add3A_185 : vector<4096xf32>
    %convert_element_type3A_525 = arith.truncf %add3A_524 : vector<4096xf32> to vector<4096xbf16>
    %convert_element_type3A_526 = arith.extf %convert_element_type3A_525 : vector<4096xbf16> to vector<4096xf32>
    %get3A_527 = arith.constant 0 : index
    %get3A_528 = arith.constant 20 : index
    %get3A_529 = memref.load %arg1[%get3A_527, %get3A_528] : memref<1x64xf32, #tpu.memory_space<smem>>
    %convert_element_type3A_530 = arith.truncf %get3A_529 : f32 to bf16
    %convert_element_type3A_531 = arith.extf %convert_element_type3A_530 : bf16 to f32
    %mul3A_532 = vector.broadcast %convert_element_type3A_531 : f32 to vector<4096xf32>
    %mul3A_533 = arith.mulf %convert_element_type3A_526, %mul3A_532 : vector<4096xf32>
    %add3A_534 = arith.addf %add3A_518, %mul3A_533 : vector<4096xf32>
    %get3A_535 = arith.constant 86016 : index
    %get3A_536 = vector.load %arg0[%get3A_535] : memref<786432xf32, #tpu.memory_space<vmem>>, vector<4096xf32>
    %get3A_537 = arith.constant 348160 : index
    %get3A_538 = vector.load %arg0[%get3A_537] : memref<786432xf32, #tpu.memory_space<vmem>>, vector<4096xf32>
    %mul3A_539 = arith.mulf %get3A_536, %get3A_538 : vector<4096xf32>
    %add3A_540 = arith.addf %mul3A_539, %add3A_185 : vector<4096xf32>
    %convert_element_type3A_541 = arith.truncf %add3A_540 : vector<4096xf32> to vector<4096xbf16>
    %convert_element_type3A_542 = arith.extf %convert_element_type3A_541 : vector<4096xbf16> to vector<4096xf32>
    %get3A_543 = arith.constant 0 : index
    %get3A_544 = arith.constant 21 : index
    %get3A_545 = memref.load %arg1[%get3A_543, %get3A_544] : memref<1x64xf32, #tpu.memory_space<smem>>
    %convert_element_type3A_546 = arith.truncf %get3A_545 : f32 to bf16
    %convert_element_type3A_547 = arith.extf %convert_element_type3A_546 : bf16 to f32
    %mul3A_548 = vector.broadcast %convert_element_type3A_547 : f32 to vector<4096xf32>
    %mul3A_549 = arith.mulf %convert_element_type3A_542, %mul3A_548 : vector<4096xf32>
    %add3A_550 = arith.addf %add3A_534, %mul3A_549 : vector<4096xf32>
    %get3A_551 = arith.constant 90112 : index
    %get3A_552 = vector.load %arg0[%get3A_551] : memref<786432xf32, #tpu.memory_space<vmem>>, vector<4096xf32>
    %get3A_553 = arith.constant 352256 : index
    %get3A_554 = vector.load %arg0[%get3A_553] : memref<786432xf32, #tpu.memory_space<vmem>>, vector<4096xf32>
    %mul3A_555 = arith.mulf %get3A_552, %get3A_554 : vector<4096xf32>
    %add3A_556 = arith.addf %mul3A_555, %add3A_185 : vector<4096xf32>
    %convert_element_type3A_557 = arith.truncf %add3A_556 : vector<4096xf32> to vector<4096xbf16>
    %convert_element_type3A_558 = arith.extf %convert_element_type3A_557 : vector<4096xbf16> to vector<4096xf32>
    %get3A_559 = arith.constant 0 : index
    %get3A_560 = arith.constant 22 : index
    %get3A_561 = memref.load %arg1[%get3A_559, %get3A_560] : memref<1x64xf32, #tpu.memory_space<smem>>
    %convert_element_type3A_562 = arith.truncf %get3A_561 : f32 to bf16
    %convert_element_type3A_563 = arith.extf %convert_element_type3A_562 : bf16 to f32
    %mul3A_564 = vector.broadcast %convert_element_type3A_563 : f32 to vector<4096xf32>
    %mul3A_565 = arith.mulf %convert_element_type3A_558, %mul3A_564 : vector<4096xf32>
    %add3A_566 = arith.addf %add3A_550, %mul3A_565 : vector<4096xf32>
    %get3A_567 = arith.constant 94208 : index
    %get3A_568 = vector.load %arg0[%get3A_567] : memref<786432xf32, #tpu.memory_space<vmem>>, vector<4096xf32>
    %get3A_569 = arith.constant 356352 : index
    %get3A_570 = vector.load %arg0[%get3A_569] : memref<786432xf32, #tpu.memory_space<vmem>>, vector<4096xf32>
    %mul3A_571 = arith.mulf %get3A_568, %get3A_570 : vector<4096xf32>
    %add3A_572 = arith.addf %mul3A_571, %add3A_185 : vector<4096xf32>
    %convert_element_type3A_573 = arith.truncf %add3A_572 : vector<4096xf32> to vector<4096xbf16>
    %convert_element_type3A_574 = arith.extf %convert_element_type3A_573 : vector<4096xbf16> to vector<4096xf32>
    %get3A_575 = arith.constant 0 : index
    %get3A_576 = arith.constant 23 : index
    %get3A_577 = memref.load %arg1[%get3A_575, %get3A_576] : memref<1x64xf32, #tpu.memory_space<smem>>
    %convert_element_type3A_578 = arith.truncf %get3A_577 : f32 to bf16
    %convert_element_type3A_579 = arith.extf %convert_element_type3A_578 : bf16 to f32
    %mul3A_580 = vector.broadcast %convert_element_type3A_579 : f32 to vector<4096xf32>
    %mul3A_581 = arith.mulf %convert_element_type3A_574, %mul3A_580 : vector<4096xf32>
    %add3A_582 = arith.addf %add3A_566, %mul3A_581 : vector<4096xf32>
    %get3A_583 = arith.constant 98304 : index
    %get3A_584 = vector.load %arg0[%get3A_583] : memref<786432xf32, #tpu.memory_space<vmem>>, vector<4096xf32>
    %get3A_585 = arith.constant 360448 : index
    %get3A_586 = vector.load %arg0[%get3A_585] : memref<786432xf32, #tpu.memory_space<vmem>>, vector<4096xf32>
    %mul3A_587 = arith.mulf %get3A_584, %get3A_586 : vector<4096xf32>
    %add3A_588 = arith.addf %mul3A_587, %add3A_185 : vector<4096xf32>
    %convert_element_type3A_589 = arith.truncf %add3A_588 : vector<4096xf32> to vector<4096xbf16>
    %convert_element_type3A_590 = arith.extf %convert_element_type3A_589 : vector<4096xbf16> to vector<4096xf32>
    %get3A_591 = arith.constant 0 : index
    %get3A_592 = arith.constant 24 : index
    %get3A_593 = memref.load %arg1[%get3A_591, %get3A_592] : memref<1x64xf32, #tpu.memory_space<smem>>
    %convert_element_type3A_594 = arith.truncf %get3A_593 : f32 to bf16
    %convert_element_type3A_595 = arith.extf %convert_element_type3A_594 : bf16 to f32
    %mul3A_596 = vector.broadcast %convert_element_type3A_595 : f32 to vector<4096xf32>
    %mul3A_597 = arith.mulf %convert_element_type3A_590, %mul3A_596 : vector<4096xf32>
    %add3A_598 = arith.addf %add3A_582, %mul3A_597 : vector<4096xf32>
    %get3A_599 = arith.constant 102400 : index
    %get3A_600 = vector.load %arg0[%get3A_599] : memref<786432xf32, #tpu.memory_space<vmem>>, vector<4096xf32>
    %get3A_601 = arith.constant 364544 : index
    %get3A_602 = vector.load %arg0[%get3A_601] : memref<786432xf32, #tpu.memory_space<vmem>>, vector<4096xf32>
    %mul3A_603 = arith.mulf %get3A_600, %get3A_602 : vector<4096xf32>
    %add3A_604 = arith.addf %mul3A_603, %add3A_185 : vector<4096xf32>
    %convert_element_type3A_605 = arith.truncf %add3A_604 : vector<4096xf32> to vector<4096xbf16>
    %convert_element_type3A_606 = arith.extf %convert_element_type3A_605 : vector<4096xbf16> to vector<4096xf32>
    %get3A_607 = arith.constant 0 : index
    %get3A_608 = arith.constant 25 : index
    %get3A_609 = memref.load %arg1[%get3A_607, %get3A_608] : memref<1x64xf32, #tpu.memory_space<smem>>
    %convert_element_type3A_610 = arith.truncf %get3A_609 : f32 to bf16
    %convert_element_type3A_611 = arith.extf %convert_element_type3A_610 : bf16 to f32
    %mul3A_612 = vector.broadcast %convert_element_type3A_611 : f32 to vector<4096xf32>
    %mul3A_613 = arith.mulf %convert_element_type3A_606, %mul3A_612 : vector<4096xf32>
    %add3A_614 = arith.addf %add3A_598, %mul3A_613 : vector<4096xf32>
    %get3A_615 = arith.constant 106496 : index
    %get3A_616 = vector.load %arg0[%get3A_615] : memref<786432xf32, #tpu.memory_space<vmem>>, vector<4096xf32>
    %get3A_617 = arith.constant 368640 : index
    %get3A_618 = vector.load %arg0[%get3A_617] : memref<786432xf32, #tpu.memory_space<vmem>>, vector<4096xf32>
    %mul3A_619 = arith.mulf %get3A_616, %get3A_618 : vector<4096xf32>
    %add3A_620 = arith.addf %mul3A_619, %add3A_185 : vector<4096xf32>
    %convert_element_type3A_621 = arith.truncf %add3A_620 : vector<4096xf32> to vector<4096xbf16>
    %convert_element_type3A_622 = arith.extf %convert_element_type3A_621 : vector<4096xbf16> to vector<4096xf32>
    %get3A_623 = arith.constant 0 : index
    %get3A_624 = arith.constant 26 : index
    %get3A_625 = memref.load %arg1[%get3A_623, %get3A_624] : memref<1x64xf32, #tpu.memory_space<smem>>
    %convert_element_type3A_626 = arith.truncf %get3A_625 : f32 to bf16
    %convert_element_type3A_627 = arith.extf %convert_element_type3A_626 : bf16 to f32
    %mul3A_628 = vector.broadcast %convert_element_type3A_627 : f32 to vector<4096xf32>
    %mul3A_629 = arith.mulf %convert_element_type3A_622, %mul3A_628 : vector<4096xf32>
    %add3A_630 = arith.addf %add3A_614, %mul3A_629 : vector<4096xf32>
    %get3A_631 = arith.constant 110592 : index
    %get3A_632 = vector.load %arg0[%get3A_631] : memref<786432xf32, #tpu.memory_space<vmem>>, vector<4096xf32>
    %get3A_633 = arith.constant 372736 : index
    %get3A_634 = vector.load %arg0[%get3A_633] : memref<786432xf32, #tpu.memory_space<vmem>>, vector<4096xf32>
    %mul3A_635 = arith.mulf %get3A_632, %get3A_634 : vector<4096xf32>
    %add3A_636 = arith.addf %mul3A_635, %add3A_185 : vector<4096xf32>
    %convert_element_type3A_637 = arith.truncf %add3A_636 : vector<4096xf32> to vector<4096xbf16>
    %convert_element_type3A_638 = arith.extf %convert_element_type3A_637 : vector<4096xbf16> to vector<4096xf32>
    %get3A_639 = arith.constant 0 : index
    %get3A_640 = arith.constant 27 : index
    %get3A_641 = memref.load %arg1[%get3A_639, %get3A_640] : memref<1x64xf32, #tpu.memory_space<smem>>
    %convert_element_type3A_642 = arith.truncf %get3A_641 : f32 to bf16
    %convert_element_type3A_643 = arith.extf %convert_element_type3A_642 : bf16 to f32
    %mul3A_644 = vector.broadcast %convert_element_type3A_643 : f32 to vector<4096xf32>
    %mul3A_645 = arith.mulf %convert_element_type3A_638, %mul3A_644 : vector<4096xf32>
    %add3A_646 = arith.addf %add3A_630, %mul3A_645 : vector<4096xf32>
    %get3A_647 = arith.constant 114688 : index
    %get3A_648 = vector.load %arg0[%get3A_647] : memref<786432xf32, #tpu.memory_space<vmem>>, vector<4096xf32>
    %get3A_649 = arith.constant 376832 : index
    %get3A_650 = vector.load %arg0[%get3A_649] : memref<786432xf32, #tpu.memory_space<vmem>>, vector<4096xf32>
    %mul3A_651 = arith.mulf %get3A_648, %get3A_650 : vector<4096xf32>
    %add3A_652 = arith.addf %mul3A_651, %add3A_185 : vector<4096xf32>
    %convert_element_type3A_653 = arith.truncf %add3A_652 : vector<4096xf32> to vector<4096xbf16>
    %convert_element_type3A_654 = arith.extf %convert_element_type3A_653 : vector<4096xbf16> to vector<4096xf32>
    %get3A_655 = arith.constant 0 : index
    %get3A_656 = arith.constant 28 : index
    %get3A_657 = memref.load %arg1[%get3A_655, %get3A_656] : memref<1x64xf32, #tpu.memory_space<smem>>
    %convert_element_type3A_658 = arith.truncf %get3A_657 : f32 to bf16
    %convert_element_type3A_659 = arith.extf %convert_element_type3A_658 : bf16 to f32
    %mul3A_660 = vector.broadcast %convert_element_type3A_659 : f32 to vector<4096xf32>
    %mul3A_661 = arith.mulf %convert_element_type3A_654, %mul3A_660 : vector<4096xf32>
    %add3A_662 = arith.addf %add3A_646, %mul3A_661 : vector<4096xf32>
    %get3A_663 = arith.constant 118784 : index
    %get3A_664 = vector.load %arg0[%get3A_663] : memref<786432xf32, #tpu.memory_space<vmem>>, vector<4096xf32>
    %get3A_665 = arith.constant 380928 : index
    %get3A_666 = vector.load %arg0[%get3A_665] : memref<786432xf32, #tpu.memory_space<vmem>>, vector<4096xf32>
    %mul3A_667 = arith.mulf %get3A_664, %get3A_666 : vector<4096xf32>
    %add3A_668 = arith.addf %mul3A_667, %add3A_185 : vector<4096xf32>
    %convert_element_type3A_669 = arith.truncf %add3A_668 : vector<4096xf32> to vector<4096xbf16>
    %convert_element_type3A_670 = arith.extf %convert_element_type3A_669 : vector<4096xbf16> to vector<4096xf32>
    %get3A_671 = arith.constant 0 : index
    %get3A_672 = arith.constant 29 : index
    %get3A_673 = memref.load %arg1[%get3A_671, %get3A_672] : memref<1x64xf32, #tpu.memory_space<smem>>
    %convert_element_type3A_674 = arith.truncf %get3A_673 : f32 to bf16
    %convert_element_type3A_675 = arith.extf %convert_element_type3A_674 : bf16 to f32
    %mul3A_676 = vector.broadcast %convert_element_type3A_675 : f32 to vector<4096xf32>
    %mul3A_677 = arith.mulf %convert_element_type3A_670, %mul3A_676 : vector<4096xf32>
    %add3A_678 = arith.addf %add3A_662, %mul3A_677 : vector<4096xf32>
    %get3A_679 = arith.constant 122880 : index
    %get3A_680 = vector.load %arg0[%get3A_679] : memref<786432xf32, #tpu.memory_space<vmem>>, vector<4096xf32>
    %get3A_681 = arith.constant 385024 : index
    %get3A_682 = vector.load %arg0[%get3A_681] : memref<786432xf32, #tpu.memory_space<vmem>>, vector<4096xf32>
    %mul3A_683 = arith.mulf %get3A_680, %get3A_682 : vector<4096xf32>
    %add3A_684 = arith.addf %mul3A_683, %add3A_185 : vector<4096xf32>
    %convert_element_type3A_685 = arith.truncf %add3A_684 : vector<4096xf32> to vector<4096xbf16>
    %convert_element_type3A_686 = arith.extf %convert_element_type3A_685 : vector<4096xbf16> to vector<4096xf32>
    %get3A_687 = arith.constant 0 : index
    %get3A_688 = arith.constant 30 : index
    %get3A_689 = memref.load %arg1[%get3A_687, %get3A_688] : memref<1x64xf32, #tpu.memory_space<smem>>
    %convert_element_type3A_690 = arith.truncf %get3A_689 : f32 to bf16
    %convert_element_type3A_691 = arith.extf %convert_element_type3A_690 : bf16 to f32
    %mul3A_692 = vector.broadcast %convert_element_type3A_691 : f32 to vector<4096xf32>
    %mul3A_693 = arith.mulf %convert_element_type3A_686, %mul3A_692 : vector<4096xf32>
    %add3A_694 = arith.addf %add3A_678, %mul3A_693 : vector<4096xf32>
    %get3A_695 = arith.constant 126976 : index
    %get3A_696 = vector.load %arg0[%get3A_695] : memref<786432xf32, #tpu.memory_space<vmem>>, vector<4096xf32>
    %get3A_697 = arith.constant 389120 : index
    %get3A_698 = vector.load %arg0[%get3A_697] : memref<786432xf32, #tpu.memory_space<vmem>>, vector<4096xf32>
    %mul3A_699 = arith.mulf %get3A_696, %get3A_698 : vector<4096xf32>
    %add3A_700 = arith.addf %mul3A_699, %add3A_185 : vector<4096xf32>
    %convert_element_type3A_701 = arith.truncf %add3A_700 : vector<4096xf32> to vector<4096xbf16>
    %convert_element_type3A_702 = arith.extf %convert_element_type3A_701 : vector<4096xbf16> to vector<4096xf32>
    %get3A_703 = arith.constant 0 : index
    %get3A_704 = arith.constant 31 : index
    %get3A_705 = memref.load %arg1[%get3A_703, %get3A_704] : memref<1x64xf32, #tpu.memory_space<smem>>
    %convert_element_type3A_706 = arith.truncf %get3A_705 : f32 to bf16
    %convert_element_type3A_707 = arith.extf %convert_element_type3A_706 : bf16 to f32
    %mul3A_708 = vector.broadcast %convert_element_type3A_707 : f32 to vector<4096xf32>
    %mul3A_709 = arith.mulf %convert_element_type3A_702, %mul3A_708 : vector<4096xf32>
    %add3A_710 = arith.addf %add3A_694, %mul3A_709 : vector<4096xf32>
    %get3A_711 = arith.constant 131072 : index
    %get3A_712 = vector.load %arg0[%get3A_711] : memref<786432xf32, #tpu.memory_space<vmem>>, vector<4096xf32>
    %get3A_713 = arith.constant 393216 : index
    %get3A_714 = vector.load %arg0[%get3A_713] : memref<786432xf32, #tpu.memory_space<vmem>>, vector<4096xf32>
    %mul3A_715 = arith.mulf %get3A_712, %get3A_714 : vector<4096xf32>
    %add3A_716 = arith.addf %mul3A_715, %add3A_185 : vector<4096xf32>
    %convert_element_type3A_717 = arith.truncf %add3A_716 : vector<4096xf32> to vector<4096xbf16>
    %convert_element_type3A_718 = arith.extf %convert_element_type3A_717 : vector<4096xbf16> to vector<4096xf32>
    %get3A_719 = arith.constant 0 : index
    %get3A_720 = arith.constant 32 : index
    %get3A_721 = memref.load %arg1[%get3A_719, %get3A_720] : memref<1x64xf32, #tpu.memory_space<smem>>
    %convert_element_type3A_722 = arith.truncf %get3A_721 : f32 to bf16
    %convert_element_type3A_723 = arith.extf %convert_element_type3A_722 : bf16 to f32
    %mul3A_724 = vector.broadcast %convert_element_type3A_723 : f32 to vector<4096xf32>
    %mul3A_725 = arith.mulf %convert_element_type3A_718, %mul3A_724 : vector<4096xf32>
    %add3A_726 = arith.addf %add3A_710, %mul3A_725 : vector<4096xf32>
    %get3A_727 = arith.constant 135168 : index
    %get3A_728 = vector.load %arg0[%get3A_727] : memref<786432xf32, #tpu.memory_space<vmem>>, vector<4096xf32>
    %get3A_729 = arith.constant 397312 : index
    %get3A_730 = vector.load %arg0[%get3A_729] : memref<786432xf32, #tpu.memory_space<vmem>>, vector<4096xf32>
    %mul3A_731 = arith.mulf %get3A_728, %get3A_730 : vector<4096xf32>
    %add3A_732 = arith.addf %mul3A_731, %add3A_185 : vector<4096xf32>
    %convert_element_type3A_733 = arith.truncf %add3A_732 : vector<4096xf32> to vector<4096xbf16>
    %convert_element_type3A_734 = arith.extf %convert_element_type3A_733 : vector<4096xbf16> to vector<4096xf32>
    %get3A_735 = arith.constant 0 : index
    %get3A_736 = arith.constant 33 : index
    %get3A_737 = memref.load %arg1[%get3A_735, %get3A_736] : memref<1x64xf32, #tpu.memory_space<smem>>
    %convert_element_type3A_738 = arith.truncf %get3A_737 : f32 to bf16
    %convert_element_type3A_739 = arith.extf %convert_element_type3A_738 : bf16 to f32
    %mul3A_740 = vector.broadcast %convert_element_type3A_739 : f32 to vector<4096xf32>
    %mul3A_741 = arith.mulf %convert_element_type3A_734, %mul3A_740 : vector<4096xf32>
    %add3A_742 = arith.addf %add3A_726, %mul3A_741 : vector<4096xf32>
    %get3A_743 = arith.constant 139264 : index
    %get3A_744 = vector.load %arg0[%get3A_743] : memref<786432xf32, #tpu.memory_space<vmem>>, vector<4096xf32>
    %get3A_745 = arith.constant 401408 : index
    %get3A_746 = vector.load %arg0[%get3A_745] : memref<786432xf32, #tpu.memory_space<vmem>>, vector<4096xf32>
    %mul3A_747 = arith.mulf %get3A_744, %get3A_746 : vector<4096xf32>
    %add3A_748 = arith.addf %mul3A_747, %add3A_185 : vector<4096xf32>
    %convert_element_type3A_749 = arith.truncf %add3A_748 : vector<4096xf32> to vector<4096xbf16>
    %convert_element_type3A_750 = arith.extf %convert_element_type3A_749 : vector<4096xbf16> to vector<4096xf32>
    %get3A_751 = arith.constant 0 : index
    %get3A_752 = arith.constant 34 : index
    %get3A_753 = memref.load %arg1[%get3A_751, %get3A_752] : memref<1x64xf32, #tpu.memory_space<smem>>
    %convert_element_type3A_754 = arith.truncf %get3A_753 : f32 to bf16
    %convert_element_type3A_755 = arith.extf %convert_element_type3A_754 : bf16 to f32
    %mul3A_756 = vector.broadcast %convert_element_type3A_755 : f32 to vector<4096xf32>
    %mul3A_757 = arith.mulf %convert_element_type3A_750, %mul3A_756 : vector<4096xf32>
    %add3A_758 = arith.addf %add3A_742, %mul3A_757 : vector<4096xf32>
    %get3A_759 = arith.constant 143360 : index
    %get3A_760 = vector.load %arg0[%get3A_759] : memref<786432xf32, #tpu.memory_space<vmem>>, vector<4096xf32>
    %get3A_761 = arith.constant 405504 : index
    %get3A_762 = vector.load %arg0[%get3A_761] : memref<786432xf32, #tpu.memory_space<vmem>>, vector<4096xf32>
    %mul3A_763 = arith.mulf %get3A_760, %get3A_762 : vector<4096xf32>
    %add3A_764 = arith.addf %mul3A_763, %add3A_185 : vector<4096xf32>
    %convert_element_type3A_765 = arith.truncf %add3A_764 : vector<4096xf32> to vector<4096xbf16>
    %convert_element_type3A_766 = arith.extf %convert_element_type3A_765 : vector<4096xbf16> to vector<4096xf32>
    %get3A_767 = arith.constant 0 : index
    %get3A_768 = arith.constant 35 : index
    %get3A_769 = memref.load %arg1[%get3A_767, %get3A_768] : memref<1x64xf32, #tpu.memory_space<smem>>
    %convert_element_type3A_770 = arith.truncf %get3A_769 : f32 to bf16
    %convert_element_type3A_771 = arith.extf %convert_element_type3A_770 : bf16 to f32
    %mul3A_772 = vector.broadcast %convert_element_type3A_771 : f32 to vector<4096xf32>
    %mul3A_773 = arith.mulf %convert_element_type3A_766, %mul3A_772 : vector<4096xf32>
    %add3A_774 = arith.addf %add3A_758, %mul3A_773 : vector<4096xf32>
    %get3A_775 = arith.constant 147456 : index
    %get3A_776 = vector.load %arg0[%get3A_775] : memref<786432xf32, #tpu.memory_space<vmem>>, vector<4096xf32>
    %get3A_777 = arith.constant 409600 : index
    %get3A_778 = vector.load %arg0[%get3A_777] : memref<786432xf32, #tpu.memory_space<vmem>>, vector<4096xf32>
    %mul3A_779 = arith.mulf %get3A_776, %get3A_778 : vector<4096xf32>
    %add3A_780 = arith.addf %mul3A_779, %add3A_185 : vector<4096xf32>
    %convert_element_type3A_781 = arith.truncf %add3A_780 : vector<4096xf32> to vector<4096xbf16>
    %convert_element_type3A_782 = arith.extf %convert_element_type3A_781 : vector<4096xbf16> to vector<4096xf32>
    %get3A_783 = arith.constant 0 : index
    %get3A_784 = arith.constant 36 : index
    %get3A_785 = memref.load %arg1[%get3A_783, %get3A_784] : memref<1x64xf32, #tpu.memory_space<smem>>
    %convert_element_type3A_786 = arith.truncf %get3A_785 : f32 to bf16
    %convert_element_type3A_787 = arith.extf %convert_element_type3A_786 : bf16 to f32
    %mul3A_788 = vector.broadcast %convert_element_type3A_787 : f32 to vector<4096xf32>
    %mul3A_789 = arith.mulf %convert_element_type3A_782, %mul3A_788 : vector<4096xf32>
    %add3A_790 = arith.addf %add3A_774, %mul3A_789 : vector<4096xf32>
    %get3A_791 = arith.constant 151552 : index
    %get3A_792 = vector.load %arg0[%get3A_791] : memref<786432xf32, #tpu.memory_space<vmem>>, vector<4096xf32>
    %get3A_793 = arith.constant 413696 : index
    %get3A_794 = vector.load %arg0[%get3A_793] : memref<786432xf32, #tpu.memory_space<vmem>>, vector<4096xf32>
    %mul3A_795 = arith.mulf %get3A_792, %get3A_794 : vector<4096xf32>
    %add3A_796 = arith.addf %mul3A_795, %add3A_185 : vector<4096xf32>
    %convert_element_type3A_797 = arith.truncf %add3A_796 : vector<4096xf32> to vector<4096xbf16>
    %convert_element_type3A_798 = arith.extf %convert_element_type3A_797 : vector<4096xbf16> to vector<4096xf32>
    %get3A_799 = arith.constant 0 : index
    %get3A_800 = arith.constant 37 : index
    %get3A_801 = memref.load %arg1[%get3A_799, %get3A_800] : memref<1x64xf32, #tpu.memory_space<smem>>
    %convert_element_type3A_802 = arith.truncf %get3A_801 : f32 to bf16
    %convert_element_type3A_803 = arith.extf %convert_element_type3A_802 : bf16 to f32
    %mul3A_804 = vector.broadcast %convert_element_type3A_803 : f32 to vector<4096xf32>
    %mul3A_805 = arith.mulf %convert_element_type3A_798, %mul3A_804 : vector<4096xf32>
    %add3A_806 = arith.addf %add3A_790, %mul3A_805 : vector<4096xf32>
    %get3A_807 = arith.constant 155648 : index
    %get3A_808 = vector.load %arg0[%get3A_807] : memref<786432xf32, #tpu.memory_space<vmem>>, vector<4096xf32>
    %get3A_809 = arith.constant 417792 : index
    %get3A_810 = vector.load %arg0[%get3A_809] : memref<786432xf32, #tpu.memory_space<vmem>>, vector<4096xf32>
    %mul3A_811 = arith.mulf %get3A_808, %get3A_810 : vector<4096xf32>
    %add3A_812 = arith.addf %mul3A_811, %add3A_185 : vector<4096xf32>
    %convert_element_type3A_813 = arith.truncf %add3A_812 : vector<4096xf32> to vector<4096xbf16>
    %convert_element_type3A_814 = arith.extf %convert_element_type3A_813 : vector<4096xbf16> to vector<4096xf32>
    %get3A_815 = arith.constant 0 : index
    %get3A_816 = arith.constant 38 : index
    %get3A_817 = memref.load %arg1[%get3A_815, %get3A_816] : memref<1x64xf32, #tpu.memory_space<smem>>
    %convert_element_type3A_818 = arith.truncf %get3A_817 : f32 to bf16
    %convert_element_type3A_819 = arith.extf %convert_element_type3A_818 : bf16 to f32
    %mul3A_820 = vector.broadcast %convert_element_type3A_819 : f32 to vector<4096xf32>
    %mul3A_821 = arith.mulf %convert_element_type3A_814, %mul3A_820 : vector<4096xf32>
    %add3A_822 = arith.addf %add3A_806, %mul3A_821 : vector<4096xf32>
    %get3A_823 = arith.constant 159744 : index
    %get3A_824 = vector.load %arg0[%get3A_823] : memref<786432xf32, #tpu.memory_space<vmem>>, vector<4096xf32>
    %get3A_825 = arith.constant 421888 : index
    %get3A_826 = vector.load %arg0[%get3A_825] : memref<786432xf32, #tpu.memory_space<vmem>>, vector<4096xf32>
    %mul3A_827 = arith.mulf %get3A_824, %get3A_826 : vector<4096xf32>
    %add3A_828 = arith.addf %mul3A_827, %add3A_185 : vector<4096xf32>
    %convert_element_type3A_829 = arith.truncf %add3A_828 : vector<4096xf32> to vector<4096xbf16>
    %convert_element_type3A_830 = arith.extf %convert_element_type3A_829 : vector<4096xbf16> to vector<4096xf32>
    %get3A_831 = arith.constant 0 : index
    %get3A_832 = arith.constant 39 : index
    %get3A_833 = memref.load %arg1[%get3A_831, %get3A_832] : memref<1x64xf32, #tpu.memory_space<smem>>
    %convert_element_type3A_834 = arith.truncf %get3A_833 : f32 to bf16
    %convert_element_type3A_835 = arith.extf %convert_element_type3A_834 : bf16 to f32
    %mul3A_836 = vector.broadcast %convert_element_type3A_835 : f32 to vector<4096xf32>
    %mul3A_837 = arith.mulf %convert_element_type3A_830, %mul3A_836 : vector<4096xf32>
    %add3A_838 = arith.addf %add3A_822, %mul3A_837 : vector<4096xf32>
    %get3A_839 = arith.constant 163840 : index
    %get3A_840 = vector.load %arg0[%get3A_839] : memref<786432xf32, #tpu.memory_space<vmem>>, vector<4096xf32>
    %get3A_841 = arith.constant 425984 : index
    %get3A_842 = vector.load %arg0[%get3A_841] : memref<786432xf32, #tpu.memory_space<vmem>>, vector<4096xf32>
    %mul3A_843 = arith.mulf %get3A_840, %get3A_842 : vector<4096xf32>
    %add3A_844 = arith.addf %mul3A_843, %add3A_185 : vector<4096xf32>
    %convert_element_type3A_845 = arith.truncf %add3A_844 : vector<4096xf32> to vector<4096xbf16>
    %convert_element_type3A_846 = arith.extf %convert_element_type3A_845 : vector<4096xbf16> to vector<4096xf32>
    %get3A_847 = arith.constant 0 : index
    %get3A_848 = arith.constant 40 : index
    %get3A_849 = memref.load %arg1[%get3A_847, %get3A_848] : memref<1x64xf32, #tpu.memory_space<smem>>
    %convert_element_type3A_850 = arith.truncf %get3A_849 : f32 to bf16
    %convert_element_type3A_851 = arith.extf %convert_element_type3A_850 : bf16 to f32
    %mul3A_852 = vector.broadcast %convert_element_type3A_851 : f32 to vector<4096xf32>
    %mul3A_853 = arith.mulf %convert_element_type3A_846, %mul3A_852 : vector<4096xf32>
    %add3A_854 = arith.addf %add3A_838, %mul3A_853 : vector<4096xf32>
    %get3A_855 = arith.constant 167936 : index
    %get3A_856 = vector.load %arg0[%get3A_855] : memref<786432xf32, #tpu.memory_space<vmem>>, vector<4096xf32>
    %get3A_857 = arith.constant 430080 : index
    %get3A_858 = vector.load %arg0[%get3A_857] : memref<786432xf32, #tpu.memory_space<vmem>>, vector<4096xf32>
    %mul3A_859 = arith.mulf %get3A_856, %get3A_858 : vector<4096xf32>
    %add3A_860 = arith.addf %mul3A_859, %add3A_185 : vector<4096xf32>
    %convert_element_type3A_861 = arith.truncf %add3A_860 : vector<4096xf32> to vector<4096xbf16>
    %convert_element_type3A_862 = arith.extf %convert_element_type3A_861 : vector<4096xbf16> to vector<4096xf32>
    %get3A_863 = arith.constant 0 : index
    %get3A_864 = arith.constant 41 : index
    %get3A_865 = memref.load %arg1[%get3A_863, %get3A_864] : memref<1x64xf32, #tpu.memory_space<smem>>
    %convert_element_type3A_866 = arith.truncf %get3A_865 : f32 to bf16
    %convert_element_type3A_867 = arith.extf %convert_element_type3A_866 : bf16 to f32
    %mul3A_868 = vector.broadcast %convert_element_type3A_867 : f32 to vector<4096xf32>
    %mul3A_869 = arith.mulf %convert_element_type3A_862, %mul3A_868 : vector<4096xf32>
    %add3A_870 = arith.addf %add3A_854, %mul3A_869 : vector<4096xf32>
    %get3A_871 = arith.constant 172032 : index
    %get3A_872 = vector.load %arg0[%get3A_871] : memref<786432xf32, #tpu.memory_space<vmem>>, vector<4096xf32>
    %get3A_873 = arith.constant 434176 : index
    %get3A_874 = vector.load %arg0[%get3A_873] : memref<786432xf32, #tpu.memory_space<vmem>>, vector<4096xf32>
    %mul3A_875 = arith.mulf %get3A_872, %get3A_874 : vector<4096xf32>
    %add3A_876 = arith.addf %mul3A_875, %add3A_185 : vector<4096xf32>
    %convert_element_type3A_877 = arith.truncf %add3A_876 : vector<4096xf32> to vector<4096xbf16>
    %convert_element_type3A_878 = arith.extf %convert_element_type3A_877 : vector<4096xbf16> to vector<4096xf32>
    %get3A_879 = arith.constant 0 : index
    %get3A_880 = arith.constant 42 : index
    %get3A_881 = memref.load %arg1[%get3A_879, %get3A_880] : memref<1x64xf32, #tpu.memory_space<smem>>
    %convert_element_type3A_882 = arith.truncf %get3A_881 : f32 to bf16
    %convert_element_type3A_883 = arith.extf %convert_element_type3A_882 : bf16 to f32
    %mul3A_884 = vector.broadcast %convert_element_type3A_883 : f32 to vector<4096xf32>
    %mul3A_885 = arith.mulf %convert_element_type3A_878, %mul3A_884 : vector<4096xf32>
    %add3A_886 = arith.addf %add3A_870, %mul3A_885 : vector<4096xf32>
    %get3A_887 = arith.constant 176128 : index
    %get3A_888 = vector.load %arg0[%get3A_887] : memref<786432xf32, #tpu.memory_space<vmem>>, vector<4096xf32>
    %get3A_889 = arith.constant 438272 : index
    %get3A_890 = vector.load %arg0[%get3A_889] : memref<786432xf32, #tpu.memory_space<vmem>>, vector<4096xf32>
    %mul3A_891 = arith.mulf %get3A_888, %get3A_890 : vector<4096xf32>
    %add3A_892 = arith.addf %mul3A_891, %add3A_185 : vector<4096xf32>
    %convert_element_type3A_893 = arith.truncf %add3A_892 : vector<4096xf32> to vector<4096xbf16>
    %convert_element_type3A_894 = arith.extf %convert_element_type3A_893 : vector<4096xbf16> to vector<4096xf32>
    %get3A_895 = arith.constant 0 : index
    %get3A_896 = arith.constant 43 : index
    %get3A_897 = memref.load %arg1[%get3A_895, %get3A_896] : memref<1x64xf32, #tpu.memory_space<smem>>
    %convert_element_type3A_898 = arith.truncf %get3A_897 : f32 to bf16
    %convert_element_type3A_899 = arith.extf %convert_element_type3A_898 : bf16 to f32
    %mul3A_900 = vector.broadcast %convert_element_type3A_899 : f32 to vector<4096xf32>
    %mul3A_901 = arith.mulf %convert_element_type3A_894, %mul3A_900 : vector<4096xf32>
    %add3A_902 = arith.addf %add3A_886, %mul3A_901 : vector<4096xf32>
    %get3A_903 = arith.constant 180224 : index
    %get3A_904 = vector.load %arg0[%get3A_903] : memref<786432xf32, #tpu.memory_space<vmem>>, vector<4096xf32>
    %get3A_905 = arith.constant 442368 : index
    %get3A_906 = vector.load %arg0[%get3A_905] : memref<786432xf32, #tpu.memory_space<vmem>>, vector<4096xf32>
    %mul3A_907 = arith.mulf %get3A_904, %get3A_906 : vector<4096xf32>
    %add3A_908 = arith.addf %mul3A_907, %add3A_185 : vector<4096xf32>
    %convert_element_type3A_909 = arith.truncf %add3A_908 : vector<4096xf32> to vector<4096xbf16>
    %convert_element_type3A_910 = arith.extf %convert_element_type3A_909 : vector<4096xbf16> to vector<4096xf32>
    %get3A_911 = arith.constant 0 : index
    %get3A_912 = arith.constant 44 : index
    %get3A_913 = memref.load %arg1[%get3A_911, %get3A_912] : memref<1x64xf32, #tpu.memory_space<smem>>
    %convert_element_type3A_914 = arith.truncf %get3A_913 : f32 to bf16
    %convert_element_type3A_915 = arith.extf %convert_element_type3A_914 : bf16 to f32
    %mul3A_916 = vector.broadcast %convert_element_type3A_915 : f32 to vector<4096xf32>
    %mul3A_917 = arith.mulf %convert_element_type3A_910, %mul3A_916 : vector<4096xf32>
    %add3A_918 = arith.addf %add3A_902, %mul3A_917 : vector<4096xf32>
    %get3A_919 = arith.constant 184320 : index
    %get3A_920 = vector.load %arg0[%get3A_919] : memref<786432xf32, #tpu.memory_space<vmem>>, vector<4096xf32>
    %get3A_921 = arith.constant 446464 : index
    %get3A_922 = vector.load %arg0[%get3A_921] : memref<786432xf32, #tpu.memory_space<vmem>>, vector<4096xf32>
    %mul3A_923 = arith.mulf %get3A_920, %get3A_922 : vector<4096xf32>
    %add3A_924 = arith.addf %mul3A_923, %add3A_185 : vector<4096xf32>
    %convert_element_type3A_925 = arith.truncf %add3A_924 : vector<4096xf32> to vector<4096xbf16>
    %convert_element_type3A_926 = arith.extf %convert_element_type3A_925 : vector<4096xbf16> to vector<4096xf32>
    %get3A_927 = arith.constant 0 : index
    %get3A_928 = arith.constant 45 : index
    %get3A_929 = memref.load %arg1[%get3A_927, %get3A_928] : memref<1x64xf32, #tpu.memory_space<smem>>
    %convert_element_type3A_930 = arith.truncf %get3A_929 : f32 to bf16
    %convert_element_type3A_931 = arith.extf %convert_element_type3A_930 : bf16 to f32
    %mul3A_932 = vector.broadcast %convert_element_type3A_931 : f32 to vector<4096xf32>
    %mul3A_933 = arith.mulf %convert_element_type3A_926, %mul3A_932 : vector<4096xf32>
    %add3A_934 = arith.addf %add3A_918, %mul3A_933 : vector<4096xf32>
    %get3A_935 = arith.constant 188416 : index
    %get3A_936 = vector.load %arg0[%get3A_935] : memref<786432xf32, #tpu.memory_space<vmem>>, vector<4096xf32>
    %get3A_937 = arith.constant 450560 : index
    %get3A_938 = vector.load %arg0[%get3A_937] : memref<786432xf32, #tpu.memory_space<vmem>>, vector<4096xf32>
    %mul3A_939 = arith.mulf %get3A_936, %get3A_938 : vector<4096xf32>
    %add3A_940 = arith.addf %mul3A_939, %add3A_185 : vector<4096xf32>
    %convert_element_type3A_941 = arith.truncf %add3A_940 : vector<4096xf32> to vector<4096xbf16>
    %convert_element_type3A_942 = arith.extf %convert_element_type3A_941 : vector<4096xbf16> to vector<4096xf32>
    %get3A_943 = arith.constant 0 : index
    %get3A_944 = arith.constant 46 : index
    %get3A_945 = memref.load %arg1[%get3A_943, %get3A_944] : memref<1x64xf32, #tpu.memory_space<smem>>
    %convert_element_type3A_946 = arith.truncf %get3A_945 : f32 to bf16
    %convert_element_type3A_947 = arith.extf %convert_element_type3A_946 : bf16 to f32
    %mul3A_948 = vector.broadcast %convert_element_type3A_947 : f32 to vector<4096xf32>
    %mul3A_949 = arith.mulf %convert_element_type3A_942, %mul3A_948 : vector<4096xf32>
    %add3A_950 = arith.addf %add3A_934, %mul3A_949 : vector<4096xf32>
    %get3A_951 = arith.constant 192512 : index
    %get3A_952 = vector.load %arg0[%get3A_951] : memref<786432xf32, #tpu.memory_space<vmem>>, vector<4096xf32>
    %get3A_953 = arith.constant 454656 : index
    %get3A_954 = vector.load %arg0[%get3A_953] : memref<786432xf32, #tpu.memory_space<vmem>>, vector<4096xf32>
    %mul3A_955 = arith.mulf %get3A_952, %get3A_954 : vector<4096xf32>
    %add3A_956 = arith.addf %mul3A_955, %add3A_185 : vector<4096xf32>
    %convert_element_type3A_957 = arith.truncf %add3A_956 : vector<4096xf32> to vector<4096xbf16>
    %convert_element_type3A_958 = arith.extf %convert_element_type3A_957 : vector<4096xbf16> to vector<4096xf32>
    %get3A_959 = arith.constant 0 : index
    %get3A_960 = arith.constant 47 : index
    %get3A_961 = memref.load %arg1[%get3A_959, %get3A_960] : memref<1x64xf32, #tpu.memory_space<smem>>
    %convert_element_type3A_962 = arith.truncf %get3A_961 : f32 to bf16
    %convert_element_type3A_963 = arith.extf %convert_element_type3A_962 : bf16 to f32
    %mul3A_964 = vector.broadcast %convert_element_type3A_963 : f32 to vector<4096xf32>
    %mul3A_965 = arith.mulf %convert_element_type3A_958, %mul3A_964 : vector<4096xf32>
    %add3A_966 = arith.addf %add3A_950, %mul3A_965 : vector<4096xf32>
    %get3A_967 = arith.constant 196608 : index
    %get3A_968 = vector.load %arg0[%get3A_967] : memref<786432xf32, #tpu.memory_space<vmem>>, vector<4096xf32>
    %get3A_969 = arith.constant 458752 : index
    %get3A_970 = vector.load %arg0[%get3A_969] : memref<786432xf32, #tpu.memory_space<vmem>>, vector<4096xf32>
    %mul3A_971 = arith.mulf %get3A_968, %get3A_970 : vector<4096xf32>
    %add3A_972 = arith.addf %mul3A_971, %add3A_185 : vector<4096xf32>
    %convert_element_type3A_973 = arith.truncf %add3A_972 : vector<4096xf32> to vector<4096xbf16>
    %convert_element_type3A_974 = arith.extf %convert_element_type3A_973 : vector<4096xbf16> to vector<4096xf32>
    %get3A_975 = arith.constant 0 : index
    %get3A_976 = arith.constant 48 : index
    %get3A_977 = memref.load %arg1[%get3A_975, %get3A_976] : memref<1x64xf32, #tpu.memory_space<smem>>
    %convert_element_type3A_978 = arith.truncf %get3A_977 : f32 to bf16
    %convert_element_type3A_979 = arith.extf %convert_element_type3A_978 : bf16 to f32
    %mul3A_980 = vector.broadcast %convert_element_type3A_979 : f32 to vector<4096xf32>
    %mul3A_981 = arith.mulf %convert_element_type3A_974, %mul3A_980 : vector<4096xf32>
    %add3A_982 = arith.addf %add3A_966, %mul3A_981 : vector<4096xf32>
    %get3A_983 = arith.constant 200704 : index
    %get3A_984 = vector.load %arg0[%get3A_983] : memref<786432xf32, #tpu.memory_space<vmem>>, vector<4096xf32>
    %get3A_985 = arith.constant 462848 : index
    %get3A_986 = vector.load %arg0[%get3A_985] : memref<786432xf32, #tpu.memory_space<vmem>>, vector<4096xf32>
    %mul3A_987 = arith.mulf %get3A_984, %get3A_986 : vector<4096xf32>
    %add3A_988 = arith.addf %mul3A_987, %add3A_185 : vector<4096xf32>
    %convert_element_type3A_989 = arith.truncf %add3A_988 : vector<4096xf32> to vector<4096xbf16>
    %convert_element_type3A_990 = arith.extf %convert_element_type3A_989 : vector<4096xbf16> to vector<4096xf32>
    %get3A_991 = arith.constant 0 : index
    %get3A_992 = arith.constant 49 : index
    %get3A_993 = memref.load %arg1[%get3A_991, %get3A_992] : memref<1x64xf32, #tpu.memory_space<smem>>
    %convert_element_type3A_994 = arith.truncf %get3A_993 : f32 to bf16
    %convert_element_type3A_995 = arith.extf %convert_element_type3A_994 : bf16 to f32
    %mul3A_996 = vector.broadcast %convert_element_type3A_995 : f32 to vector<4096xf32>
    %mul3A_997 = arith.mulf %convert_element_type3A_990, %mul3A_996 : vector<4096xf32>
    %add3A_998 = arith.addf %add3A_982, %mul3A_997 : vector<4096xf32>
    %get3A_999 = arith.constant 204800 : index
    %get3A_1000 = vector.load %arg0[%get3A_999] : memref<786432xf32, #tpu.memory_space<vmem>>, vector<4096xf32>
    %get3A_1001 = arith.constant 466944 : index
    %get3A_1002 = vector.load %arg0[%get3A_1001] : memref<786432xf32, #tpu.memory_space<vmem>>, vector<4096xf32>
    %mul3A_1003 = arith.mulf %get3A_1000, %get3A_1002 : vector<4096xf32>
    %add3A_1004 = arith.addf %mul3A_1003, %add3A_185 : vector<4096xf32>
    %convert_element_type3A_1005 = arith.truncf %add3A_1004 : vector<4096xf32> to vector<4096xbf16>
    %convert_element_type3A_1006 = arith.extf %convert_element_type3A_1005 : vector<4096xbf16> to vector<4096xf32>
    %get3A_1007 = arith.constant 0 : index
    %get3A_1008 = arith.constant 50 : index
    %get3A_1009 = memref.load %arg1[%get3A_1007, %get3A_1008] : memref<1x64xf32, #tpu.memory_space<smem>>
    %convert_element_type3A_1010 = arith.truncf %get3A_1009 : f32 to bf16
    %convert_element_type3A_1011 = arith.extf %convert_element_type3A_1010 : bf16 to f32
    %mul3A_1012 = vector.broadcast %convert_element_type3A_1011 : f32 to vector<4096xf32>
    %mul3A_1013 = arith.mulf %convert_element_type3A_1006, %mul3A_1012 : vector<4096xf32>
    %add3A_1014 = arith.addf %add3A_998, %mul3A_1013 : vector<4096xf32>
    %get3A_1015 = arith.constant 208896 : index
    %get3A_1016 = vector.load %arg0[%get3A_1015] : memref<786432xf32, #tpu.memory_space<vmem>>, vector<4096xf32>
    %get3A_1017 = arith.constant 471040 : index
    %get3A_1018 = vector.load %arg0[%get3A_1017] : memref<786432xf32, #tpu.memory_space<vmem>>, vector<4096xf32>
    %mul3A_1019 = arith.mulf %get3A_1016, %get3A_1018 : vector<4096xf32>
    %add3A_1020 = arith.addf %mul3A_1019, %add3A_185 : vector<4096xf32>
    %convert_element_type3A_1021 = arith.truncf %add3A_1020 : vector<4096xf32> to vector<4096xbf16>
    %convert_element_type3A_1022 = arith.extf %convert_element_type3A_1021 : vector<4096xbf16> to vector<4096xf32>
    %get3A_1023 = arith.constant 0 : index
    %get3A_1024 = arith.constant 51 : index
    %get3A_1025 = memref.load %arg1[%get3A_1023, %get3A_1024] : memref<1x64xf32, #tpu.memory_space<smem>>
    %convert_element_type3A_1026 = arith.truncf %get3A_1025 : f32 to bf16
    %convert_element_type3A_1027 = arith.extf %convert_element_type3A_1026 : bf16 to f32
    %mul3A_1028 = vector.broadcast %convert_element_type3A_1027 : f32 to vector<4096xf32>
    %mul3A_1029 = arith.mulf %convert_element_type3A_1022, %mul3A_1028 : vector<4096xf32>
    %add3A_1030 = arith.addf %add3A_1014, %mul3A_1029 : vector<4096xf32>
    %get3A_1031 = arith.constant 212992 : index
    %get3A_1032 = vector.load %arg0[%get3A_1031] : memref<786432xf32, #tpu.memory_space<vmem>>, vector<4096xf32>
    %get3A_1033 = arith.constant 475136 : index
    %get3A_1034 = vector.load %arg0[%get3A_1033] : memref<786432xf32, #tpu.memory_space<vmem>>, vector<4096xf32>
    %mul3A_1035 = arith.mulf %get3A_1032, %get3A_1034 : vector<4096xf32>
    %add3A_1036 = arith.addf %mul3A_1035, %add3A_185 : vector<4096xf32>
    %convert_element_type3A_1037 = arith.truncf %add3A_1036 : vector<4096xf32> to vector<4096xbf16>
    %convert_element_type3A_1038 = arith.extf %convert_element_type3A_1037 : vector<4096xbf16> to vector<4096xf32>
    %get3A_1039 = arith.constant 0 : index
    %get3A_1040 = arith.constant 52 : index
    %get3A_1041 = memref.load %arg1[%get3A_1039, %get3A_1040] : memref<1x64xf32, #tpu.memory_space<smem>>
    %convert_element_type3A_1042 = arith.truncf %get3A_1041 : f32 to bf16
    %convert_element_type3A_1043 = arith.extf %convert_element_type3A_1042 : bf16 to f32
    %mul3A_1044 = vector.broadcast %convert_element_type3A_1043 : f32 to vector<4096xf32>
    %mul3A_1045 = arith.mulf %convert_element_type3A_1038, %mul3A_1044 : vector<4096xf32>
    %add3A_1046 = arith.addf %add3A_1030, %mul3A_1045 : vector<4096xf32>
    %get3A_1047 = arith.constant 217088 : index
    %get3A_1048 = vector.load %arg0[%get3A_1047] : memref<786432xf32, #tpu.memory_space<vmem>>, vector<4096xf32>
    %get3A_1049 = arith.constant 479232 : index
    %get3A_1050 = vector.load %arg0[%get3A_1049] : memref<786432xf32, #tpu.memory_space<vmem>>, vector<4096xf32>
    %mul3A_1051 = arith.mulf %get3A_1048, %get3A_1050 : vector<4096xf32>
    %add3A_1052 = arith.addf %mul3A_1051, %add3A_185 : vector<4096xf32>
    %convert_element_type3A_1053 = arith.truncf %add3A_1052 : vector<4096xf32> to vector<4096xbf16>
    %convert_element_type3A_1054 = arith.extf %convert_element_type3A_1053 : vector<4096xbf16> to vector<4096xf32>
    %get3A_1055 = arith.constant 0 : index
    %get3A_1056 = arith.constant 53 : index
    %get3A_1057 = memref.load %arg1[%get3A_1055, %get3A_1056] : memref<1x64xf32, #tpu.memory_space<smem>>
    %convert_element_type3A_1058 = arith.truncf %get3A_1057 : f32 to bf16
    %convert_element_type3A_1059 = arith.extf %convert_element_type3A_1058 : bf16 to f32
    %mul3A_1060 = vector.broadcast %convert_element_type3A_1059 : f32 to vector<4096xf32>
    %mul3A_1061 = arith.mulf %convert_element_type3A_1054, %mul3A_1060 : vector<4096xf32>
    %add3A_1062 = arith.addf %add3A_1046, %mul3A_1061 : vector<4096xf32>
    %get3A_1063 = arith.constant 221184 : index
    %get3A_1064 = vector.load %arg0[%get3A_1063] : memref<786432xf32, #tpu.memory_space<vmem>>, vector<4096xf32>
    %get3A_1065 = arith.constant 483328 : index
    %get3A_1066 = vector.load %arg0[%get3A_1065] : memref<786432xf32, #tpu.memory_space<vmem>>, vector<4096xf32>
    %mul3A_1067 = arith.mulf %get3A_1064, %get3A_1066 : vector<4096xf32>
    %add3A_1068 = arith.addf %mul3A_1067, %add3A_185 : vector<4096xf32>
    %convert_element_type3A_1069 = arith.truncf %add3A_1068 : vector<4096xf32> to vector<4096xbf16>
    %convert_element_type3A_1070 = arith.extf %convert_element_type3A_1069 : vector<4096xbf16> to vector<4096xf32>
    %get3A_1071 = arith.constant 0 : index
    %get3A_1072 = arith.constant 54 : index
    %get3A_1073 = memref.load %arg1[%get3A_1071, %get3A_1072] : memref<1x64xf32, #tpu.memory_space<smem>>
    %convert_element_type3A_1074 = arith.truncf %get3A_1073 : f32 to bf16
    %convert_element_type3A_1075 = arith.extf %convert_element_type3A_1074 : bf16 to f32
    %mul3A_1076 = vector.broadcast %convert_element_type3A_1075 : f32 to vector<4096xf32>
    %mul3A_1077 = arith.mulf %convert_element_type3A_1070, %mul3A_1076 : vector<4096xf32>
    %add3A_1078 = arith.addf %add3A_1062, %mul3A_1077 : vector<4096xf32>
    %get3A_1079 = arith.constant 225280 : index
    %get3A_1080 = vector.load %arg0[%get3A_1079] : memref<786432xf32, #tpu.memory_space<vmem>>, vector<4096xf32>
    %get3A_1081 = arith.constant 487424 : index
    %get3A_1082 = vector.load %arg0[%get3A_1081] : memref<786432xf32, #tpu.memory_space<vmem>>, vector<4096xf32>
    %mul3A_1083 = arith.mulf %get3A_1080, %get3A_1082 : vector<4096xf32>
    %add3A_1084 = arith.addf %mul3A_1083, %add3A_185 : vector<4096xf32>
    %convert_element_type3A_1085 = arith.truncf %add3A_1084 : vector<4096xf32> to vector<4096xbf16>
    %convert_element_type3A_1086 = arith.extf %convert_element_type3A_1085 : vector<4096xbf16> to vector<4096xf32>
    %get3A_1087 = arith.constant 0 : index
    %get3A_1088 = arith.constant 55 : index
    %get3A_1089 = memref.load %arg1[%get3A_1087, %get3A_1088] : memref<1x64xf32, #tpu.memory_space<smem>>
    %convert_element_type3A_1090 = arith.truncf %get3A_1089 : f32 to bf16
    %convert_element_type3A_1091 = arith.extf %convert_element_type3A_1090 : bf16 to f32
    %mul3A_1092 = vector.broadcast %convert_element_type3A_1091 : f32 to vector<4096xf32>
    %mul3A_1093 = arith.mulf %convert_element_type3A_1086, %mul3A_1092 : vector<4096xf32>
    %add3A_1094 = arith.addf %add3A_1078, %mul3A_1093 : vector<4096xf32>
    %get3A_1095 = arith.constant 229376 : index
    %get3A_1096 = vector.load %arg0[%get3A_1095] : memref<786432xf32, #tpu.memory_space<vmem>>, vector<4096xf32>
    %get3A_1097 = arith.constant 491520 : index
    %get3A_1098 = vector.load %arg0[%get3A_1097] : memref<786432xf32, #tpu.memory_space<vmem>>, vector<4096xf32>
    %mul3A_1099 = arith.mulf %get3A_1096, %get3A_1098 : vector<4096xf32>
    %add3A_1100 = arith.addf %mul3A_1099, %add3A_185 : vector<4096xf32>
    %convert_element_type3A_1101 = arith.truncf %add3A_1100 : vector<4096xf32> to vector<4096xbf16>
    %convert_element_type3A_1102 = arith.extf %convert_element_type3A_1101 : vector<4096xbf16> to vector<4096xf32>
    %get3A_1103 = arith.constant 0 : index
    %get3A_1104 = arith.constant 56 : index
    %get3A_1105 = memref.load %arg1[%get3A_1103, %get3A_1104] : memref<1x64xf32, #tpu.memory_space<smem>>
    %convert_element_type3A_1106 = arith.truncf %get3A_1105 : f32 to bf16
    %convert_element_type3A_1107 = arith.extf %convert_element_type3A_1106 : bf16 to f32
    %mul3A_1108 = vector.broadcast %convert_element_type3A_1107 : f32 to vector<4096xf32>
    %mul3A_1109 = arith.mulf %convert_element_type3A_1102, %mul3A_1108 : vector<4096xf32>
    %add3A_1110 = arith.addf %add3A_1094, %mul3A_1109 : vector<4096xf32>
    %get3A_1111 = arith.constant 233472 : index
    %get3A_1112 = vector.load %arg0[%get3A_1111] : memref<786432xf32, #tpu.memory_space<vmem>>, vector<4096xf32>
    %get3A_1113 = arith.constant 495616 : index
    %get3A_1114 = vector.load %arg0[%get3A_1113] : memref<786432xf32, #tpu.memory_space<vmem>>, vector<4096xf32>
    %mul3A_1115 = arith.mulf %get3A_1112, %get3A_1114 : vector<4096xf32>
    %add3A_1116 = arith.addf %mul3A_1115, %add3A_185 : vector<4096xf32>
    %convert_element_type3A_1117 = arith.truncf %add3A_1116 : vector<4096xf32> to vector<4096xbf16>
    %convert_element_type3A_1118 = arith.extf %convert_element_type3A_1117 : vector<4096xbf16> to vector<4096xf32>
    %get3A_1119 = arith.constant 0 : index
    %get3A_1120 = arith.constant 57 : index
    %get3A_1121 = memref.load %arg1[%get3A_1119, %get3A_1120] : memref<1x64xf32, #tpu.memory_space<smem>>
    %convert_element_type3A_1122 = arith.truncf %get3A_1121 : f32 to bf16
    %convert_element_type3A_1123 = arith.extf %convert_element_type3A_1122 : bf16 to f32
    %mul3A_1124 = vector.broadcast %convert_element_type3A_1123 : f32 to vector<4096xf32>
    %mul3A_1125 = arith.mulf %convert_element_type3A_1118, %mul3A_1124 : vector<4096xf32>
    %add3A_1126 = arith.addf %add3A_1110, %mul3A_1125 : vector<4096xf32>
    %get3A_1127 = arith.constant 237568 : index
    %get3A_1128 = vector.load %arg0[%get3A_1127] : memref<786432xf32, #tpu.memory_space<vmem>>, vector<4096xf32>
    %get3A_1129 = arith.constant 499712 : index
    %get3A_1130 = vector.load %arg0[%get3A_1129] : memref<786432xf32, #tpu.memory_space<vmem>>, vector<4096xf32>
    %mul3A_1131 = arith.mulf %get3A_1128, %get3A_1130 : vector<4096xf32>
    %add3A_1132 = arith.addf %mul3A_1131, %add3A_185 : vector<4096xf32>
    %convert_element_type3A_1133 = arith.truncf %add3A_1132 : vector<4096xf32> to vector<4096xbf16>
    %convert_element_type3A_1134 = arith.extf %convert_element_type3A_1133 : vector<4096xbf16> to vector<4096xf32>
    %get3A_1135 = arith.constant 0 : index
    %get3A_1136 = arith.constant 58 : index
    %get3A_1137 = memref.load %arg1[%get3A_1135, %get3A_1136] : memref<1x64xf32, #tpu.memory_space<smem>>
    %convert_element_type3A_1138 = arith.truncf %get3A_1137 : f32 to bf16
    %convert_element_type3A_1139 = arith.extf %convert_element_type3A_1138 : bf16 to f32
    %mul3A_1140 = vector.broadcast %convert_element_type3A_1139 : f32 to vector<4096xf32>
    %mul3A_1141 = arith.mulf %convert_element_type3A_1134, %mul3A_1140 : vector<4096xf32>
    %add3A_1142 = arith.addf %add3A_1126, %mul3A_1141 : vector<4096xf32>
    %get3A_1143 = arith.constant 241664 : index
    %get3A_1144 = vector.load %arg0[%get3A_1143] : memref<786432xf32, #tpu.memory_space<vmem>>, vector<4096xf32>
    %get3A_1145 = arith.constant 503808 : index
    %get3A_1146 = vector.load %arg0[%get3A_1145] : memref<786432xf32, #tpu.memory_space<vmem>>, vector<4096xf32>
    %mul3A_1147 = arith.mulf %get3A_1144, %get3A_1146 : vector<4096xf32>
    %add3A_1148 = arith.addf %mul3A_1147, %add3A_185 : vector<4096xf32>
    %convert_element_type3A_1149 = arith.truncf %add3A_1148 : vector<4096xf32> to vector<4096xbf16>
    %convert_element_type3A_1150 = arith.extf %convert_element_type3A_1149 : vector<4096xbf16> to vector<4096xf32>
    %get3A_1151 = arith.constant 0 : index
    %get3A_1152 = arith.constant 59 : index
    %get3A_1153 = memref.load %arg1[%get3A_1151, %get3A_1152] : memref<1x64xf32, #tpu.memory_space<smem>>
    %convert_element_type3A_1154 = arith.truncf %get3A_1153 : f32 to bf16
    %convert_element_type3A_1155 = arith.extf %convert_element_type3A_1154 : bf16 to f32
    %mul3A_1156 = vector.broadcast %convert_element_type3A_1155 : f32 to vector<4096xf32>
    %mul3A_1157 = arith.mulf %convert_element_type3A_1150, %mul3A_1156 : vector<4096xf32>
    %add3A_1158 = arith.addf %add3A_1142, %mul3A_1157 : vector<4096xf32>
    %get3A_1159 = arith.constant 245760 : index
    %get3A_1160 = vector.load %arg0[%get3A_1159] : memref<786432xf32, #tpu.memory_space<vmem>>, vector<4096xf32>
    %get3A_1161 = arith.constant 507904 : index
    %get3A_1162 = vector.load %arg0[%get3A_1161] : memref<786432xf32, #tpu.memory_space<vmem>>, vector<4096xf32>
    %mul3A_1163 = arith.mulf %get3A_1160, %get3A_1162 : vector<4096xf32>
    %add3A_1164 = arith.addf %mul3A_1163, %add3A_185 : vector<4096xf32>
    %convert_element_type3A_1165 = arith.truncf %add3A_1164 : vector<4096xf32> to vector<4096xbf16>
    %convert_element_type3A_1166 = arith.extf %convert_element_type3A_1165 : vector<4096xbf16> to vector<4096xf32>
    %get3A_1167 = arith.constant 0 : index
    %get3A_1168 = arith.constant 60 : index
    %get3A_1169 = memref.load %arg1[%get3A_1167, %get3A_1168] : memref<1x64xf32, #tpu.memory_space<smem>>
    %convert_element_type3A_1170 = arith.truncf %get3A_1169 : f32 to bf16
    %convert_element_type3A_1171 = arith.extf %convert_element_type3A_1170 : bf16 to f32
    %mul3A_1172 = vector.broadcast %convert_element_type3A_1171 : f32 to vector<4096xf32>
    %mul3A_1173 = arith.mulf %convert_element_type3A_1166, %mul3A_1172 : vector<4096xf32>
    %add3A_1174 = arith.addf %add3A_1158, %mul3A_1173 : vector<4096xf32>
    %get3A_1175 = arith.constant 249856 : index
    %get3A_1176 = vector.load %arg0[%get3A_1175] : memref<786432xf32, #tpu.memory_space<vmem>>, vector<4096xf32>
    %get3A_1177 = arith.constant 512000 : index
    %get3A_1178 = vector.load %arg0[%get3A_1177] : memref<786432xf32, #tpu.memory_space<vmem>>, vector<4096xf32>
    %mul3A_1179 = arith.mulf %get3A_1176, %get3A_1178 : vector<4096xf32>
    %add3A_1180 = arith.addf %mul3A_1179, %add3A_185 : vector<4096xf32>
    %convert_element_type3A_1181 = arith.truncf %add3A_1180 : vector<4096xf32> to vector<4096xbf16>
    %convert_element_type3A_1182 = arith.extf %convert_element_type3A_1181 : vector<4096xbf16> to vector<4096xf32>
    %get3A_1183 = arith.constant 0 : index
    %get3A_1184 = arith.constant 61 : index
    %get3A_1185 = memref.load %arg1[%get3A_1183, %get3A_1184] : memref<1x64xf32, #tpu.memory_space<smem>>
    %convert_element_type3A_1186 = arith.truncf %get3A_1185 : f32 to bf16
    %convert_element_type3A_1187 = arith.extf %convert_element_type3A_1186 : bf16 to f32
    %mul3A_1188 = vector.broadcast %convert_element_type3A_1187 : f32 to vector<4096xf32>
    %mul3A_1189 = arith.mulf %convert_element_type3A_1182, %mul3A_1188 : vector<4096xf32>
    %add3A_1190 = arith.addf %add3A_1174, %mul3A_1189 : vector<4096xf32>
    %get3A_1191 = arith.constant 253952 : index
    %get3A_1192 = vector.load %arg0[%get3A_1191] : memref<786432xf32, #tpu.memory_space<vmem>>, vector<4096xf32>
    %get3A_1193 = arith.constant 516096 : index
    %get3A_1194 = vector.load %arg0[%get3A_1193] : memref<786432xf32, #tpu.memory_space<vmem>>, vector<4096xf32>
    %mul3A_1195 = arith.mulf %get3A_1192, %get3A_1194 : vector<4096xf32>
    %add3A_1196 = arith.addf %mul3A_1195, %add3A_185 : vector<4096xf32>
    %convert_element_type3A_1197 = arith.truncf %add3A_1196 : vector<4096xf32> to vector<4096xbf16>
    %convert_element_type3A_1198 = arith.extf %convert_element_type3A_1197 : vector<4096xbf16> to vector<4096xf32>
    %get3A_1199 = arith.constant 0 : index
    %get3A_1200 = arith.constant 62 : index
    %get3A_1201 = memref.load %arg1[%get3A_1199, %get3A_1200] : memref<1x64xf32, #tpu.memory_space<smem>>
    %convert_element_type3A_1202 = arith.truncf %get3A_1201 : f32 to bf16
    %convert_element_type3A_1203 = arith.extf %convert_element_type3A_1202 : bf16 to f32
    %mul3A_1204 = vector.broadcast %convert_element_type3A_1203 : f32 to vector<4096xf32>
    %mul3A_1205 = arith.mulf %convert_element_type3A_1198, %mul3A_1204 : vector<4096xf32>
    %add3A_1206 = arith.addf %add3A_1190, %mul3A_1205 : vector<4096xf32>
    %get3A_1207 = arith.constant 258048 : index
    %get3A_1208 = vector.load %arg0[%get3A_1207] : memref<786432xf32, #tpu.memory_space<vmem>>, vector<4096xf32>
    %get3A_1209 = arith.constant 520192 : index
    %get3A_1210 = vector.load %arg0[%get3A_1209] : memref<786432xf32, #tpu.memory_space<vmem>>, vector<4096xf32>
    %mul3A_1211 = arith.mulf %get3A_1208, %get3A_1210 : vector<4096xf32>
    %add3A_1212 = arith.addf %mul3A_1211, %add3A_185 : vector<4096xf32>
    %convert_element_type3A_1213 = arith.truncf %add3A_1212 : vector<4096xf32> to vector<4096xbf16>
    %convert_element_type3A_1214 = arith.extf %convert_element_type3A_1213 : vector<4096xbf16> to vector<4096xf32>
    %get3A_1215 = arith.constant 0 : index
    %get3A_1216 = arith.constant 63 : index
    %get3A_1217 = memref.load %arg1[%get3A_1215, %get3A_1216] : memref<1x64xf32, #tpu.memory_space<smem>>
    %convert_element_type3A_1218 = arith.truncf %get3A_1217 : f32 to bf16
    %convert_element_type3A_1219 = arith.extf %convert_element_type3A_1218 : bf16 to f32
    %mul3A_1220 = vector.broadcast %convert_element_type3A_1219 : f32 to vector<4096xf32>
    %mul3A_1221 = arith.mulf %convert_element_type3A_1214, %mul3A_1220 : vector<4096xf32>
    %add3A_1222 = arith.addf %add3A_1206, %mul3A_1221 : vector<4096xf32>
    %add3A_1223 = vector.broadcast %get3A_194 : f32 to vector<4096xf32>
    %add3A_1224 = arith.addf %add3A_1222, %add3A_1223 : vector<4096xf32>
    %get3A_1225 = arith.constant 0 : index
    %get3A_1226 = vector.load %arg2[%get3A_1225] : memref<4096xf32, #tpu.memory_space<vmem>>, vector<4096xf32>
    %convert_element_type3A_1227 = arith.truncf %get3A_1226 : vector<4096xf32> to vector<4096xbf16>
    %reshape3A = vector.shape_cast %convert_element_type3A_1227 : vector<4096xbf16> to vector<4096x1xbf16>
    %slice3A = vector.extract_strided_slice %add3A_191 {offsets = [0], sizes = [512], strides = [1]} : vector<4096xf32> to vector<512xf32>
    %reshape3A_1228 = vector.shape_cast %slice3A : vector<512xf32> to vector<512x1xf32>
    %reshape3A_1229 = vector.shape_cast %add3A_1224 : vector<4096xf32> to vector<1x4096xf32>
    %add3A_1230 = vector.broadcast %reshape3A_1229 : vector<1x4096xf32> to vector<512x4096xf32>
    %add3A_1231 = vector.broadcast %reshape3A_1228 : vector<512x1xf32> to vector<512x4096xf32>
    %add3A_1232 = arith.addf %add3A_1230, %add3A_1231 : vector<512x4096xf32>
    %convert_element_type3A_1233 = arith.truncf %add3A_1232 : vector<512x4096xf32> to vector<512x4096xbf16>
    %dot_general3A = arith.constant dense<0.000000e+00> : vector<512x1xf32>
    %dot_general3A_1234 = tpu.matmul %convert_element_type3A_1233, %reshape3A, %dot_general3A {dimension_numbers = #tpu.dot_dimension_numbers<[1], [0], [0], [1], [0, 0, 1, 1], [], []>, transpose_lhs_hint = false} : vector<512x4096xbf16>, vector<4096x1xbf16>, vector<512x1xf32> -> vector<512x1xf32>
    %reshape3A_1235 = vector.shape_cast %dot_general3A_1234 : vector<512x1xf32> to vector<512xf32>
    %add3A_1236 = vector.broadcast %get3A_197 : f32 to vector<512xf32>
    %add3A_1237 = arith.addf %reshape3A_1235, %add3A_1236 : vector<512xf32>
    %slice3A_1238 = vector.extract_strided_slice %add3A_191 {offsets = [512], sizes = [512], strides = [1]} : vector<4096xf32> to vector<512xf32>
    %reshape3A_1239 = vector.shape_cast %slice3A_1238 : vector<512xf32> to vector<512x1xf32>
    %reshape3A_1240 = vector.shape_cast %add3A_1224 : vector<4096xf32> to vector<1x4096xf32>
    %add3A_1241 = vector.broadcast %reshape3A_1240 : vector<1x4096xf32> to vector<512x4096xf32>
    %add3A_1242 = vector.broadcast %reshape3A_1239 : vector<512x1xf32> to vector<512x4096xf32>
    %add3A_1243 = arith.addf %add3A_1241, %add3A_1242 : vector<512x4096xf32>
    %convert_element_type3A_1244 = arith.truncf %add3A_1243 : vector<512x4096xf32> to vector<512x4096xbf16>
    %dot_general3A_1245 = arith.constant dense<0.000000e+00> : vector<512x1xf32>
    %dot_general3A_1246 = tpu.matmul %convert_element_type3A_1244, %reshape3A, %dot_general3A_1245 {dimension_numbers = #tpu.dot_dimension_numbers<[1], [0], [0], [1], [0, 0, 1, 1], [], []>, transpose_lhs_hint = false} : vector<512x4096xbf16>, vector<4096x1xbf16>, vector<512x1xf32> -> vector<512x1xf32>
    %reshape3A_1247 = vector.shape_cast %dot_general3A_1246 : vector<512x1xf32> to vector<512xf32>
    %add3A_1248 = vector.broadcast %get3A_197 : f32 to vector<512xf32>
    %add3A_1249 = arith.addf %reshape3A_1247, %add3A_1248 : vector<512xf32>
    %slice3A_1250 = vector.extract_strided_slice %add3A_191 {offsets = [1024], sizes = [512], strides = [1]} : vector<4096xf32> to vector<512xf32>
    %reshape3A_1251 = vector.shape_cast %slice3A_1250 : vector<512xf32> to vector<512x1xf32>
    %reshape3A_1252 = vector.shape_cast %add3A_1224 : vector<4096xf32> to vector<1x4096xf32>
    %add3A_1253 = vector.broadcast %reshape3A_1252 : vector<1x4096xf32> to vector<512x4096xf32>
    %add3A_1254 = vector.broadcast %reshape3A_1251 : vector<512x1xf32> to vector<512x4096xf32>
    %add3A_1255 = arith.addf %add3A_1253, %add3A_1254 : vector<512x4096xf32>
    %convert_element_type3A_1256 = arith.truncf %add3A_1255 : vector<512x4096xf32> to vector<512x4096xbf16>
    %dot_general3A_1257 = arith.constant dense<0.000000e+00> : vector<512x1xf32>
    %dot_general3A_1258 = tpu.matmul %convert_element_type3A_1256, %reshape3A, %dot_general3A_1257 {dimension_numbers = #tpu.dot_dimension_numbers<[1], [0], [0], [1], [0, 0, 1, 1], [], []>, transpose_lhs_hint = false} : vector<512x4096xbf16>, vector<4096x1xbf16>, vector<512x1xf32> -> vector<512x1xf32>
    %reshape3A_1259 = vector.shape_cast %dot_general3A_1258 : vector<512x1xf32> to vector<512xf32>
    %add3A_1260 = vector.broadcast %get3A_197 : f32 to vector<512xf32>
    %add3A_1261 = arith.addf %reshape3A_1259, %add3A_1260 : vector<512xf32>
    %slice3A_1262 = vector.extract_strided_slice %add3A_191 {offsets = [1536], sizes = [512], strides = [1]} : vector<4096xf32> to vector<512xf32>
    %reshape3A_1263 = vector.shape_cast %slice3A_1262 : vector<512xf32> to vector<512x1xf32>
    %reshape3A_1264 = vector.shape_cast %add3A_1224 : vector<4096xf32> to vector<1x4096xf32>
    %add3A_1265 = vector.broadcast %reshape3A_1264 : vector<1x4096xf32> to vector<512x4096xf32>
    %add3A_1266 = vector.broadcast %reshape3A_1263 : vector<512x1xf32> to vector<512x4096xf32>
    %add3A_1267 = arith.addf %add3A_1265, %add3A_1266 : vector<512x4096xf32>
    %convert_element_type3A_1268 = arith.truncf %add3A_1267 : vector<512x4096xf32> to vector<512x4096xbf16>
    %dot_general3A_1269 = arith.constant dense<0.000000e+00> : vector<512x1xf32>
    %dot_general3A_1270 = tpu.matmul %convert_element_type3A_1268, %reshape3A, %dot_general3A_1269 {dimension_numbers = #tpu.dot_dimension_numbers<[1], [0], [0], [1], [0, 0, 1, 1], [], []>, transpose_lhs_hint = false} : vector<512x4096xbf16>, vector<4096x1xbf16>, vector<512x1xf32> -> vector<512x1xf32>
    %reshape3A_1271 = vector.shape_cast %dot_general3A_1270 : vector<512x1xf32> to vector<512xf32>
    %add3A_1272 = vector.broadcast %get3A_197 : f32 to vector<512xf32>
    %add3A_1273 = arith.addf %reshape3A_1271, %add3A_1272 : vector<512xf32>
    %slice3A_1274 = vector.extract_strided_slice %add3A_191 {offsets = [2048], sizes = [512], strides = [1]} : vector<4096xf32> to vector<512xf32>
    %reshape3A_1275 = vector.shape_cast %slice3A_1274 : vector<512xf32> to vector<512x1xf32>
    %reshape3A_1276 = vector.shape_cast %add3A_1224 : vector<4096xf32> to vector<1x4096xf32>
    %add3A_1277 = vector.broadcast %reshape3A_1276 : vector<1x4096xf32> to vector<512x4096xf32>
    %add3A_1278 = vector.broadcast %reshape3A_1275 : vector<512x1xf32> to vector<512x4096xf32>
    %add3A_1279 = arith.addf %add3A_1277, %add3A_1278 : vector<512x4096xf32>
    %convert_element_type3A_1280 = arith.truncf %add3A_1279 : vector<512x4096xf32> to vector<512x4096xbf16>
    %dot_general3A_1281 = arith.constant dense<0.000000e+00> : vector<512x1xf32>
    %dot_general3A_1282 = tpu.matmul %convert_element_type3A_1280, %reshape3A, %dot_general3A_1281 {dimension_numbers = #tpu.dot_dimension_numbers<[1], [0], [0], [1], [0, 0, 1, 1], [], []>, transpose_lhs_hint = false} : vector<512x4096xbf16>, vector<4096x1xbf16>, vector<512x1xf32> -> vector<512x1xf32>
    %reshape3A_1283 = vector.shape_cast %dot_general3A_1282 : vector<512x1xf32> to vector<512xf32>
    %add3A_1284 = vector.broadcast %get3A_197 : f32 to vector<512xf32>
    %add3A_1285 = arith.addf %reshape3A_1283, %add3A_1284 : vector<512xf32>
    %slice3A_1286 = vector.extract_strided_slice %add3A_191 {offsets = [2560], sizes = [512], strides = [1]} : vector<4096xf32> to vector<512xf32>
    %reshape3A_1287 = vector.shape_cast %slice3A_1286 : vector<512xf32> to vector<512x1xf32>
    %reshape3A_1288 = vector.shape_cast %add3A_1224 : vector<4096xf32> to vector<1x4096xf32>
    %add3A_1289 = vector.broadcast %reshape3A_1288 : vector<1x4096xf32> to vector<512x4096xf32>
    %add3A_1290 = vector.broadcast %reshape3A_1287 : vector<512x1xf32> to vector<512x4096xf32>
    %add3A_1291 = arith.addf %add3A_1289, %add3A_1290 : vector<512x4096xf32>
    %convert_element_type3A_1292 = arith.truncf %add3A_1291 : vector<512x4096xf32> to vector<512x4096xbf16>
    %dot_general3A_1293 = arith.constant dense<0.000000e+00> : vector<512x1xf32>
    %dot_general3A_1294 = tpu.matmul %convert_element_type3A_1292, %reshape3A, %dot_general3A_1293 {dimension_numbers = #tpu.dot_dimension_numbers<[1], [0], [0], [1], [0, 0, 1, 1], [], []>, transpose_lhs_hint = false} : vector<512x4096xbf16>, vector<4096x1xbf16>, vector<512x1xf32> -> vector<512x1xf32>
    %reshape3A_1295 = vector.shape_cast %dot_general3A_1294 : vector<512x1xf32> to vector<512xf32>
    %add3A_1296 = vector.broadcast %get3A_197 : f32 to vector<512xf32>
    %add3A_1297 = arith.addf %reshape3A_1295, %add3A_1296 : vector<512xf32>
    %slice3A_1298 = vector.extract_strided_slice %add3A_191 {offsets = [3072], sizes = [512], strides = [1]} : vector<4096xf32> to vector<512xf32>
    %reshape3A_1299 = vector.shape_cast %slice3A_1298 : vector<512xf32> to vector<512x1xf32>
    %reshape3A_1300 = vector.shape_cast %add3A_1224 : vector<4096xf32> to vector<1x4096xf32>
    %add3A_1301 = vector.broadcast %reshape3A_1300 : vector<1x4096xf32> to vector<512x4096xf32>
    %add3A_1302 = vector.broadcast %reshape3A_1299 : vector<512x1xf32> to vector<512x4096xf32>
    %add3A_1303 = arith.addf %add3A_1301, %add3A_1302 : vector<512x4096xf32>
    %convert_element_type3A_1304 = arith.truncf %add3A_1303 : vector<512x4096xf32> to vector<512x4096xbf16>
    %dot_general3A_1305 = arith.constant dense<0.000000e+00> : vector<512x1xf32>
    %dot_general3A_1306 = tpu.matmul %convert_element_type3A_1304, %reshape3A, %dot_general3A_1305 {dimension_numbers = #tpu.dot_dimension_numbers<[1], [0], [0], [1], [0, 0, 1, 1], [], []>, transpose_lhs_hint = false} : vector<512x4096xbf16>, vector<4096x1xbf16>, vector<512x1xf32> -> vector<512x1xf32>
    %reshape3A_1307 = vector.shape_cast %dot_general3A_1306 : vector<512x1xf32> to vector<512xf32>
    %add3A_1308 = vector.broadcast %get3A_197 : f32 to vector<512xf32>
    %add3A_1309 = arith.addf %reshape3A_1307, %add3A_1308 : vector<512xf32>
    %slice3A_1310 = vector.extract_strided_slice %add3A_191 {offsets = [3584], sizes = [512], strides = [1]} : vector<4096xf32> to vector<512xf32>
    %reshape3A_1311 = vector.shape_cast %slice3A_1310 : vector<512xf32> to vector<512x1xf32>
    %reshape3A_1312 = vector.shape_cast %add3A_1224 : vector<4096xf32> to vector<1x4096xf32>
    %add3A_1313 = vector.broadcast %reshape3A_1312 : vector<1x4096xf32> to vector<512x4096xf32>
    %add3A_1314 = vector.broadcast %reshape3A_1311 : vector<512x1xf32> to vector<512x4096xf32>
    %add3A_1315 = arith.addf %add3A_1313, %add3A_1314 : vector<512x4096xf32>
    %convert_element_type3A_1316 = arith.truncf %add3A_1315 : vector<512x4096xf32> to vector<512x4096xbf16>
    %dot_general3A_1317 = arith.constant dense<0.000000e+00> : vector<512x1xf32>
    %dot_general3A_1318 = tpu.matmul %convert_element_type3A_1316, %reshape3A, %dot_general3A_1317 {dimension_numbers = #tpu.dot_dimension_numbers<[1], [0], [0], [1], [0, 0, 1, 1], [], []>, transpose_lhs_hint = false} : vector<512x4096xbf16>, vector<4096x1xbf16>, vector<512x1xf32> -> vector<512x1xf32>
    %reshape3A_1319 = vector.shape_cast %dot_general3A_1318 : vector<512x1xf32> to vector<512xf32>
    %add3A_1320 = vector.broadcast %get3A_197 : f32 to vector<512xf32>
    %add3A_1321 = arith.addf %reshape3A_1319, %add3A_1320 : vector<512xf32>
    %concatenate3A = tpu.concatenate %add3A_1237, %add3A_1249, %add3A_1261, %add3A_1273, %add3A_1285, %add3A_1297, %add3A_1309, %add3A_1321 in 0 : vector<512xf32>, vector<512xf32>, vector<512xf32>, vector<512xf32>, vector<512xf32>, vector<512xf32>, vector<512xf32>, vector<512xf32> -> vector<4096xf32>
    %swap3A = arith.constant 0 : index
    %swap3A_1322 = vector.load %arg4[%swap3A] : memref<4096xf32, #tpu.memory_space<vmem>>, vector<4096xf32>
    tpu.vector_store %arg4[%swap3A], %concatenate3A {strides = array<i32>} : memref<4096xf32, #tpu.memory_space<vmem>>, vector<4096xf32>,
    return
  }
}

</mosaic_0001>

<sc_bundles>
// kernel: kernel.6.cloned.1.call-start
scs
__scs_entry_jumppad:
0x0: {  	(pc) =	sbr.rel $0x88, $3  }
0x1: {  	(tag) =	ssettag $0x0;
	lr =	simm.s32 $0x1  }
0x2: {  	[smem:$0x3F91] =	sst lr;
	_ =	strace $0xD0000000  }
0x3: {  	_ = 	snop  }
0x4: {  	_ = 	snop  }
0x5: {  	_ = 	snop  }
0x6: {  	_ = 	snop  }
0x7: {  	_ = 	snop  }
__scs_overlays_trampoline_lowered:
0x8: {  	[smem:$0x3FA0] =	sst s0  }
0x9: {  	[smem:$0x3FA1] =	sst s1  }
0xa: {  	[smem:$0x3FA2] =	sst s2  }
0xb: {  	[smem:$0x3FA3] =	sst s3  }
0xc: {  	[smem:$0x3FA4] =	sst s4  }
0xd: {  	[smem:$0x3FA5] =	sst s5  }
0xe: {  	[smem:$0x3FA6] =	sst s6  }
0xf: {  	[smem:$0x3FA7] =	sst s7  }
0x10: {  	[smem:$0x3FA8] =	sst s8  }
0x11: {  	[smem:$0x3FA9] =	sst s9;
	s0 =	simm.s32 @!p0 $0x0  }
0x12: {  	s1 =	sld [smem:$0x3F8F];
	s0 =	simm.s32 @p0 $0x1  }
0x13: {  	[smem:$0x3FAA] =	sst s0;
	s0 =	simm.s32 @!p1 $0x0  }
0x14: {  	s2 =	sld [smem:$0x3F8E];
	s0 =	simm.s32 @p1 $0x1  }
0x15: {  	[smem:$0x3FAB] =	sst s0;
	s0 =	simm.s32 @!p2 $0x0  }
0x16: {  	s3 =	sld [smem:$0x3FDB];
	s0 =	simm.s32 @p2 $0x1  }
0x17: {  	s4 =	simm.s32 $0x1BF5;
	[smem:$0x3FAD] =	sst s0  }
0x18: {  	s0 =	sld [smem:$0x3F90];
	_ =	swait.ge [sflag:s4], $0x0  }
0x19: {  	s7 =	sld [smem:$0x3F91]  }
0x1a: {  	s8 =	sadd.s32 $0xFFFFE003, lr  }
0x1b: {  	s9 =	sadd.s32 $0xFFFFFEF7, lr;
	s5 =	simm.s32 $0xFFFFFFFF;
	p2 =	slt.u32 s8, $0xFFFFF086  }
0x1c: {  	p1 =	slt.u32 s9, $0xF7A;
	s5 =	simm.s32 @!p2 $0x0  }
0x1d: {  	s5 =	simm.s32 @p1 $0x1;
	p0 =	seq.s32 s7, s2  }
0x1e: {  	s7 =	smul.u32 @!p0 $0xF7A, s2;
	p2 =	seq.s32 @!p0 s5, $0x0  }
0x1f: {  	s9 =	smul.u32 $0xF7A, s1;
	s8 =	simm.s32 @!p0 $0x1BF5;
	p2 =	por !p2, p0  }
0x20: {  	[sflag:s8] =	ssyncset.s32 @!p0 $0xFFFFF086;
	s6 =	sadd.s32 @!p0 s3, s7;
	s7 =	simm.s32 @!p0 $0x108  }
0x21: {  	s3 =	sadd.s32 s3, s9;
	s6 =	sadd.s32 @!p0 $0x88, s6;
	s7 =	simm.s32 @p2 $0x1082  }
0x22: {  	[simem:s7], [sflag:s8] =	dma.local @!p0 [hbm:s6], $0xF7A  }
0x23: {  	s9 =	sor.u32 $0xD0000000, s2;
	s6 =	simm.s32 $0x108;
	_ =	swait.ge @!p0 [sflag:s8], $0x0  }
0x24: {  	s3 =	sadd.s32 $0x88, s3;
	s6 =	simm.s32 @!p1 $0x1082;
	[sflag:s4] =	ssyncset.s32 $0xFFFFF086  }
0x25: {  	[simem:s6], [sflag:s4] =	dma.local [hbm:s3], $0xF7A  }
0x26: {  	[smem:$0x3F91] =	sst s1;
	(tag) =	ssettag s2;
	_ =	strace s9  }
0x27: {  	s1 =	sld [smem:$0x3FA1]  }
0x28: {  	s2 =	sld [smem:$0x3FA2]  }
0x29: {  	s4 =	sld [smem:$0x3FA4]  }
0x2a: {  	p0 =	seq.s32 s5, $0x0;
	s5 =	sld [smem:$0x3FA5]  }
0x2b: {  	s6 =	sld [smem:$0x3FA6]  }
0x2c: {  	s7 =	sld [smem:$0x3FA7]  }
0x2d: {  	s3 =	simm.s32 $0x108;
	s8 =	sld [smem:$0x3FA8]  }
0x2e: {  	s3 =	simm.s32 @!p0 $0x1082;
	s9 =	sld [smem:$0x3FA9]  }
0x2f: {  	lr =	sadd.s32 s0, s3;
	s0 =	sld [smem:$0x3FA0]  }
0x30: {  	s3 =	sld [smem:$0x3FA3]  }
0x31: {  	[smem:$0x3FAC] =	sst s10  }
0x32: {  	s10 =	sld [smem:$0x3FAA];
	_ =	sdelay $0x3  }
0x33: {  	p0 =	seq.s32 s10, $0x1;
	s10 =	sld [smem:$0x3FAC];
	_ =	sdelay $0x3  }
0x34: {  	[smem:$0x3FAC] =	sst s10  }
0x35: {  	s10 =	sld [smem:$0x3FAB];
	_ =	sdelay $0x3  }
0x36: {  	p1 =	seq.s32 s10, $0x1;
	s10 =	sld [smem:$0x3FAC];
	_ =	sdelay $0x3  }
0x37: {  	[smem:$0x3FAC] =	sst s10  }
0x38: {  	s10 =	sld [smem:$0x3FAD]  }
0x39: {  	_ = 	snop;
	(pc) =	sbr.ind lr, $3  }
0x3a: {  	_ = 	snop  }
0x3b: {  	_ = 	snop  }
0x3c: {  	p2 =	seq.s32 s10, $0x1;
	s10 =	sld [smem:$0x3FAC]  }
0x3d: {  	_ =	shalt  }
0x3e: {  	_ =	shalt  }
0x3f: {  	_ =	shalt  }
0x40: {  	_ =	shalt  }
0x41: {  	_ =	shalt  }
0x42: {  	_ =	shalt  }
0x43: {  	_ =	shalt  }
0x44: {  	_ =	shalt  }
0x45: {  	_ =	shalt  }
0x46: {  	_ =	shalt  }
0x47: {  	_ =	shalt  }
0x48: {  	_ =	shalt  }
0x49: {  	_ =	shalt  }
0x4a: {  	_ =	shalt  }
0x4b: {  	_ =	shalt  }
0x4c: {  	_ =	shalt  }
0x4d: {  	_ =	shalt  }
0x4e: {  	_ =	shalt  }
0x4f: {  	_ =	shalt  }
0x50: {  	_ =	shalt  }
0x51: {  	_ =	shalt  }
0x52: {  	_ =	shalt  }
0x53: {  	_ =	shalt  }
0x54: {  	_ =	shalt  }
0x55: {  	_ =	shalt  }
0x56: {  	_ =	shalt  }
0x57: {  	_ =	shalt  }
0x58: {  	_ =	shalt  }
0x59: {  	_ =	shalt  }
0x5a: {  	_ =	shalt  }
0x5b: {  	_ =	shalt  }
0x5c: {  	_ =	shalt  }
0x5d: {  	_ =	shalt  }
0x5e: {  	_ =	shalt  }
0x5f: {  	_ =	shalt  }
0x60: {  	_ =	shalt  }
0x61: {  	_ =	shalt  }
0x62: {  	_ =	shalt  }
0x63: {  	_ =	shalt  }
0x64: {  	_ =	shalt  }
0x65: {  	_ =	shalt  }
0x66: {  	_ =	shalt  }
0x67: {  	_ =	shalt  }
0x68: {  	_ =	shalt  }
0x69: {  	_ =	shalt  }
0x6a: {  	_ =	shalt  }
0x6b: {  	_ =	shalt  }
0x6c: {  	_ =	shalt  }
0x6d: {  	_ =	shalt  }
0x6e: {  	_ =	shalt  }
0x6f: {  	_ =	shalt  }
0x70: {  	_ =	shalt  }
0x71: {  	_ =	shalt  }
0x72: {  	_ =	shalt  }
0x73: {  	_ =	shalt  }
0x74: {  	_ =	shalt  }
0x75: {  	_ =	shalt  }
0x76: {  	_ =	shalt  }
0x77: {  	_ =	shalt  }
0x78: {  	_ =	shalt  }
0x79: {  	_ =	shalt  }
0x7a: {  	_ =	shalt  }
0x7b: {  	_ =	shalt  }
0x7c: {  	_ =	shalt  }
0x7d: {  	_ =	shalt  }
0x7e: {  	_ =	shalt  }
0x7f: {  	_ =	shalt  }
0x80: {  	_ =	shalt  }
0x81: {  	_ =	shalt  }
0x82: {  	_ =	shalt  }
0x83: {  	_ =	shalt  }
0x84: {  	_ =	shalt  }
0x85: {  	_ =	shalt  }
0x86: {  	_ =	shalt  }
0x87: {  	_ =	shalt  }
.Lfunc_end0:
.L_simem_size_0:
called_computation_lowered:
.L_overlay_start_0:
0x88: {  	s2 =	sld [smem:$0x3FD9]  }
0x89: {  	s3 =	sld [smem:$0x3FFE];
	_ =	sdelay $0x1  }
0x8a: {  	s1 =	srdreg.scid  }
0x8b: {  	s0 =	sand.u32 $0x1, s1  }
0x8c: {  	s17 =	sshll.u32 s0, $0xA;
	s2 =	sadd.s32 s3, s2  }
0x8d: {  	s2 =	sadd.s32 s2, s17  }
0x8e: {  	[smem:$0x3FB8] =	sst s2  }
0x8f: {  	_ = 	snop  }
0x90: {  	s2 =	sld [smem:$0x3FC9]  }
0x91: {  	s18 =	sld [smem:$0x3FC8]  }
0x92: {  	s4 =	sld [smem:$0x3FC7]  }
0x93: {  	s5 =	sld [smem:$0x3FC6]  }
0x94: {  	s6 =	sld [smem:$0x3FC5]  }
0x95: {  	s7 =	sld [smem:$0x3FC4]  }
0x96: {  	s8 =	sld [smem:$0x3FC1]  }
0x97: {  	s9 =	sld [smem:$0x3FC0];
	(tm) =	ssettm $0x1  }
0x98: {  	s10 =	sld [smem:$0x3FFB];
	_ =	sdelay $0x3  }
0x99: {  	_ =	strace s10  }
0x9a: {  	s10 =	sld [smem:$0x3FFC];
	_ =	sdelay $0x3  }
0x9b: {  	_ =	strace s10  }
0x9c: {  	s10 =	sld [smem:$0x3FFD];
	_ =	sdelay $0x3  }
0x9d: {  	_ =	strace s10  }
0x9e: {  	_ =	strace $0x8FFFFFFF  }
0x9f: {  	s19 =	sld [smem:$0x3FDB];
	_ =	sdelay $0x1  }
0xa0: {  	s11 =	simm.s32 $_scs_section_size  }
0xa1: {  	s12 =	simm.s32 $_size__tile_overlayer_lowered;
	s13 =	simm.s32 $_tile_overlayer_lowered  }
0xa2: {  	s22 =	simm.s32 $0x1BFF;
	s21 =	sshll.u32 s13, $0x1;
	s10 =	sadd.s32 s11, s19  }
0xa3: {  	s14 =	simm.s32 $0x0;
	s20 =	sshll.u32 s12, $0x1;
	s12 =	sadd.s32 s21, s10  }
0xa4: {  	[timem:s14], [sflag:s22] =	dma.local [hbm:s12], s20  }
0xa5: {  	_ =	swait.ge [sflag:s22], s20  }
0xa6: {  	s11 =	ssub.s32 $0x0, s20;
	[sflag:s22] =	ssyncset.done $0x0  }
0xa7: {  	[sflag:s22] =	ssyncadd.s32 s11;
	_ =	sdelay $0x1  }
0xa8: {  	s23 =	simm.s32 $0x1B8B  }
0xa9: {  	_ =	swait.ge [sflag:s23], $0x1  }
0xaa: {  	[sflag:s23] =	ssyncset.done $0x0  }
0xab: {  	s25 =	simm.s32 $0x1B8E;
	s24 =	sld [smem:$0x3FFE];
	[sflag:s23] =	ssyncadd.s32 $0xFFFFFFFF  }
0xac: {  	s26 =	simm.s32 $execute0_lowered;
	[smem:$0x3FD2] =	sst s25  }
0xad: {  	s12 =	sshll.u32 s26, $0x1;
	_ =	strace $0x80000046;
	[dreg:$0x1] =	wrdreg $0xFFFFFFFF  }
0xae: {  	s28 =	simm.s32 $_size_execute0_lowered;
	s10 =	sadd.s32 s10, s12;
	[dreg:$0x0] =	wrdreg $0x0  }
0xaf: {  	s12 =	sshll.u32 s28, $0x1;
	[dreg:$0x2] =	wrdreg s10  }
0xb0: {  	[dreg:$0x3] =	wrdreg s12  }
0xb1: {  	[dreg:$0x4] =	wrdreg $0xC0  }
0xb2: {  	_ =	task [dreg:s14], $0x5FFFF  }
0xb3: {  	[dreg:$0x1] =	wrdreg $0xFFFFFFFF  }
0xb4: {  	[dreg:$0x0] =	wrdreg $0x60  }
0xb5: {  	[dreg:$0x2] =	wrdreg s2  }
0xb6: {  	[dreg:$0x3] =	wrdreg s18  }
0xb7: {  	[dreg:$0x4] =	wrdreg s4  }
0xb8: {  	[dreg:$0x5] =	wrdreg s5  }
0xb9: {  	[dreg:$0x6] =	wrdreg s6  }
0xba: {  	[dreg:$0x7] =	wrdreg s7  }
0xbb: {  	[dreg:$0x8] =	wrdreg s8  }
0xbc: {  	[dreg:$0x9] =	wrdreg s9  }
0xbd: {  	[dreg:$0xa] =	wrdreg s24  }
0xbe: {  	[dreg:$0xb] =	wrdreg $0x9  }
0xbf: {  	_ =	task.clear_ibuf [dreg:s14], $0xCFFFF;
	_ =	strace $0x90000046  }
0xc0: {  	s29 =	simm.s32 $0x9;
	_ =	strace $0x80000048  }
0xc1: {  	_ =	swait.ge [sflag:s29], $0x1  }
0xc2: {  	[sflag:s29] =	ssyncadd.s32 $0xFFFFFFFF  }
0xc3: {  	_ =	strace $0x90000048  }
0xc4: {  	_ =	sfence  }
0xc5: {  	s30 =	sld [smem:$0x0];
	_ =	sdelay $0x2  }
0xc6: {  	s31 =	sshll.u32 s1, $0xD;
	s1 =	sshrl.u32 s1, $0x2  }
0xc7: {  	s3 =	sand.u32 $0x4000, s31;
	s1 =	sadd.s32 s1, s30  }
0xc8: {  	s0 =	sor.u32 s3, s0;
	s1 =	sshll.u32 s1, $0x11  }
0xc9: {  	s0 =	sor.u32 s1, s0  }
0xca: {  	s0 =	sadd.s32 $0x8F2B, s0  }
0xcb: {  	[sflag:s0] =	ssyncadd.remote.s32 $0x1  }
0xcc: {  	_ =	sfence.sel $0xFFFF  }
0xcd: {  	[dreg:$0x0] =	wrdreg $0xFFFFFFFF;
	(pc) =	sbr.abs _section_cstart, $3  }
0xce: {  	[dreg:$0x1] =	wrdreg $0xFFFFFFFF  }
0xcf: {  	_ =	task.clear_ibuf [dreg:s14], $0x2FFFF;
	_ =	strace $0x9FFFFFFF  }
0xd0: {  	(tm) =	ssettm $0x7FFFFFFF  }
0xd1: {  	_ =	shalt  }
tec
execute0_lowered:
.L_overlay_start_1:
0x0: {  	(tag) =	ssettag $0x1  }
0x1: {  	s12 =	rddreg [dreg:$0x2]  }
0x2: {  	s1 =	rddreg [dreg:$0x3]  }
0x3: {  	s16 =	rddreg [dreg:$0x4]  }
0x4: {  	s14 =	rddreg [dreg:$0x5]  }
0x5: {  	s0 =	srdreg.scid;
	s15 =	rddreg [dreg:$0x6]  }
0x6: {  	s28 =	stileid.u32;
	s4 =	rddreg [dreg:$0x8];
	s0 =	sand.u32 $0x1, s0  }
0x7: {  	s2 =	sshll.u32 s28, $0x1;
	s18 =	sadd.s32 $0x1200, s4;
	s13 =	smul.u32 $0xC3800, s28  }
0x8: {  	p2 =	sgt.u32 s28, $0x7;
	p3 =	sgt.u32 s28, $0x3;
	p4 =	slt.u32 s28, $0xC  }
0x9: {  	s17 =	sor.u32 s0, s2;
	s19 =	ssub.s32 $0x2, s0;
	s7 =	sshll.u32 s0, $0x9  }
0xa: {  	s2 =	sshll.u32 s17, $0x2;
	s5 =	sshrl.u32 s19, $0x1;
	s22 =	sshll.u32 s17, $0xB  }
0xb: {  	s3 =	sadd.s32 $0xFFFFFFC0, s2;
	s6 =	sadd.s32 $0xFFFFFFC1, s2;
	s0 =	ssub.s32 s19, s5  }
0xc: {  	s23 =	sadd.s32 $0xFFFFFFC2, s2;
	s8 =	sadd.s32 $0xFFFFFFC3, s2;
	s26 =	sor.u32 $0x1, s2  }
0xd: {  	s2 =	sor.u32 $0x2, s2;
	s3 =	sshrl.u32 s3, $0x3;
	s20 =	sshrl.u32 s6, $0x3  }
0xe: {  	s21 =	sshll.u32 s6, $0x7;
	s24 =	sshrl.u32 s23, $0x3;
	s3 =	smul.u32 $0xC3800, s3  }
0xf: {  	s9 =	sshrl.u32 s8, $0x3;
	s8 =	sshll.u32 s8, $0x7;
	s4 =	smul.u32 $0xC3800, s20  }
0x10: {  	s10 =	sshll.u32 s26, $0x7;
	s5 =	sand.u32 $0x280, s21;
	s6 =	smul.u32 $0xC3800, s24  }
0x11: {  	s9 =	smul.u32 $0xC3800, s9;
	s25 =	sand.u32 $0x380, s8;
	s11 =	sand.u32 $0x280, s10  }
0x12: {  	s10 =	sshll.u32 s2, $0x7;
	s20 =	sshll.u32 s2, $0x9;
	s24 =	sshll.u32 s17, $0x8  }
0x13: {  	s19 =	sand.u32 $0x300, s10;
	s3 =	sor.u32 s7, s3;
	s4 =	sor.u32 s5, s4  }
0x14: {  	s5 =	sshll.u32 s23, $0x7;
	s7 =	sor.u32 s7, s13;
	s23 =	sshrl.u32 s28, $0x1  }
0x15: {  	s3 =	sshrl.u32 s3, $0x3;
	s4 =	sshrl.u32 s4, $0x3;
	s5 =	sand.u32 $0x300, s5  }
0x16: {  	s7 =	sshrl.u32 s7, $0x3;
	s2 =	smul.u32 $0xC3800, s23;
	s3 =	sadd.s32 s1, s3  }
0x17: {  	s4 =	sadd.s32 s1, s4;
	s5 =	sor.u32 s5, s6;
	s6 =	sor.u32 s25, s9  }
0x18: {  	s7 =	sadd.s32 s12, s7;
	s9 =	sshll.u32 s26, $0x9;
	[dreg:$0xa] =	wrdreg s3  }
0x19: {  	s3 =	sadd.s32 s18, s22;
	s5 =	sshrl.u32 s5, $0x3;
	s6 =	sshrl.u32 s6, $0x3  }
0x1a: {  	s5 =	sadd.s32 s1, s5;
	s6 =	sadd.s32 s1, s6;
	s1 =	sor.u32 s13, s11  }
0x1b: {  	s9 =	sadd.s32 s18, s9;
	s29 =	sadd.s32 $0x400, s3;
	s1 =	sshrl.u32 s1, $0x3  }
0x1c: {  	s8 =	sadd.s32 s12, s1;
	s1 =	sor.u32 s13, s19;
	s19 =	sshllo.u32 s17, $0x2  }
0x1d: {  	s30 =	sadd.s32 $0x600, s3;
	s1 =	sshrl.u32 s1, $0x3;
	s11 =	sshll.u32 s19, $0x7  }
0x1e: {  	s25 =	sshll.u32 s19, $0x9;
	s19 =	sand.u32 $0x300, s24;
	s10 =	sadd.s32 s12, s1  }
0x1f: {  	s21 =	sand.u32 $0x380, s11;
	s11 =	sadd.s32 s18, s20;
	s26 =	sor.u32 s2, s19  }
0x20: {  	s2 =	sshll.u32 s17, $0x1;
	s17 =	sshll.u32 s17, $0xA;
	s22 =	sor.u32 s13, s21  }
0x21: {  	s13 =	sadd.s32 s18, s25;
	s20 =	sadd.s32 $0xFFFFFFE0, s2;
	s21 =	sadd.s32 $0xFFFFFFE1, s2  }
0x22: {  	s17 =	sadd.s32 s17, s18;
	s23 =	sadd.s32 $0xFFFFFFF0, s2;
	s1 =	sshrl.u32 s22, $0x3  }
0x23: {  	s20 =	sshrl.u32 s20, $0x3;
	s22 =	sshrl.u32 s21, $0x3;
	s12 =	sadd.s32 s12, s1  }
0x24: {  	s1 =	sshrl.u32 s26, $0x3;
	s18 =	smul.u32 $0xC3800, s22;
	s26 =	sadd.s32 $0xFFFFFFF1, s2  }
0x25: {  	s31 =	sadd.s32 s16, s1;
	s1 =	smul.u32 $0xC3800, s20;
	s16 =	sshll.u32 s21, $0x7  }
0x26: {  	s20 =	sshrl.u32 s23, $0x3;
	s21 =	sshrl.u32 s26, $0x3;
	s23 =	sadd.s32 $0xFFFFFFD0, s2  }
0x27: {  	s2 =	sadd.s32 $0xFFFFFFD1, s2;
	s16 =	sand.u32 $0x380, s16;
	s24 =	smul.u32 $0xC3800, s20  }
0x28: {  	s1 =	sor.u32 s19, s1;
	s16 =	sor.u32 s16, s18;
	s18 =	sand.u32 $0xC, s28  }
0x29: {  	s28 =	sadd.s32 $0x200, s3;
	s1 =	sshrl.u32 s1, $0x3;
	s25 =	sshrl.u32 s16, $0x3  }
0x2a: {  	s20 =	sor.u32 s19, s24;
	s16 =	sshll.u32 s26, $0x7;
	s24 =	sshrl.u32 s23, $0x3  }
0x2b: {  	s23 =	simm.s32 $0x0;
	s22 =	sand.u32 $0x380, s16;
	s16 =	rddreg [dreg:$0x7]  }
0x2c: {  	p0 =	seq.s32 s18, $0x8;
	s1 =	sadd.s32 s15, s1;
	[smem:$0x7FF] =	sst s23  }
0x2d: {  	p1 =	sne.s32 s18, $0x4;
	[dreg:$0xc] =	wrdreg s1;
	s1 =	sadd.s32 s15, s25  }
0x2e: {  	s15 =	smul.u32 $0xC3800, s21;
	s25 =	sshrl.u32 s2, $0x3;
	s2 =	sshll.u32 s2, $0x7  }
0x2f: {  	[dreg:$0xd] =	wrdreg s1;
	s1 =	sshrl.u32 s20, $0x3;
	s26 =	smul.u32 $0xC3800, s25  }
0x30: {  	s20 =	rddreg [dreg:$0x1];
	s2 =	sand.u32 $0x380, s2;
	s1 =	sadd.s32 s14, s1  }
0x31: {  	[dreg:$0xe] =	wrdreg s1;
	s1 =	sor.u32 s22, s15;
	s15 =	smul.u32 $0xC3800, s24  }
0x32: {  	s25 =	sadd.s32 $0x10200, s17;
	s24 =	sadd.s32 $0x10000, s17;
	s1 =	sshrl.u32 s1, $0x3  }
0x33: {  	s17 =	simm.s32 $0x0;
	s1 =	sadd.s32 s14, s1;
	s15 =	sor.u32 s19, s15  }
0x34: {  	s19 =	sadd.s32 $0x10, s31;
	[dreg:$0xf] =	wrdreg s1;
	s14 =	sshrl.u32 s15, $0x3  }
.Ltmp0:
0x35: {  	s1 =	sor.u32 s2, s26;
	s26 =	smax.u32 s0, $0x1;
	(pc) =	sbr.rel .LBB2_1-.Ltmp0, $4  }
0x36: {  	s0 =	simm.s32 $0x1000;
	s15 =	simm.s32 $0x2000;
	s21 =	sadd.s32 s16, s14  }
0x37: {  	s1 =	sshrl.u32 s1, $0x3;
	_ =	strace $0x80000047;
	[dreg:$0xb] =	wrdreg s31  }
0x38: {  	[dreg:$0x10] =	wrdreg s19;
	s19 =	simm.s32 $0x1;
	s31 =	simm.s32 $0x80  }
0x39: {  	s14 =	simm.s32 $0x400;
	s22 =	sadd.s32 s16, s1;
	s16 =	simm.s32 $0x1A700  }
.LBB2_44:
0x3a: {  	v1 =	vld [tilespmem:s1+$0x1000];
	_ =	sdelay $0x6  }
0x3b: {  	[tilespmem:s18+$0x1A700] =	vst v0  }
0x3c: {  	v0 =	vld.idx.msk [tilespmem:v1+s15+$0x0], $0xffff;
	_ =	sdelay $0x4  }
0x3d: {  	[tilespmem:s1+$0x1A700] =	vst v0  }
0x3e: {  	[hbm4b:s25+s23] =	stream.linear.scatter [tilespmem:s16], [sflag:$0x1], $0x1000, $0x38;
	[tilespmem:$0x1B700] =	vst v63  }
0x3f: {  	_ =	swait.ge [sflag:s19], $0x1000  }
0x40: {  	[sflag:s19] =	ssyncset.done $0x0  }
0x41: {  	[sflag:s19] =	ssyncadd.s32 $0xFFFFF000  }
.LBB2_45:
0x42: {  	s17 =	sadd.s32 $0x1, s17  }
0x43: {  	p5 =	sne.s32 s17, s26  }
.Ltmp1:
0x44: {  	_ = 	snop;
	(pc) =	sbr.rel @!p5 .LBB2_46-.Ltmp1, $1  }
0x45: {  	_ =	sdelay $0x3  }
.LBB2_1:
0x46: {  	s1 =	rddreg [dreg:$0x0]  }
0x47: {  	[tilespmem:s23], [sflag:$0x1] =	stream.linear.gather [hbm4b:s1+s23], $0x1000, $0x38;
	[tilespmem:$0x1B700] =	vst v63  }
0x48: {  	_ =	swait.ge [sflag:s19], $0x1000  }
0x49: {  	[sflag:s19] =	ssyncset.done $0x0  }
.Ltmp2:
0x4a: {  	[sflag:s19] =	ssyncadd.s32 $0xFFFFF000;
	(pc) =	sbr.rel @p2 .LBB2_16-.Ltmp2, $4  }
0x4b: {  	[tilespmem:s0], [sflag:$0x1] =	stream.linear.gather [hbm4b:s20+s23], $0x1000, $0x38;
	[tilespmem:$0x1B700] =	vst v63  }
0x4c: {  	_ =	swait.ge [sflag:s19], $0x1000  }
0x4d: {  	[sflag:s19] =	ssyncset.done $0x0  }
0x4e: {  	[sflag:s19] =	ssyncadd.s32 $0xFFFFF000  }
0x4f: {  	[tilespmem:s15], [sflag:$0x1] =	stream.strided.gather [hbm4b:s7+s31], $0x18700, s14, s31, $0x38;
	[tilespmem:$0x1B700] =	vst v63  }
0x50: {  	_ =	swait.ge [sflag:s19], $0x18700  }
0x51: {  	[sflag:s19] =	ssyncset.done $0x0  }
0x52: {  	s18 =	simm.s32 $0x0;
	[sflag:s19] =	ssyncadd.s32 $0xFFFE7900  }
0x53: {  	v0 =	vld [tilespmem:s18+$0x0];
	_ =	sdelay $0x7  }
0x54: {  	s1 =	simm.s32 $0x10;
	s2 =	simm.s32 $0x80;
	v0 =	vld.idx.msk [tilespmem:v0+s15+$0x0], $0xffff  }
.LBB2_3:
0x55: {  	p5 =	sne.s32 s2, $0x3FC0;
	v1 =	vld [tilespmem:s1+$0x0];
	_ =	sdelay $0x3  }
.Ltmp3:
0x56: {  	(pc) =	sbr.rel @p5 .LBB2_3-.Ltmp3, $2  }
0x57: {  	[tilespmem:s18+$0x1A700] =	vst v0;
	s18 =	smov.u32 s1;
	_ =	sdelay $0x2  }
0x58: {  	s1 =	sshra.s32 s2, $0x2;
	s2 =	sadd.s32 $0x40, s2;
	v0 =	vld.idx.msk [tilespmem:v1+s15+$0x0], $0xffff  }
0x59: {  	v1 =	vld [tilespmem:s1+$0x0];
	_ =	sdelay $0x6  }
0x5a: {  	[tilespmem:s18+$0x1A700] =	vst v0  }
0x5b: {  	v0 =	vld.idx.msk [tilespmem:v1+s15+$0x0], $0xffff;
	_ =	sdelay $0x4  }
0x5c: {  	s18 =	simm.s32 $0x0;
	[tilespmem:s1+$0x1A700] =	vst v0  }
0x5d: {  	[hbm4b:s3+s18] =	stream.linear.scatter [tilespmem:s16], [sflag:$0x1], $0x1000, $0x38;
	[tilespmem:$0x1B700] =	vst v63  }
0x5e: {  	_ =	swait.ge [sflag:s19], $0x1000  }
0x5f: {  	[sflag:s19] =	ssyncset.done $0x0  }
0x60: {  	[sflag:s19] =	ssyncadd.s32 $0xFFFFF000  }
0x61: {  	[tilespmem:s15], [sflag:$0x1] =	stream.strided.gather [hbm4b:s8+s31], $0x18700, s14, s31, $0x38;
	[tilespmem:$0x1B700] =	vst v63  }
0x62: {  	_ =	swait.ge [sflag:s19], $0x18700  }
0x63: {  	[sflag:s19] =	ssyncset.done $0x0  }
0x64: {  	s18 =	simm.s32 $0x0;
	[sflag:s19] =	ssyncadd.s32 $0xFFFE7900  }
0x65: {  	v0 =	vld [tilespmem:s18+$0x0];
	_ =	sdelay $0x7  }
0x66: {  	s2 =	simm.s32 $0x80;
	s1 =	simm.s32 $0x10;
	v0 =	vld.idx.msk [tilespmem:v0+s15+$0x0], $0xffff  }
.LBB2_5:
0x67: {  	p5 =	sne.s32 s2, $0x3FC0;
	v1 =	vld [tilespmem:s1+$0x0];
	_ =	sdelay $0x3  }
.Ltmp4:
0x68: {  	(pc) =	sbr.rel @p5 .LBB2_5-.Ltmp4, $2  }
0x69: {  	[tilespmem:s18+$0x1A700] =	vst v0;
	s18 =	smov.u32 s1;
	_ =	sdelay $0x2  }
0x6a: {  	s1 =	sshra.s32 s2, $0x2;
	s2 =	sadd.s32 $0x40, s2;
	v0 =	vld.idx.msk [tilespmem:v1+s15+$0x0], $0xffff  }
0x6b: {  	v1 =	vld [tilespmem:s1+$0x0];
	_ =	sdelay $0x6  }
0x6c: {  	[tilespmem:s18+$0x1A700] =	vst v0  }
0x6d: {  	v0 =	vld.idx.msk [tilespmem:v1+s15+$0x0], $0xffff;
	_ =	sdelay $0x4  }
0x6e: {  	s18 =	simm.s32 $0x0;
	[tilespmem:s1+$0x1A700] =	vst v0  }
0x6f: {  	[hbm4b:s9+s18] =	stream.linear.scatter [tilespmem:s16], [sflag:$0x1], $0x1000, $0x38;
	[tilespmem:$0x1B700] =	vst v63  }
0x70: {  	_ =	swait.ge [sflag:s19], $0x1000  }
0x71: {  	[sflag:s19] =	ssyncset.done $0x0  }
0x72: {  	[sflag:s19] =	ssyncadd.s32 $0xFFFFF000  }
0x73: {  	[tilespmem:s15], [sflag:$0x1] =	stream.strided.gather [hbm4b:s10+s31], $0x18700, s14, s31, $0x38;
	[tilespmem:$0x1B700] =	vst v63  }
0x74: {  	_ =	swait.ge [sflag:s19], $0x18700  }
0x75: {  	[sflag:s19] =	ssyncset.done $0x0  }
0x76: {  	s18 =	simm.s32 $0x0;
	[sflag:s19] =	ssyncadd.s32 $0xFFFE7900  }
0x77: {  	v0 =	vld [tilespmem:s18+$0x0];
	_ =	sdelay $0x7  }
0x78: {  	s2 =	simm.s32 $0x80;
	s1 =	simm.s32 $0x10;
	v0 =	vld.idx.msk [tilespmem:v0+s15+$0x0], $0xffff  }
.LBB2_7:
0x79: {  	p5 =	sne.s32 s2, $0x3FC0;
	v1 =	vld [tilespmem:s1+$0x0];
	_ =	sdelay $0x3  }
.Ltmp5:
0x7a: {  	(pc) =	sbr.rel @p5 .LBB2_7-.Ltmp5, $2  }
0x7b: {  	[tilespmem:s18+$0x1A700] =	vst v0;
	s18 =	smov.u32 s1;
	_ =	sdelay $0x2  }
0x7c: {  	s1 =	sshra.s32 s2, $0x2;
	s2 =	sadd.s32 $0x40, s2;
	v0 =	vld.idx.msk [tilespmem:v1+s15+$0x0], $0xffff  }
0x7d: {  	v1 =	vld [tilespmem:s1+$0x0];
	_ =	sdelay $0x6  }
0x7e: {  	[tilespmem:s18+$0x1A700] =	vst v0  }
0x7f: {  	v0 =	vld.idx.msk [tilespmem:v1+s15+$0x0], $0xffff;
	_ =	sdelay $0x4  }
0x80: {  	s18 =	simm.s32 $0x0;
	[tilespmem:s1+$0x1A700] =	vst v0  }
0x81: {  	[hbm4b:s11+s18] =	stream.linear.scatter [tilespmem:s16], [sflag:$0x1], $0x1000, $0x38;
	[tilespmem:$0x1B700] =	vst v63  }
0x82: {  	_ =	swait.ge [sflag:s19], $0x1000  }
0x83: {  	[sflag:s19] =	ssyncset.done $0x0  }
0x84: {  	[sflag:s19] =	ssyncadd.s32 $0xFFFFF000  }
0x85: {  	[tilespmem:s15], [sflag:$0x1] =	stream.strided.gather [hbm4b:s12+s31], $0x18700, s14, s31, $0x38;
	[tilespmem:$0x1B700] =	vst v63  }
0x86: {  	_ =	swait.ge [sflag:s19], $0x18700  }
0x87: {  	[sflag:s19] =	ssyncset.done $0x0  }
0x88: {  	s18 =	simm.s32 $0x0;
	[sflag:s19] =	ssyncadd.s32 $0xFFFE7900  }
0x89: {  	v0 =	vld [tilespmem:s18+$0x0];
	_ =	sdelay $0x7  }
0x8a: {  	s2 =	simm.s32 $0x80;
	s1 =	simm.s32 $0x10;
	v0 =	vld.idx.msk [tilespmem:v0+s15+$0x0], $0xffff  }
.LBB2_9:
0x8b: {  	p5 =	seq.s32 s2, $0x3FC0;
	v1 =	vld [tilespmem:s1+$0x0];
	_ =	sdelay $0x3  }
.Ltmp6:
0x8c: {  	(pc) =	sbr.rel @!p5 .LBB2_9-.Ltmp6, $2  }
0x8d: {  	[tilespmem:s18+$0x1A700] =	vst v0;
	s18 =	smov.u32 s1;
	_ =	sdelay $0x2  }
0x8e: {  	s1 =	sshra.s32 s2, $0x2;
	s2 =	sadd.s32 $0x40, s2;
	v0 =	vld.idx.msk [tilespmem:v1+s15+$0x0], $0xffff  }
0x8f: {  	v1 =	vld [tilespmem:s1+$0x0];
	_ =	sdelay $0x6  }
0x90: {  	[tilespmem:s18+$0x1A700] =	vst v0  }
0x91: {  	v0 =	vld.idx.msk [tilespmem:v1+s15+$0x0], $0xffff;
	_ =	sdelay $0x4  }
.Ltmp7:
0x92: {  	[tilespmem:s1+$0x1A700] =	vst v0;
	(pc) =	sbr.rel @p3 .LBB2_26-.Ltmp7, $4  }
0x93: {  	[hbm4b:s13+s23] =	stream.linear.scatter [tilespmem:s16], [sflag:$0x1], $0x1000, $0x38;
	[tilespmem:$0x1B700] =	vst v63  }
0x94: {  	_ =	swait.ge [sflag:s19], $0x1000  }
0x95: {  	[sflag:s19] =	ssyncset.done $0x0  }
0x96: {  	[sflag:s19] =	ssyncadd.s32 $0xFFFFF000  }
0x97: {  	s1 =	rddreg [dreg:$0xb]  }
0x98: {  	[tilespmem:s15], [sflag:$0x1] =	stream.strided.gather [hbm4b:s1+s31], $0x18700, s14, s31, $0x38;
	[tilespmem:$0x1B700] =	vst v63  }
0x99: {  	_ =	swait.ge [sflag:s19], $0x18700  }
0x9a: {  	[sflag:s19] =	ssyncset.done $0x0  }
0x9b: {  	s18 =	simm.s32 $0x0;
	[sflag:s19] =	ssyncadd.s32 $0xFFFE7900  }
0x9c: {  	v0 =	vld [tilespmem:s18+$0x0];
	_ =	sdelay $0x7  }
0x9d: {  	s2 =	simm.s32 $0x80;
	s1 =	simm.s32 $0x10;
	v0 =	vld.idx.msk [tilespmem:v0+s15+$0x0], $0xffff  }
.LBB2_12:
0x9e: {  	p5 =	sne.s32 s2, $0x3FC0;
	v1 =	vld [tilespmem:s1+$0x0];
	_ =	sdelay $0x3  }
.Ltmp8:
0x9f: {  	(pc) =	sbr.rel @p5 .LBB2_12-.Ltmp8, $2  }
0xa0: {  	[tilespmem:s18+$0x1A700] =	vst v0;
	s18 =	smov.u32 s1;
	_ =	sdelay $0x2  }
0xa1: {  	s1 =	sshra.s32 s2, $0x2;
	s2 =	sadd.s32 $0x40, s2;
	v0 =	vld.idx.msk [tilespmem:v1+s15+$0x0], $0xffff  }
0xa2: {  	v1 =	vld [tilespmem:s1+$0x0];
	_ =	sdelay $0x6  }
0xa3: {  	[tilespmem:s18+$0x1A700] =	vst v0  }
0xa4: {  	v0 =	vld.idx.msk [tilespmem:v1+s15+$0x0], $0xffff;
	_ =	sdelay $0x4  }
0xa5: {  	s2 =	simm.s32 $0x0;
	[tilespmem:s1+$0x1A700] =	vst v0  }
0xa6: {  	[hbm4b:s24+s2] =	stream.linear.scatter [tilespmem:s16], [sflag:$0x1], $0x1000, $0x38;
	[tilespmem:$0x1B700] =	vst v63  }
0xa7: {  	_ =	swait.ge [sflag:s19], $0x1000  }
0xa8: {  	[sflag:s19] =	ssyncset.done $0x0  }
0xa9: {  	s18 =	rddreg [dreg:$0x10];
	[sflag:s19] =	ssyncadd.s32 $0xFFFFF000  }
0xaa: {  	[tilespmem:s15], [sflag:$0x1] =	stream.strided.gather [hbm4b:s18+s31], $0x18700, s14, s31, $0x38;
	[tilespmem:$0x1B700] =	vst v63  }
0xab: {  	_ =	swait.ge [sflag:s19], $0x18700  }
0xac: {  	[sflag:s19] =	ssyncset.done $0x0  }
0xad: {  	s18 =	simm.s32 $0x0;
	[sflag:s19] =	ssyncadd.s32 $0xFFFE7900  }
0xae: {  	v0 =	vld [tilespmem:s18+$0x0];
	_ =	sdelay $0x7  }
0xaf: {  	s1 =	simm.s32 $0x10;
	s2 =	simm.s32 $0x80;
	v0 =	vld.idx.msk [tilespmem:v0+s15+$0x0], $0xffff  }
.LBB2_14:
0xb0: {  	p5 =	sne.s32 s2, $0x3FC0;
	v1 =	vld [tilespmem:s1+$0x0];
	_ =	sdelay $0x3  }
.Ltmp9:
0xb1: {  	(pc) =	sbr.rel @p5 .LBB2_14-.Ltmp9, $2  }
0xb2: {  	[tilespmem:s18+$0x1A700] =	vst v0;
	s18 =	smov.u32 s1;
	_ =	sdelay $0x2  }
0xb3: {  	s1 =	sshra.s32 s2, $0x2;
	s2 =	sadd.s32 $0x40, s2;
	v0 =	vld.idx.msk [tilespmem:v1+s15+$0x0], $0xffff  }
0xb4: {  	v1 =	vld [tilespmem:s1+$0x0];
	_ =	sdelay $0x6  }
0xb5: {  	[tilespmem:s18+$0x1A700] =	vst v0  }
0xb6: {  	v0 =	vld.idx.msk [tilespmem:v1+s15+$0x0], $0xffff  }
.Ltmp10:
0xb7: {  	_ = 	snop;
	(pc) =	sbr.rel .LBB2_25-.Ltmp10, $2  }
0xb8: {  	_ =	sdelay $0x2  }
0xb9: {  	[tilespmem:s1+$0x1A700] =	vst v0;
	s1 =	smov.u32 s25  }
.LBB2_16:
0xba: {  	s1 =	rddreg [dreg:$0xa]  }
0xbb: {  	[tilespmem:s15], [sflag:$0x1] =	stream.strided.gather [hbm4b:s1+s31], $0x18700, s14, s31, $0x38;
	[tilespmem:$0x1B700] =	vst v63  }
0xbc: {  	_ =	swait.ge [sflag:s19], $0x18700  }
0xbd: {  	[sflag:s19] =	ssyncset.done $0x0  }
0xbe: {  	s18 =	simm.s32 $0x0;
	[sflag:s19] =	ssyncadd.s32 $0xFFFE7900  }
0xbf: {  	v0 =	vld [tilespmem:s18+$0x1000];
	_ =	sdelay $0x7  }
0xc0: {  	s2 =	simm.s32 $0x80;
	s1 =	simm.s32 $0x10;
	v0 =	vld.idx.msk [tilespmem:v0+s15+$0x0], $0xffff  }
.LBB2_17:
0xc1: {  	p5 =	sne.s32 s2, $0x3FC0;
	v1 =	vld [tilespmem:s1+$0x1000];
	_ =	sdelay $0x3  }
.Ltmp11:
0xc2: {  	(pc) =	sbr.rel @p5 .LBB2_17-.Ltmp11, $2  }
0xc3: {  	[tilespmem:s18+$0x1A700] =	vst v0;
	s18 =	smov.u32 s1;
	_ =	sdelay $0x2  }
0xc4: {  	s1 =	sshra.s32 s2, $0x2;
	s2 =	sadd.s32 $0x40, s2;
	v0 =	vld.idx.msk [tilespmem:v1+s15+$0x0], $0xffff  }
0xc5: {  	v1 =	vld [tilespmem:s1+$0x1000];
	_ =	sdelay $0x6  }
0xc6: {  	[tilespmem:s18+$0x1A700] =	vst v0  }
0xc7: {  	v0 =	vld.idx.msk [tilespmem:v1+s15+$0x0], $0xffff;
	_ =	sdelay $0x4  }
0xc8: {  	s18 =	simm.s32 $0x0;
	[tilespmem:s1+$0x1A700] =	vst v0  }
0xc9: {  	[hbm4b:s3+s18] =	stream.linear.scatter [tilespmem:s16], [sflag:$0x1], $0x1000, $0x38;
	[tilespmem:$0x1B700] =	vst v63  }
0xca: {  	_ =	swait.ge [sflag:s19], $0x1000  }
0xcb: {  	[sflag:s19] =	ssyncset.done $0x0  }
0xcc: {  	[sflag:s19] =	ssyncadd.s32 $0xFFFFF000  }
0xcd: {  	[tilespmem:s15], [sflag:$0x1] =	stream.strided.gather [hbm4b:s4+s31], $0x18700, s14, s31, $0x38;
	[tilespmem:$0x1B700] =	vst v63  }
0xce: {  	_ =	swait.ge [sflag:s19], $0x18700  }
0xcf: {  	[sflag:s19] =	ssyncset.done $0x0  }
0xd0: {  	s18 =	simm.s32 $0x0;
	[sflag:s19] =	ssyncadd.s32 $0xFFFE7900  }
0xd1: {  	v0 =	vld [tilespmem:s18+$0x1000];
	_ =	sdelay $0x7  }
0xd2: {  	s2 =	simm.s32 $0x80;
	s1 =	simm.s32 $0x10;
	v0 =	vld.idx.msk [tilespmem:v0+s15+$0x0], $0xffff  }
.LBB2_19:
0xd3: {  	p5 =	sne.s32 s2, $0x3FC0;
	v1 =	vld [tilespmem:s1+$0x1000];
	_ =	sdelay $0x3  }
.Ltmp12:
0xd4: {  	(pc) =	sbr.rel @p5 .LBB2_19-.Ltmp12, $2  }
0xd5: {  	[tilespmem:s18+$0x1A700] =	vst v0;
	s18 =	smov.u32 s1;
	_ =	sdelay $0x2  }
0xd6: {  	s1 =	sshra.s32 s2, $0x2;
	s2 =	sadd.s32 $0x40, s2;
	v0 =	vld.idx.msk [tilespmem:v1+s15+$0x0], $0xffff  }
0xd7: {  	v1 =	vld [tilespmem:s1+$0x1000];
	_ =	sdelay $0x6  }
0xd8: {  	[tilespmem:s18+$0x1A700] =	vst v0  }
0xd9: {  	v0 =	vld.idx.msk [tilespmem:v1+s15+$0x0], $0xffff;
	_ =	sdelay $0x4  }
0xda: {  	s18 =	simm.s32 $0x0;
	[tilespmem:s1+$0x1A700] =	vst v0  }
0xdb: {  	[hbm4b:s28+s18] =	stream.linear.scatter [tilespmem:s16], [sflag:$0x1], $0x1000, $0x38;
	[tilespmem:$0x1B700] =	vst v63  }
0xdc: {  	_ =	swait.ge [sflag:s19], $0x1000  }
0xdd: {  	[sflag:s19] =	ssyncset.done $0x0  }
0xde: {  	[sflag:s19] =	ssyncadd.s32 $0xFFFFF000  }
0xdf: {  	[tilespmem:s15], [sflag:$0x1] =	stream.strided.gather [hbm4b:s5+s31], $0x18700, s14, s31, $0x38;
	[tilespmem:$0x1B700] =	vst v63  }
0xe0: {  	_ =	swait.ge [sflag:s19], $0x18700  }
0xe1: {  	[sflag:s19] =	ssyncset.done $0x0  }
0xe2: {  	s18 =	simm.s32 $0x0;
	[sflag:s19] =	ssyncadd.s32 $0xFFFE7900  }
0xe3: {  	v0 =	vld [tilespmem:s18+$0x1000];
	_ =	sdelay $0x7  }
0xe4: {  	s2 =	simm.s32 $0x80;
	s1 =	simm.s32 $0x10;
	v0 =	vld.idx.msk [tilespmem:v0+s15+$0x0], $0xffff  }
.LBB2_21:
0xe5: {  	p5 =	sne.s32 s2, $0x3FC0;
	v1 =	vld [tilespmem:s1+$0x1000];
	_ =	sdelay $0x3  }
.Ltmp13:
0xe6: {  	(pc) =	sbr.rel @p5 .LBB2_21-.Ltmp13, $2  }
0xe7: {  	[tilespmem:s18+$0x1A700] =	vst v0;
	s18 =	smov.u32 s1;
	_ =	sdelay $0x2  }
0xe8: {  	s1 =	sshra.s32 s2, $0x2;
	s2 =	sadd.s32 $0x40, s2;
	v0 =	vld.idx.msk [tilespmem:v1+s15+$0x0], $0xffff  }
0xe9: {  	v1 =	vld [tilespmem:s1+$0x1000];
	_ =	sdelay $0x6  }
0xea: {  	[tilespmem:s18+$0x1A700] =	vst v0  }
0xeb: {  	v0 =	vld.idx.msk [tilespmem:v1+s15+$0x0], $0xffff;
	_ =	sdelay $0x4  }
0xec: {  	s18 =	simm.s32 $0x0;
	[tilespmem:s1+$0x1A700] =	vst v0  }
0xed: {  	[hbm4b:s29+s18] =	stream.linear.scatter [tilespmem:s16], [sflag:$0x1], $0x1000, $0x38;
	[tilespmem:$0x1B700] =	vst v63  }
0xee: {  	_ =	swait.ge [sflag:s19], $0x1000  }
0xef: {  	[sflag:s19] =	ssyncset.done $0x0  }
0xf0: {  	[sflag:s19] =	ssyncadd.s32 $0xFFFFF000  }
0xf1: {  	[tilespmem:s15], [sflag:$0x1] =	stream.strided.gather [hbm4b:s6+s31], $0x18700, s14, s31, $0x38;
	[tilespmem:$0x1B700] =	vst v63  }
0xf2: {  	_ =	swait.ge [sflag:s19], $0x18700  }
0xf3: {  	[sflag:s19] =	ssyncset.done $0x0  }
0xf4: {  	s18 =	simm.s32 $0x0;
	[sflag:s19] =	ssyncadd.s32 $0xFFFE7900  }
0xf5: {  	v0 =	vld [tilespmem:s18+$0x1000];
	_ =	sdelay $0x7  }
0xf6: {  	s2 =	simm.s32 $0x80;
	s1 =	simm.s32 $0x10;
	v0 =	vld.idx.msk [tilespmem:v0+s15+$0x0], $0xffff  }
.LBB2_23:
0xf7: {  	p5 =	seq.s32 s2, $0x3FC0;
	v1 =	vld [tilespmem:s1+$0x1000];
	_ =	sdelay $0x3  }
.Ltmp14:
0xf8: {  	(pc) =	sbr.rel @!p5 .LBB2_23-.Ltmp14, $2  }
0xf9: {  	[tilespmem:s18+$0x1A700] =	vst v0;
	s18 =	smov.u32 s1;
	_ =	sdelay $0x2  }
0xfa: {  	s1 =	sshra.s32 s2, $0x2;
	s2 =	sadd.s32 $0x40, s2;
	v0 =	vld.idx.msk [tilespmem:v1+s15+$0x0], $0xffff  }
0xfb: {  	v1 =	vld [tilespmem:s1+$0x1000];
	_ =	sdelay $0x6  }
0xfc: {  	[tilespmem:s18+$0x1A700] =	vst v0  }
0xfd: {  	v0 =	vld.idx.msk [tilespmem:v1+s15+$0x0], $0xffff;
	_ =	sdelay $0x4  }
0xfe: {  	[tilespmem:s1+$0x1A700] =	vst v0;
	s1 =	smov.u32 s30  }
.LBB2_25:
0xff: {  	[hbm4b:s1+s23] =	stream.linear.scatter [tilespmem:s16], [sflag:$0x1], $0x1000, $0x38;
	[tilespmem:$0x1B700] =	vst v63  }
0x100: {  	_ =	swait.ge [sflag:s19], $0x1000  }
0x101: {  	[sflag:s19] =	ssyncset.done $0x0  }
0x102: {  	[sflag:s19] =	ssyncadd.s32 $0xFFFFF000  }
.LBB2_26:
.Ltmp15:
0x103: {  	(pc) =	sbr.rel @p0 .LBB2_33-.Ltmp15, $1  }
0x104: {  	_ =	sdelay $0x3  }
.Ltmp16:
0x105: {  	(pc) =	sbr.rel @p1 .LBB2_39-.Ltmp16, $1  }
0x106: {  	_ =	sdelay $0x3  }
0x107: {  	s1 =	rddreg [dreg:$0xe]  }
0x108: {  	[tilespmem:s15], [sflag:$0x1] =	stream.strided.gather [hbm4b:s1+s31], $0x18700, s14, s31, $0x38;
	[tilespmem:$0x1B700] =	vst v63  }
0x109: {  	_ =	swait.ge [sflag:s19], $0x18700  }
0x10a: {  	[sflag:s19] =	ssyncset.done $0x0  }
0x10b: {  	s18 =	simm.s32 $0x0;
	[sflag:s19] =	ssyncadd.s32 $0xFFFE7900  }
0x10c: {  	v0 =	vld [tilespmem:s18+$0x1000];
	_ =	sdelay $0x7  }
0x10d: {  	s2 =	simm.s32 $0x80;
	s1 =	simm.s32 $0x10;
	v0 =	vld.idx.msk [tilespmem:v0+s15+$0x0], $0xffff  }
.LBB2_29:
0x10e: {  	p5 =	sne.s32 s2, $0x3FC0;
	v1 =	vld [tilespmem:s1+$0x1000];
	_ =	sdelay $0x3  }
.Ltmp17:
0x10f: {  	(pc) =	sbr.rel @p5 .LBB2_29-.Ltmp17, $2  }
0x110: {  	[tilespmem:s18+$0x1A700] =	vst v0;
	s18 =	smov.u32 s1;
	_ =	sdelay $0x2  }
0x111: {  	s1 =	sshra.s32 s2, $0x2;
	s2 =	sadd.s32 $0x40, s2;
	v0 =	vld.idx.msk [tilespmem:v1+s15+$0x0], $0xffff  }
0x112: {  	v1 =	vld [tilespmem:s1+$0x1000];
	_ =	sdelay $0x6  }
0x113: {  	[tilespmem:s18+$0x1A700] =	vst v0  }
0x114: {  	v0 =	vld.idx.msk [tilespmem:v1+s15+$0x0], $0xffff;
	_ =	sdelay $0x4  }
0x115: {  	s2 =	simm.s32 $0x0;
	[tilespmem:s1+$0x1A700] =	vst v0  }
0x116: {  	[hbm4b:s24+s2] =	stream.linear.scatter [tilespmem:s16], [sflag:$0x1], $0x1000, $0x38;
	[tilespmem:$0x1B700] =	vst v63  }
0x117: {  	_ =	swait.ge [sflag:s19], $0x1000  }
0x118: {  	[sflag:s19] =	ssyncset.done $0x0  }
0x119: {  	s18 =	rddreg [dreg:$0xf];
	[sflag:s19] =	ssyncadd.s32 $0xFFFFF000  }
0x11a: {  	[tilespmem:s15], [sflag:$0x1] =	stream.strided.gather [hbm4b:s18+s31], $0x18700, s14, s31, $0x38;
	[tilespmem:$0x1B700] =	vst v63  }
0x11b: {  	_ =	swait.ge [sflag:s19], $0x18700  }
0x11c: {  	[sflag:s19] =	ssyncset.done $0x0  }
0x11d: {  	s18 =	simm.s32 $0x0;
	[sflag:s19] =	ssyncadd.s32 $0xFFFE7900  }
0x11e: {  	v0 =	vld [tilespmem:s18+$0x1000];
	_ =	sdelay $0x7  }
0x11f: {  	s1 =	simm.s32 $0x10;
	s2 =	simm.s32 $0x80;
	v0 =	vld.idx.msk [tilespmem:v0+s15+$0x0], $0xffff  }
.LBB2_31:
0x120: {  	p5 =	seq.s32 s2, $0x3FC0;
	v1 =	vld [tilespmem:s1+$0x1000];
	_ =	sdelay $0x3  }
.Ltmp18:
0x121: {  	(pc) =	sbr.rel @!p5 .LBB2_31-.Ltmp18, $2  }
0x122: {  	[tilespmem:s18+$0x1A700] =	vst v0;
	s18 =	smov.u32 s1;
	_ =	sdelay $0x2  }
0x123: {  	s1 =	sshra.s32 s2, $0x2;
	s2 =	sadd.s32 $0x40, s2;
	v0 =	vld.idx.msk [tilespmem:v1+s15+$0x0], $0xffff  }
0x124: {  	v1 =	vld [tilespmem:s1+$0x1000];
	_ =	sdelay $0x6  }
0x125: {  	[tilespmem:s18+$0x1A700] =	vst v0  }
0x126: {  	v0 =	vld.idx.msk [tilespmem:v1+s15+$0x0], $0xffff  }
.Ltmp19:
0x127: {  	_ = 	snop;
	(pc) =	sbr.rel .LBB2_38-.Ltmp19, $2  }
0x128: {  	_ =	sdelay $0x2  }
0x129: {  	[tilespmem:s1+$0x1A700] =	vst v0  }
.LBB2_33:
0x12a: {  	s1 =	rddreg [dreg:$0xc]  }
0x12b: {  	[tilespmem:s15], [sflag:$0x1] =	stream.strided.gather [hbm4b:s1+s31], $0x18700, s14, s31, $0x38;
	[tilespmem:$0x1B700] =	vst v63  }
0x12c: {  	_ =	swait.ge [sflag:s19], $0x18700  }
0x12d: {  	[sflag:s19] =	ssyncset.done $0x0  }
0x12e: {  	s18 =	simm.s32 $0x0;
	[sflag:s19] =	ssyncadd.s32 $0xFFFE7900  }
0x12f: {  	v0 =	vld [tilespmem:s18+$0x0];
	_ =	sdelay $0x7  }
0x130: {  	s2 =	simm.s32 $0x80;
	s1 =	simm.s32 $0x10;
	v0 =	vld.idx.msk [tilespmem:v0+s15+$0x0], $0xffff  }
.LBB2_34:
0x131: {  	p5 =	sne.s32 s2, $0x3FC0;
	v1 =	vld [tilespmem:s1+$0x0];
	_ =	sdelay $0x3  }
.Ltmp20:
0x132: {  	(pc) =	sbr.rel @p5 .LBB2_34-.Ltmp20, $2  }
0x133: {  	[tilespmem:s18+$0x1A700] =	vst v0;
	s18 =	smov.u32 s1;
	_ =	sdelay $0x2  }
0x134: {  	s1 =	sshra.s32 s2, $0x2;
	s2 =	sadd.s32 $0x40, s2;
	v0 =	vld.idx.msk [tilespmem:v1+s15+$0x0], $0xffff  }
0x135: {  	v1 =	vld [tilespmem:s1+$0x0];
	_ =	sdelay $0x6  }
0x136: {  	[tilespmem:s18+$0x1A700] =	vst v0  }
0x137: {  	v0 =	vld.idx.msk [tilespmem:v1+s15+$0x0], $0xffff;
	_ =	sdelay $0x4  }
0x138: {  	s2 =	simm.s32 $0x0;
	[tilespmem:s1+$0x1A700] =	vst v0  }
0x139: {  	[hbm4b:s24+s2] =	stream.linear.scatter [tilespmem:s16], [sflag:$0x1], $0x1000, $0x38;
	[tilespmem:$0x1B700] =	vst v63  }
0x13a: {  	_ =	swait.ge [sflag:s19], $0x1000  }
0x13b: {  	[sflag:s19] =	ssyncset.done $0x0  }
0x13c: {  	s18 =	rddreg [dreg:$0xd];
	[sflag:s19] =	ssyncadd.s32 $0xFFFFF000  }
0x13d: {  	[tilespmem:s15], [sflag:$0x1] =	stream.strided.gather [hbm4b:s18+s31], $0x18700, s14, s31, $0x38;
	[tilespmem:$0x1B700] =	vst v63  }
0x13e: {  	_ =	swait.ge [sflag:s19], $0x18700  }
0x13f: {  	[sflag:s19] =	ssyncset.done $0x0  }
0x140: {  	s18 =	simm.s32 $0x0;
	[sflag:s19] =	ssyncadd.s32 $0xFFFE7900  }
0x141: {  	v0 =	vld [tilespmem:s18+$0x0];
	_ =	sdelay $0x7  }
0x142: {  	s1 =	simm.s32 $0x10;
	s2 =	simm.s32 $0x80;
	v0 =	vld.idx.msk [tilespmem:v0+s15+$0x0], $0xffff  }
.LBB2_36:
0x143: {  	p5 =	sne.s32 s2, $0x3FC0;
	v1 =	vld [tilespmem:s1+$0x0];
	_ =	sdelay $0x3  }
.Ltmp21:
0x144: {  	(pc) =	sbr.rel @p5 .LBB2_36-.Ltmp21, $2  }
0x145: {  	[tilespmem:s18+$0x1A700] =	vst v0;
	s18 =	smov.u32 s1;
	_ =	sdelay $0x2  }
0x146: {  	s1 =	sshra.s32 s2, $0x2;
	s2 =	sadd.s32 $0x40, s2;
	v0 =	vld.idx.msk [tilespmem:v1+s15+$0x0], $0xffff  }
0x147: {  	v1 =	vld [tilespmem:s1+$0x0];
	_ =	sdelay $0x6  }
0x148: {  	[tilespmem:s18+$0x1A700] =	vst v0  }
0x149: {  	v0 =	vld.idx.msk [tilespmem:v1+s15+$0x0], $0xffff;
	_ =	sdelay $0x4  }
0x14a: {  	[tilespmem:s1+$0x1A700] =	vst v0  }
.LBB2_38:
0x14b: {  	[hbm4b:s25+s23] =	stream.linear.scatter [tilespmem:s16], [sflag:$0x1], $0x1000, $0x38;
	[tilespmem:$0x1B700] =	vst v63  }
0x14c: {  	_ =	swait.ge [sflag:s19], $0x1000  }
0x14d: {  	[sflag:s19] =	ssyncset.done $0x0  }
0x14e: {  	[sflag:s19] =	ssyncadd.s32 $0xFFFFF000  }
.LBB2_39:
.Ltmp22:
0x14f: {  	(pc) =	sbr.rel @p4 .LBB2_45-.Ltmp22, $1  }
0x150: {  	_ =	sdelay $0x3  }
0x151: {  	[tilespmem:s15], [sflag:$0x1] =	stream.strided.gather [hbm4b:s21+s31], $0x18700, s14, s31, $0x38;
	[tilespmem:$0x1B700] =	vst v63  }
0x152: {  	_ =	swait.ge [sflag:s19], $0x18700  }
0x153: {  	[sflag:s19] =	ssyncset.done $0x0  }
0x154: {  	s18 =	simm.s32 $0x0;
	[sflag:s19] =	ssyncadd.s32 $0xFFFE7900  }
0x155: {  	v0 =	vld [tilespmem:s18+$0x1000];
	_ =	sdelay $0x7  }
0x156: {  	s1 =	simm.s32 $0x10;
	s2 =	simm.s32 $0x80;
	v0 =	vld.idx.msk [tilespmem:v0+s15+$0x0], $0xffff  }
.LBB2_41:
0x157: {  	p5 =	sne.s32 s2, $0x3FC0;
	v1 =	vld [tilespmem:s1+$0x1000];
	_ =	sdelay $0x3  }
.Ltmp23:
0x158: {  	(pc) =	sbr.rel @p5 .LBB2_41-.Ltmp23, $2  }
0x159: {  	[tilespmem:s18+$0x1A700] =	vst v0;
	s18 =	smov.u32 s1;
	_ =	sdelay $0x2  }
0x15a: {  	s1 =	sshra.s32 s2, $0x2;
	s2 =	sadd.s32 $0x40, s2;
	v0 =	vld.idx.msk [tilespmem:v1+s15+$0x0], $0xffff  }
0x15b: {  	v1 =	vld [tilespmem:s1+$0x1000];
	_ =	sdelay $0x6  }
0x15c: {  	[tilespmem:s18+$0x1A700] =	vst v0  }
0x15d: {  	v0 =	vld.idx.msk [tilespmem:v1+s15+$0x0], $0xffff;
	_ =	sdelay $0x4  }
0x15e: {  	s18 =	simm.s32 $0x0;
	[tilespmem:s1+$0x1A700] =	vst v0  }
0x15f: {  	[hbm4b:s24+s18] =	stream.linear.scatter [tilespmem:s16], [sflag:$0x1], $0x1000, $0x38;
	[tilespmem:$0x1B700] =	vst v63  }
0x160: {  	_ =	swait.ge [sflag:s19], $0x1000  }
0x161: {  	[sflag:s19] =	ssyncset.done $0x0  }
0x162: {  	[sflag:s19] =	ssyncadd.s32 $0xFFFFF000  }
0x163: {  	[tilespmem:s15], [sflag:$0x1] =	stream.strided.gather [hbm4b:s22+s31], $0x18700, s14, s31, $0x38;
	[tilespmem:$0x1B700] =	vst v63  }
0x164: {  	_ =	swait.ge [sflag:s19], $0x18700  }
0x165: {  	[sflag:s19] =	ssyncset.done $0x0  }
0x166: {  	s18 =	simm.s32 $0x0;
	[sflag:s19] =	ssyncadd.s32 $0xFFFE7900  }
0x167: {  	v0 =	vld [tilespmem:s18+$0x1000];
	_ =	sdelay $0x7  }
0x168: {  	s2 =	simm.s32 $0x80;
	s1 =	simm.s32 $0x10;
	v0 =	vld.idx.msk [tilespmem:v0+s15+$0x0], $0xffff  }
.LBB2_43:
0x169: {  	p5 =	sne.s32 s2, $0x3FC0;
	v1 =	vld [tilespmem:s1+$0x1000];
	_ =	sdelay $0x3  }
.Ltmp24:
0x16a: {  	(pc) =	sbr.rel @p5 .LBB2_43-.Ltmp24, $2  }
0x16b: {  	[tilespmem:s18+$0x1A700] =	vst v0;
	s18 =	smov.u32 s1;
	_ =	sdelay $0x2  }
0x16c: {  	s1 =	sshra.s32 s2, $0x2;
	s2 =	sadd.s32 $0x40, s2;
	v0 =	vld.idx.msk [tilespmem:v1+s15+$0x0], $0xffff  }
.Ltmp25:
0x16d: {  	_ = 	snop;
	(pc) =	sbr.rel .LBB2_44-.Ltmp25, $1  }
0x16e: {  	_ =	sdelay $0x3  }
.LBB2_46:
0x16f: {  	_ =	sfence.sel $0x180000  }
0x170: {  	[bflag:$0x0] =	sbarrier.arrive $0xFFFF  }
0x171: {  	_ =	strace $0x90000047  }
0x172: {  	s0 =	stileid.u32;
	[bflag:$0x2] =	sbarrier.arrive $0xFFFF  }
0x173: {  	p0 =	sne.s32 s0, $0x0;
	s0 =	rddreg [dreg:$0x9]  }
0x174: {  	s0 =	sadd.s32 @!p0 $0x100000, s0  }
0x175: {  	[sflag:s0] =	ssyncadd.tile.s32 @!p0 $0x1;
	_ =	shalt  }
.Lfunc_end2:
_tile_overlayer_lowered:
.L_overlay_start_2:
0x176: {  	(tag) =	ssettag $0x2  }
0x177: {  	s0 =	rddreg [dreg:$0x0];
	s2 =	stileid.u32  }
0x178: {  	s1 =	rddreg [dreg:$0x1];
	p0 =	sne.s32 s2, $0x0  }
0x179: {  	s3 =	rddreg [dreg:$0x2];
	[bflag:$0x3] =	sbarrier.arrive $0xFFFF;
	s2 =	simm.s32 @!p0 $0x1C01  }
0x17a: {  	[timem:s3], [sflag:s2] =	dma.local @!p0 [hbm:s0], s1  }
0x17b: {  	s0 =	simm.s32 @!p0 $0x1  }
0x17c: {  	_ =	swait.ge @!p0 [sflag:s0], s1  }
0x17d: {  	s1 =	ssub.s32 @!p0 $0x0, s1;
	[sflag:s0] =	ssyncset.done @!p0 $0x0  }
0x17e: {  	[sflag:s0] =	ssyncadd.s32 @!p0 s1  }
0x17f: {  	[bflag:$0x3] =	sbarrier.arrive $0xFFFF  }
0x180: {  	_ =	shalt  }

// kernel: kernel.9.cloned.1.call-start
scs
__scs_entry_jumppad:
0x0: {  	(pc) =	sbr.rel $0x88, $3  }
0x1: {  	(tag) =	ssettag $0x0;
	lr =	simm.s32 $0x1  }
0x2: {  	[smem:$0x3F91] =	sst lr;
	_ =	strace $0xD0000000  }
0x3: {  	_ = 	snop  }
0x4: {  	_ = 	snop  }
0x5: {  	_ = 	snop  }
0x6: {  	_ = 	snop  }
0x7: {  	_ = 	snop  }
__scs_overlays_trampoline_lowered:
0x8: {  	[smem:$0x3FA0] =	sst s0  }
0x9: {  	[smem:$0x3FA1] =	sst s1  }
0xa: {  	[smem:$0x3FA2] =	sst s2  }
0xb: {  	[smem:$0x3FA3] =	sst s3  }
0xc: {  	[smem:$0x3FA4] =	sst s4  }
0xd: {  	[smem:$0x3FA5] =	sst s5  }
0xe: {  	[smem:$0x3FA6] =	sst s6  }
0xf: {  	[smem:$0x3FA7] =	sst s7  }
0x10: {  	[smem:$0x3FA8] =	sst s8  }
0x11: {  	[smem:$0x3FA9] =	sst s9;
	s0 =	simm.s32 @!p0 $0x0  }
0x12: {  	s1 =	sld [smem:$0x3F8F];
	s0 =	simm.s32 @p0 $0x1  }
0x13: {  	[smem:$0x3FAA] =	sst s0;
	s0 =	simm.s32 @!p1 $0x0  }
0x14: {  	s2 =	sld [smem:$0x3F8E];
	s0 =	simm.s32 @p1 $0x1  }
0x15: {  	[smem:$0x3FAB] =	sst s0;
	s0 =	simm.s32 @!p2 $0x0  }
0x16: {  	s3 =	sld [smem:$0x3FDB];
	s0 =	simm.s32 @p2 $0x1  }
0x17: {  	s4 =	simm.s32 $0x1BF5;
	[smem:$0x3FAD] =	sst s0  }
0x18: {  	s0 =	sld [smem:$0x3F90];
	_ =	swait.ge [sflag:s4], $0x0  }
0x19: {  	s7 =	sld [smem:$0x3F91]  }
0x1a: {  	s8 =	sadd.s32 $0xFFFFE003, lr  }
0x1b: {  	s9 =	sadd.s32 $0xFFFFFEF7, lr;
	s5 =	simm.s32 $0xFFFFFFFF;
	p2 =	slt.u32 s8, $0xFFFFF086  }
0x1c: {  	p1 =	slt.u32 s9, $0xF7A;
	s5 =	simm.s32 @!p2 $0x0  }
0x1d: {  	s5 =	simm.s32 @p1 $0x1;
	p0 =	seq.s32 s7, s2  }
0x1e: {  	s7 =	smul.u32 @!p0 $0xF7A, s2;
	p2 =	seq.s32 @!p0 s5, $0x0  }
0x1f: {  	s9 =	smul.u32 $0xF7A, s1;
	s8 =	simm.s32 @!p0 $0x1BF5;
	p2 =	por !p2, p0  }
0x20: {  	[sflag:s8] =	ssyncset.s32 @!p0 $0xFFFFF086;
	s6 =	sadd.s32 @!p0 s3, s7;
	s7 =	simm.s32 @!p0 $0x108  }
0x21: {  	s3 =	sadd.s32 s3, s9;
	s6 =	sadd.s32 @!p0 $0x88, s6;
	s7 =	simm.s32 @p2 $0x1082  }
0x22: {  	[simem:s7], [sflag:s8] =	dma.local @!p0 [hbm:s6], $0xF7A  }
0x23: {  	s9 =	sor.u32 $0xD0000000, s2;
	s6 =	simm.s32 $0x108;
	_ =	swait.ge @!p0 [sflag:s8], $0x0  }
0x24: {  	s3 =	sadd.s32 $0x88, s3;
	s6 =	simm.s32 @!p1 $0x1082;
	[sflag:s4] =	ssyncset.s32 $0xFFFFF086  }
0x25: {  	[simem:s6], [sflag:s4] =	dma.local [hbm:s3], $0xF7A  }
0x26: {  	[smem:$0x3F91] =	sst s1;
	(tag) =	ssettag s2;
	_ =	strace s9  }
0x27: {  	s1 =	sld [smem:$0x3FA1]  }
0x28: {  	s2 =	sld [smem:$0x3FA2]  }
0x29: {  	s4 =	sld [smem:$0x3FA4]  }
0x2a: {  	p0 =	seq.s32 s5, $0x0;
	s5 =	sld [smem:$0x3FA5]  }
0x2b: {  	s6 =	sld [smem:$0x3FA6]  }
0x2c: {  	s7 =	sld [smem:$0x3FA7]  }
0x2d: {  	s3 =	simm.s32 $0x108;
	s8 =	sld [smem:$0x3FA8]  }
0x2e: {  	s3 =	simm.s32 @!p0 $0x1082;
	s9 =	sld [smem:$0x3FA9]  }
0x2f: {  	lr =	sadd.s32 s0, s3;
	s0 =	sld [smem:$0x3FA0]  }
0x30: {  	s3 =	sld [smem:$0x3FA3]  }
0x31: {  	[smem:$0x3FAC] =	sst s10  }
0x32: {  	s10 =	sld [smem:$0x3FAA];
	_ =	sdelay $0x3  }
0x33: {  	p0 =	seq.s32 s10, $0x1;
	s10 =	sld [smem:$0x3FAC];
	_ =	sdelay $0x3  }
0x34: {  	[smem:$0x3FAC] =	sst s10  }
0x35: {  	s10 =	sld [smem:$0x3FAB];
	_ =	sdelay $0x3  }
0x36: {  	p1 =	seq.s32 s10, $0x1;
	s10 =	sld [smem:$0x3FAC];
	_ =	sdelay $0x3  }
0x37: {  	[smem:$0x3FAC] =	sst s10  }
0x38: {  	s10 =	sld [smem:$0x3FAD]  }
0x39: {  	_ = 	snop;
	(pc) =	sbr.ind lr, $3  }
0x3a: {  	_ = 	snop  }
0x3b: {  	_ = 	snop  }
0x3c: {  	p2 =	seq.s32 s10, $0x1;
	s10 =	sld [smem:$0x3FAC]  }
0x3d: {  	_ =	shalt  }
0x3e: {  	_ =	shalt  }
0x3f: {  	_ =	shalt  }
0x40: {  	_ =	shalt  }
0x41: {  	_ =	shalt  }
0x42: {  	_ =	shalt  }
0x43: {  	_ =	shalt  }
0x44: {  	_ =	shalt  }
0x45: {  	_ =	shalt  }
0x46: {  	_ =	shalt  }
0x47: {  	_ =	shalt  }
0x48: {  	_ =	shalt  }
0x49: {  	_ =	shalt  }
0x4a: {  	_ =	shalt  }
0x4b: {  	_ =	shalt  }
0x4c: {  	_ =	shalt  }
0x4d: {  	_ =	shalt  }
0x4e: {  	_ =	shalt  }
0x4f: {  	_ =	shalt  }
0x50: {  	_ =	shalt  }
0x51: {  	_ =	shalt  }
0x52: {  	_ =	shalt  }
0x53: {  	_ =	shalt  }
0x54: {  	_ =	shalt  }
0x55: {  	_ =	shalt  }
0x56: {  	_ =	shalt  }
0x57: {  	_ =	shalt  }
0x58: {  	_ =	shalt  }
0x59: {  	_ =	shalt  }
0x5a: {  	_ =	shalt  }
0x5b: {  	_ =	shalt  }
0x5c: {  	_ =	shalt  }
0x5d: {  	_ =	shalt  }
0x5e: {  	_ =	shalt  }
0x5f: {  	_ =	shalt  }
0x60: {  	_ =	shalt  }
0x61: {  	_ =	shalt  }
0x62: {  	_ =	shalt  }
0x63: {  	_ =	shalt  }
0x64: {  	_ =	shalt  }
0x65: {  	_ =	shalt  }
0x66: {  	_ =	shalt  }
0x67: {  	_ =	shalt  }
0x68: {  	_ =	shalt  }
0x69: {  	_ =	shalt  }
0x6a: {  	_ =	shalt  }
0x6b: {  	_ =	shalt  }
0x6c: {  	_ =	shalt  }
0x6d: {  	_ =	shalt  }
0x6e: {  	_ =	shalt  }
0x6f: {  	_ =	shalt  }
0x70: {  	_ =	shalt  }
0x71: {  	_ =	shalt  }
0x72: {  	_ =	shalt  }
0x73: {  	_ =	shalt  }
0x74: {  	_ =	shalt  }
0x75: {  	_ =	shalt  }
0x76: {  	_ =	shalt  }
0x77: {  	_ =	shalt  }
0x78: {  	_ =	shalt  }
0x79: {  	_ =	shalt  }
0x7a: {  	_ =	shalt  }
0x7b: {  	_ =	shalt  }
0x7c: {  	_ =	shalt  }
0x7d: {  	_ =	shalt  }
0x7e: {  	_ =	shalt  }
0x7f: {  	_ =	shalt  }
0x80: {  	_ =	shalt  }
0x81: {  	_ =	shalt  }
0x82: {  	_ =	shalt  }
0x83: {  	_ =	shalt  }
0x84: {  	_ =	shalt  }
0x85: {  	_ =	shalt  }
0x86: {  	_ =	shalt  }
0x87: {  	_ =	shalt  }
.Lfunc_end0:
.L_simem_size_0:
called_computation.1_lowered:
.L_overlay_start_0:
0x88: {  	s2 =	sld [smem:$0x3FD9]  }
0x89: {  	s3 =	sld [smem:$0x3FFE];
	_ =	sdelay $0x1  }
0x8a: {  	s1 =	srdreg.scid  }
0x8b: {  	s0 =	sand.u32 $0x1, s1  }
0x8c: {  	s17 =	sshll.u32 s0, $0xA;
	s2 =	sadd.s32 s3, s2  }
0x8d: {  	s2 =	sadd.s32 s2, s17  }
0x8e: {  	[smem:$0x3FB8] =	sst s2  }
0x8f: {  	_ = 	snop  }
0x90: {  	s18 =	sld [smem:$0x3FC9]  }
0x91: {  	s4 =	sld [smem:$0x3FC8]  }
0x92: {  	s5 =	sld [smem:$0x3FBD]  }
0x93: {  	s6 =	sld [smem:$0x3FBC];
	(tm) =	ssettm $0x1  }
0x94: {  	s19 =	sld [smem:$0x3FFB];
	_ =	sdelay $0x3  }
0x95: {  	_ =	strace s19  }
0x96: {  	s2 =	sld [smem:$0x3FFC];
	_ =	sdelay $0x3  }
0x97: {  	_ =	strace s2  }
0x98: {  	s2 =	sld [smem:$0x3FFD];
	_ =	sdelay $0x3  }
0x99: {  	_ =	strace s2  }
0x9a: {  	_ =	strace $0x8FFFFFFF  }
0x9b: {  	s20 =	sld [smem:$0x3FDB];
	_ =	sdelay $0x1  }
0x9c: {  	s7 =	simm.s32 $_scs_section_size  }
0x9d: {  	s8 =	simm.s32 $_size__tile_overlayer_lowered;
	s9 =	simm.s32 $_tile_overlayer_lowered  }
0x9e: {  	s10 =	simm.s32 $0x1BFF;
	s21 =	sshll.u32 s9, $0x1;
	s7 =	sadd.s32 s7, s20  }
0x9f: {  	s22 =	simm.s32 $0x0;
	s8 =	sshll.u32 s8, $0x1;
	s9 =	sadd.s32 s21, s7  }
0xa0: {  	[timem:s22], [sflag:s10] =	dma.local [hbm:s9], s8  }
0xa1: {  	_ =	swait.ge [sflag:s10], s8  }
0xa2: {  	s8 =	ssub.s32 $0x0, s8;
	[sflag:s10] =	ssyncset.done $0x0  }
0xa3: {  	[sflag:s10] =	ssyncadd.s32 s8;
	_ =	sdelay $0x1  }
0xa4: {  	s23 =	simm.s32 $0x1B8B  }
0xa5: {  	_ =	swait.ge [sflag:s23], $0x1  }
0xa6: {  	[sflag:s23] =	ssyncset.done $0x0  }
0xa7: {  	[sflag:s23] =	ssyncadd.s32 $0xFFFFFFFF  }
0xa8: {  	s8 =	sld [smem:$0x0]  }
0xa9: {  	s9 =	sand.u32 $0xFFFFFFFE, s1  }
0xaa: {  	p0 =	sne.s32 s1, s9  }
0xab: {  	s9 =	sshll.u32 @p0 s9, $0xE  }
0xac: {  	s9 =	sadd.s32 @p0 $0x11B8D, s9;
	s10 =	sshll.u32 @p0 s8, $0x11  }
0xad: {  	s9 =	sor.u32 @p0 s10, s9  }
0xae: {  	[sflag:s9] =	ssyncadd.remote.s32 @p0 $0x1;
	_ =	sdelay $0x1  }
0xaf: {  	s9 =	simm.s32 @p0 $0x1B8D  }
0xb0: {  	_ =	swait.eq @p0 [sflag:s9], $0x1  }
0xb1: {  	[sflag:s9] =	ssyncadd.s32 @p0 $0xFFFFFFFF  }
0xb2: {  	s10 =	sshll.u32 @!p0 s1, $0xE  }
0xb3: {  	s10 =	sor.u32 @!p0 $0x4000, s10;
	s9 =	simm.s32 @!p0 $0x1B8D  }
0xb4: {  	s8 =	sshll.u32 @!p0 s8, $0x11;
	s10 =	sadd.s32 @!p0 $0x11B8D, s10;
	_ =	swait.eq @!p0 [sflag:s9], $0x1  }
0xb5: {  	s8 =	sor.u32 @!p0 s8, s10;
	[sflag:s9] =	ssyncadd.s32 @!p0 $0xFFFFFFFF  }
0xb6: {  	s25 =	simm.s32 $0x1B8E;
	s24 =	sld [smem:$0x3FFE];
	[sflag:s8] =	ssyncadd.remote.s32 @!p0 $0x1  }
0xb7: {  	s26 =	simm.s32 $execute0_lowered;
	[smem:$0x3FD2] =	sst s25  }
0xb8: {  	s9 =	sshll.u32 s26, $0x1;
	_ =	strace $0x80000049;
	[dreg:$0x1] =	wrdreg $0xFFFFFFFF  }
0xb9: {  	s28 =	simm.s32 $_size_execute0_lowered;
	s7 =	sadd.s32 s7, s9;
	[dreg:$0x0] =	wrdreg $0x0  }
0xba: {  	s9 =	sshll.u32 s28, $0x1;
	[dreg:$0x2] =	wrdreg s7  }
0xbb: {  	[dreg:$0x3] =	wrdreg s9  }
0xbc: {  	[dreg:$0x4] =	wrdreg $0xC0  }
0xbd: {  	_ =	task [dreg:s22], $0x5FFFF  }
0xbe: {  	[dreg:$0x1] =	wrdreg $0xFFFFFFFF  }
0xbf: {  	[dreg:$0x0] =	wrdreg $0x60  }
0xc0: {  	[dreg:$0x2] =	wrdreg s18  }
0xc1: {  	[dreg:$0x3] =	wrdreg s4  }
0xc2: {  	[dreg:$0x4] =	wrdreg s5  }
0xc3: {  	[dreg:$0x5] =	wrdreg s6  }
0xc4: {  	[dreg:$0x6] =	wrdreg s24  }
0xc5: {  	[dreg:$0x7] =	wrdreg $0xA  }
0xc6: {  	_ =	task.clear_ibuf [dreg:s22], $0x8FFFF;
	_ =	strace $0x90000049  }
0xc7: {  	s29 =	simm.s32 $0xA;
	_ =	strace $0x8000004B  }
0xc8: {  	_ =	swait.ge [sflag:s29], $0x1  }
0xc9: {  	[sflag:s29] =	ssyncadd.s32 $0xFFFFFFFF  }
0xca: {  	_ =	strace $0x9000004B  }
0xcb: {  	_ =	sfence  }
0xcc: {  	s30 =	sld [smem:$0x0];
	_ =	sdelay $0x2  }
0xcd: {  	s31 =	sshll.u32 s1, $0xD;
	s1 =	sshrl.u32 s1, $0x2  }
0xce: {  	s4 =	sand.u32 $0x4000, s31;
	s1 =	sadd.s32 s1, s30  }
0xcf: {  	s0 =	sor.u32 s4, s0;
	s1 =	sshll.u32 s1, $0x11  }
0xd0: {  	s0 =	sor.u32 s1, s0  }
0xd1: {  	s0 =	sadd.s32 $0x8F2B, s0  }
0xd2: {  	[sflag:s0] =	ssyncadd.remote.s32 $0x1  }
0xd3: {  	_ =	sfence.sel $0xFFFF  }
0xd4: {  	[dreg:$0x0] =	wrdreg $0xFFFFFFFF;
	(pc) =	sbr.abs _section_cstart, $3  }
0xd5: {  	[dreg:$0x1] =	wrdreg $0xFFFFFFFF  }
0xd6: {  	_ =	task.clear_ibuf [dreg:s22], $0x2FFFF;
	_ =	strace $0x9FFFFFFF  }
0xd7: {  	(tm) =	ssettm $0x7FFFFFFF  }
tec
execute0_lowered:
.L_overlay_start_1:
0x0: {  	(tag) =	ssettag $0x1  }
0x1: {  	s1 =	rddreg [dreg:$0x0]  }
0x2: {  	s3 =	rddreg [dreg:$0x1]  }
0x3: {  	s7 =	rddreg [dreg:$0x2]  }
0x4: {  	s5 =	rddreg [dreg:$0x3]  }
0x5: {  	s6 =	rddreg [dreg:$0x4]  }
0x6: {  	s2 =	stileid.u32;
	s0 =	rddreg [dreg:$0x5]  }
0x7: {  	s4 =	simm.s32 $0x0;
	s9 =	srdreg.scid;
	s13 =	simm.s32 $0x2000  }
0x8: {  	s14 =	simm.s32 $0x1A700;
	s15 =	simm.s32 $0x0;
	s8 =	sshll.u32 s2, $0x1  }
0x9: {  	[smem:$0x7FF] =	sst s4;
	s9 =	sand.u32 $0x1, s9;
	s11 =	sshrl.u32 s2, $0x2  }
0xa: {  	p0 =	sgt.u32 s2, $0x7;
	s10 =	sadd.s32 $0xFFFFFFF0, s8;
	_ =	strace $0x8000004A  }
0xb: {  	s8 =	sor.u32 s9, s8;
	s11 =	smul.u32 $0xC3800, s11;
	s9 =	ssub.s32 $0x2, s9  }
0xc: {  	s10 =	sshrl.u32 s10, $0x3;
	s12 =	sshll.u32 s8, $0x9;
	s8 =	sshll.u32 s8, $0x7  }
0xd: {  	s31 =	sshrl.u32 s9, $0x1;
	s10 =	smul.u32 $0xC3800, s10;
	s6 =	sadd.s32 s12, s6  }
.Ltmp0:
0xe: {  	s8 =	sand.u32 $0x380, s8;
	s9 =	ssub.s32 s9, s31;
	(pc) =	sbr.rel .LBB2_1-.Ltmp0, $4  }
0xf: {  	s12 =	simm.s32 $0x400;
	s10 =	sor.u32 s8, s10;
	s8 =	sor.u32 s11, s8  }
0x10: {  	s6 =	sadd.s32 $0x19200, s6;
	s10 =	sshrl.u32 s10, $0x3;
	s8 =	sshrl.u32 s8, $0x3  }
0x11: {  	s11 =	simm.s32 $0x80;
	s5 =	sadd.s32 s5, s10;
	s7 =	sadd.s32 s7, s8  }
0x12: {  	s8 =	smax.u32 s9, $0x1;
	s9 =	simm.s32 $0x1;
	s10 =	simm.s32 $0x1000  }
.LBB2_7:
0x13: {  	v1 =	vld [tilespmem:s17+$0x1000];
	_ =	sdelay $0x6  }
0x14: {  	[tilespmem:s16+$0x1A700] =	vst v0  }
0x15: {  	v0 =	vld.idx.msk [tilespmem:v1+s13+$0x0], $0xffff;
	_ =	sdelay $0x4  }
0x16: {  	[tilespmem:s17+$0x1A700] =	vst v0  }
.LBB2_8:
0x17: {  	s15 =	sadd.s32 $0x1, s15  }
0x18: {  	p1 =	sne.s32 s15, s8  }
.Ltmp1:
0x19: {  	_ = 	snop;
	(pc) =	sbr.rel @!p1 .LBB2_9-.Ltmp1, $4  }
0x1a: {  	[hbm4b:s6+s4] =	stream.linear.scatter [tilespmem:s14], [sflag:$0x1], $0x1000, $0x38;
	[tilespmem:$0x1B700] =	vst v63  }
0x1b: {  	_ =	swait.ge [sflag:s9], $0x1000  }
0x1c: {  	[sflag:s9] =	ssyncset.done $0x0  }
0x1d: {  	[sflag:s9] =	ssyncadd.s32 $0xFFFFF000  }
.LBB2_1:
0x1e: {  	[tilespmem:s4], [sflag:$0x1] =	stream.linear.gather [hbm4b:s1+s4], $0x1000, $0x38;
	[tilespmem:$0x1B700] =	vst v63  }
0x1f: {  	_ =	swait.ge [sflag:s9], $0x1000  }
0x20: {  	[sflag:s9] =	ssyncset.done $0x0  }
.Ltmp2:
0x21: {  	[sflag:s9] =	ssyncadd.s32 $0xFFFFF000;
	(pc) =	sbr.rel @p0 .LBB2_5-.Ltmp2, $4  }
0x22: {  	[tilespmem:s10], [sflag:$0x1] =	stream.linear.gather [hbm4b:s3+s4], $0x1000, $0x38;
	[tilespmem:$0x1B700] =	vst v63  }
0x23: {  	_ =	swait.ge [sflag:s9], $0x1000  }
0x24: {  	[sflag:s9] =	ssyncset.done $0x0  }
0x25: {  	[sflag:s9] =	ssyncadd.s32 $0xFFFFF000  }
0x26: {  	[tilespmem:s13], [sflag:$0x1] =	stream.strided.gather [hbm4b:s7+s11], $0x18700, s12, s11, $0x38;
	[tilespmem:$0x1B700] =	vst v63  }
0x27: {  	_ =	swait.ge [sflag:s9], $0x18700  }
0x28: {  	[sflag:s9] =	ssyncset.done $0x0  }
0x29: {  	s16 =	simm.s32 $0x0;
	[sflag:s9] =	ssyncadd.s32 $0xFFFE7900  }
0x2a: {  	v0 =	vld [tilespmem:s16+$0x0];
	_ =	sdelay $0x7  }
0x2b: {  	s17 =	simm.s32 $0x10;
	s18 =	simm.s32 $0x80;
	v0 =	vld.idx.msk [tilespmem:v0+s13+$0x0], $0xffff  }
.LBB2_3:
0x2c: {  	p1 =	seq.s32 s18, $0x3FC0;
	v1 =	vld [tilespmem:s17+$0x0];
	_ =	sdelay $0x3  }
.Ltmp3:
0x2d: {  	(pc) =	sbr.rel @!p1 .LBB2_3-.Ltmp3, $2  }
0x2e: {  	[tilespmem:s16+$0x1A700] =	vst v0;
	s16 =	smov.u32 s17;
	_ =	sdelay $0x2  }
0x2f: {  	s17 =	sshra.s32 s18, $0x2;
	s18 =	sadd.s32 $0x40, s18;
	v0 =	vld.idx.msk [tilespmem:v1+s13+$0x0], $0xffff  }
0x30: {  	v1 =	vld [tilespmem:s17+$0x0];
	_ =	sdelay $0x6  }
0x31: {  	[tilespmem:s16+$0x1A700] =	vst v0  }
0x32: {  	v0 =	vld.idx.msk [tilespmem:v1+s13+$0x0], $0xffff  }
.Ltmp4:
0x33: {  	_ = 	snop;
	(pc) =	sbr.rel .LBB2_8-.Ltmp4, $2  }
0x34: {  	_ =	sdelay $0x2  }
0x35: {  	[tilespmem:s17+$0x1A700] =	vst v0  }
.LBB2_5:
0x36: {  	[tilespmem:s13], [sflag:$0x1] =	stream.strided.gather [hbm4b:s5+s11], $0x18700, s12, s11, $0x38;
	[tilespmem:$0x1B700] =	vst v63  }
0x37: {  	_ =	swait.ge [sflag:s9], $0x18700  }
0x38: {  	[sflag:s9] =	ssyncset.done $0x0  }
0x39: {  	s16 =	simm.s32 $0x0;
	[sflag:s9] =	ssyncadd.s32 $0xFFFE7900  }
0x3a: {  	v0 =	vld [tilespmem:s16+$0x1000];
	_ =	sdelay $0x7  }
0x3b: {  	s17 =	simm.s32 $0x10;
	s18 =	simm.s32 $0x80;
	v0 =	vld.idx.msk [tilespmem:v0+s13+$0x0], $0xffff  }
.LBB2_6:
0x3c: {  	p1 =	sne.s32 s18, $0x3FC0;
	v1 =	vld [tilespmem:s17+$0x1000];
	_ =	sdelay $0x3  }
.Ltmp5:
0x3d: {  	(pc) =	sbr.rel @p1 .LBB2_6-.Ltmp5, $2  }
0x3e: {  	[tilespmem:s16+$0x1A700] =	vst v0;
	s16 =	smov.u32 s17;
	_ =	sdelay $0x2  }
0x3f: {  	s17 =	sshra.s32 s18, $0x2;
	s18 =	sadd.s32 $0x40, s18;
	v0 =	vld.idx.msk [tilespmem:v1+s13+$0x0], $0xffff  }
.Ltmp6:
0x40: {  	_ = 	snop;
	(pc) =	sbr.rel .LBB2_7-.Ltmp6, $1  }
0x41: {  	_ =	sdelay $0x3  }
.LBB2_9:
0x42: {  	_ =	sfence.sel $0x180000  }
0x43: {  	[bflag:$0x0] =	sbarrier.arrive $0xFFFF  }
0x44: {  	p0 =	sne.s32 s2, $0x0;
	_ =	strace $0x9000004A  }
0x45: {  	s0 =	sadd.s32 @!p0 $0x100000, s0;
	[bflag:$0x2] =	sbarrier.arrive $0xFFFF  }
0x46: {  	[sflag:s0] =	ssyncadd.tile.s32 @!p0 $0x1;
	_ =	shalt  }
.Lfunc_end2:
_tile_overlayer_lowered:
.L_overlay_start_2:
0x47: {  	(tag) =	ssettag $0x2  }
0x48: {  	s0 =	rddreg [dreg:$0x0];
	s2 =	stileid.u32  }
0x49: {  	s1 =	rddreg [dreg:$0x1];
	p0 =	sne.s32 s2, $0x0  }
0x4a: {  	s3 =	rddreg [dreg:$0x2];
	[bflag:$0x3] =	sbarrier.arrive $0xFFFF;
	s2 =	simm.s32 @!p0 $0x1C01  }
0x4b: {  	[timem:s3], [sflag:s2] =	dma.local @!p0 [hbm:s0], s1  }
0x4c: {  	s0 =	simm.s32 @!p0 $0x1  }
0x4d: {  	_ =	swait.ge @!p0 [sflag:s0], s1  }
0x4e: {  	s1 =	ssub.s32 @!p0 $0x0, s1;
	[sflag:s0] =	ssyncset.done @!p0 $0x0  }
0x4f: {  	[sflag:s0] =	ssyncadd.s32 @!p0 s1  }
0x50: {  	[bflag:$0x3] =	sbarrier.arrive $0xFFFF  }
0x51: {  	_ =	shalt  }

</sc_bundles>
